<compile_context>
chip_gen: v7x
topology: tpu7x:2x2x1
jax: 0.10.2.dev20260603
libtpu: 0.0.44.dev20260713+nightly
codegen_flags: <defaults>
</compile_context>

<pallas_src>
import functools
import math

import jax
import jax.numpy as jnp
from jax import lax
from jax.experimental import pallas as pl
from jax.experimental.pallas import tpu as pltpu
from jax.experimental.pallas import tpu_sc as plsc

B, L, V, D, P = 4096, 200, 100000, 128, 512
N = B * L
NW = 32
TOK_PER_W = N // NW
CHUNK = 128
N_CHUNKS = TOK_PER_W // CHUNK
K = D // 16
EPS = 1e-5 / D
U = 2


def _rsqrt(v):
    bits = plsc.bitcast(v, jnp.int32)
    y = plsc.bitcast(jnp.int32(0x5F3759DF) - (bits >> 1), jnp.float32)
    for _ in range(3):
        y = y * (1.5 - 0.5 * v * y * y)
    return y


_mesh = plsc.VectorSubcoreMesh(core_axis_name="c", subcore_axis_name="s")


@functools.partial(
    pl.kernel,
    mesh=_mesh,
    out_type=jax.ShapeDtypeStruct((N, D), jnp.float32),
    compiler_params=pltpu.CompilerParams(needs_layout_passes=False),
    scratch_types=[
        pltpu.VMEM((2, CHUNK), jnp.int32),
        pltpu.VMEM((2, CHUNK), jnp.int32),
        pltpu.VMEM((2, CHUNK, D), jnp.float32),
        pltpu.VMEM((2, CHUNK, D), jnp.float32),
        pltpu.VMEM((2, CHUNK, D), jnp.float32),
        pltpu.VMEM((D,), jnp.float32),
        pltpu.VMEM((D,), jnp.float32),
        pltpu.SemaphoreType.DMA,
        pltpu.SemaphoreType.DMA,
        pltpu.SemaphoreType.DMA,
        pltpu.SemaphoreType.DMA,
        pltpu.SemaphoreType.DMA,
        pltpu.SemaphoreType.DMA,
    ],
)
def _embed_ln(ids_hbm, ord_hbm, wtab_hbm, pe_hbm, gamma_hbm, beta_hbm,
              out_hbm, ids_v, ord_v, x_v, p_v, o_v, g_v, b_v,
              si0, si1, sg0, sg1, so0, so1):
    sem_i = (si0, si1)
    sem_g = (sg0, sg1)
    sem_o = (so0, so1)
    wid = lax.axis_index("s") * 2 + lax.axis_index("c")
    base0 = wid * TOK_PER_W
    pltpu.sync_copy(gamma_hbm, g_v)
    pltpu.sync_copy(beta_hbm, b_v)
    gk = [g_v[pl.ds(k * 16, 16)] for k in range(K)]
    bk = [b_v[pl.ds(k * 16, 16)] for k in range(K)]

    def issue_ids(ci, p):
        base = base0 + ci * CHUNK
        pltpu.async_copy(ids_hbm.at[pl.ds(base, CHUNK)], ids_v.at[p], sem_i[p])
        pltpu.async_copy(ord_hbm.at[pl.ds(base, CHUNK)], ord_v.at[p], sem_i[p])

    def wait_ids(p):
        pltpu.make_async_copy(ids_hbm.at[pl.ds(0, CHUNK)], ids_v.at[p],
                              sem_i[p]).wait()
        pltpu.make_async_copy(ord_hbm.at[pl.ds(0, CHUNK)], ord_v.at[p],
                              sem_i[p]).wait()

    def issue_gathers(p):
        pltpu.async_copy(wtab_hbm.at[ids_v.at[p]], x_v.at[p], sem_g[p])
        pltpu.async_copy(pe_hbm.at[ord_v.at[p]], p_v.at[p], sem_g[p])

    def wait_gathers(p):
        pltpu.make_async_copy(wtab_hbm.at[ids_v.at[p]], x_v.at[p],
                              sem_g[p]).wait()
        pltpu.make_async_copy(pe_hbm.at[ord_v.at[p]], p_v.at[p],
                              sem_g[p]).wait()

    def wait_out(p):
        pltpu.make_async_copy(o_v.at[p], out_hbm.at[pl.ds(0, CHUNK)],
                              sem_o[p]).wait()

    issue_ids(0, 0)
    issue_ids(1, 1)
    wait_ids(0)
    issue_gathers(0)

    def outer(ii, _):
        for p in range(2):
            ci = 2 * ii + p
            wait_gathers(p)

            @pl.when(ci + 2 < N_CHUNKS)
            def _():
                issue_ids(ci + 2, p)

            @pl.when(ci + 1 < N_CHUNKS)
            def _():
                wait_ids(1 - p)
                issue_gathers(1 - p)

            @pl.when(ci >= 2)
            def _():
                wait_out(p)

            def tok(i, c):
                for j in range(U):
                    t = i * U + j
                    x = [
                        x_v[p, t, pl.ds(k * 16, 16)]
                        + p_v[p, t, pl.ds(k * 16, 16)]
                        for k in range(K)
                    ]
                    s = x[0]
                    q = x[0] * x[0]
                    for k in range(1, K):
                        s = s + x[k]
                        q = q + x[k] * x[k]
                    tot = jnp.sum(s)
                    totq = jnp.sum(q)
                    mean = tot * (1.0 / D)
                    var = totq * (1.0 / D) - mean * mean
                    mean16 = jnp.full((16,), mean, jnp.float32)
                    rstd16 = _rsqrt(jnp.full((16,), var + EPS, jnp.float32))
                    for k in range(K):
                        y = (x[k] - mean16) * rstd16 * gk[k] + bk[k]
                        o_v[p, t, pl.ds(k * 16, 16)] = y
                return c

            lax.fori_loop(0, CHUNK // U, tok, 0)
            base = base0 + ci * CHUNK
            pltpu.async_copy(o_v.at[p], out_hbm.at[pl.ds(base, CHUNK)],
                             sem_o[p])
        return 0

    lax.fori_loop(0, N_CHUNKS // 2, outer, 0)
    wait_out(0)
    wait_out(1)


def kernel(masked_token_ids, visit_concept_orders, word_embeddings, pe,
           gamma, beta):
    ids = masked_token_ids.reshape(-1).astype(jnp.int32)
    orders = visit_concept_orders.reshape(-1).astype(jnp.int32)
    pe_s = (pe * (1.0 / math.sqrt(D))).astype(jnp.float32)
    out = _embed_ln(ids, orders, word_embeddings, pe_s,
                    gamma.astype(jnp.float32), beta.astype(jnp.float32))
    return out.reshape(masked_token_ids.shape[0], masked_token_ids.shape[1], D)

# --- scband reference (transcript-rebuilt; emitter-appended) ---
"""Pipeline reference for scband-joint-embedding-14250701488800 (READ-ONLY COPY).

The authoritative reference and input builder live on the scoring server;
editing this copy changes nothing except your own understanding.
"""

import math
import jax, jax.numpy as jnp
import numpy as np

B, L, V, D, P = 4096, 200, 100000, 128, 512

def _make_pe(num_embeddings, embedding_dim):
    position = np.arange(num_embeddings, dtype=np.float64)[:, None]
    div_term = np.exp(np.arange(0, embedding_dim, 2, dtype=np.float64) * (-math.log(10000.0) / embedding_dim))
    pe = np.zeros((num_embeddings, embedding_dim), dtype=np.float32)
    pe[:, 0::2] = np.sin(position * div_term)
    pe[:, 1::2] = np.cos(position * div_term)
    return jnp.asarray(pe)

def setup_inputs(seed: int = 0) -> dict:
    key = jax.random.key(seed)
    k1, k2, k3 = jax.random.split(key, 3)
    masked_token_ids = jax.random.randint(k1, (B, L), 0, V, dtype=jnp.int64) if jax.config.jax_enable_x64 else jax.random.randint(k1, (B, L), 0, V, dtype=jnp.int32)
    visit_concept_orders = jax.random.randint(k2, (B, L), 0, P, dtype=jnp.int32)
    word_embeddings = jax.random.normal(k3, (V, D), dtype=jnp.float32) * 0.02
    word_embeddings = word_embeddings.at[0].set(0.0)  # padding_idx=0
    pe = _make_pe(P, D)
    gamma = jnp.ones((D,), dtype=jnp.float32)
    beta = jnp.zeros((D,), dtype=jnp.float32)
    return {"masked_token_ids": masked_token_ids, "visit_concept_orders": visit_concept_orders,
            "word_embeddings": word_embeddings, "pe": pe, "gamma": gamma, "beta": beta}

def _layer_norm(x, gamma, beta, eps=1e-5):
    mean = jnp.mean(x, axis=-1, keepdims=True)
    var = jnp.mean(jnp.square(x - mean), axis=-1, keepdims=True)
    xhat = (x - mean) / jnp.sqrt(var + eps)
    return gamma * xhat + beta

def reference(masked_token_ids, visit_concept_orders, word_embeddings, pe, gamma, beta):
    d = word_embeddings.shape[1]
    inputs_embeds = jnp.take(word_embeddings, masked_token_ids, axis=0) * math.sqrt(d)
    position_embeddings = jnp.take(pe, visit_concept_orders, axis=0)
    embeddings = inputs_embeds + position_embeddings
    embeddings = _layer_norm(embeddings, gamma, beta)
    # dropout is identity in eval mode
    return embeddings

if __name__ == "__main__":
    import jax
    _d = setup_inputs()
    print(jax.jit(kernel)(*tuple(_d.values())))

</pallas_src>

<mosaic_0001>
#map = affine_map<(d0, d1) -> (0)>
#map1 = affine_map<(d0, d1) -> (0, 0)>
module attributes {stable_mosaic.version = 14 : i64} {
  func.func @_embed_ln(%arg0: i32, %arg1: i32, %arg2: memref<819200xi32, #tpu.memory_space<hbm>>, %arg3: memref<819200xi32, #tpu.memory_space<hbm>>, %arg4: memref<100000x128xf32, #tpu.memory_space<hbm>>, %arg5: memref<512x128xf32, #tpu.memory_space<hbm>>, %arg6: memref<128xf32, #tpu.memory_space<hbm>>, %arg7: memref<128xf32, #tpu.memory_space<hbm>>, %arg8: memref<819200x128xf32, #tpu.memory_space<hbm>>, %arg9: memref<2x128xi32, #tpu.memory_space<vmem>>, %arg10: memref<2x128xi32, #tpu.memory_space<vmem>>, %arg11: memref<2x128x128xf32, #tpu.memory_space<vmem>>, %arg12: memref<2x128x128xf32, #tpu.memory_space<vmem>>, %arg13: memref<2x128x128xf32, #tpu.memory_space<vmem>>, %arg14: memref<128xf32, #tpu.memory_space<vmem>>, %arg15: memref<128xf32, #tpu.memory_space<vmem>>, %arg16: memref<!tpu.dma_semaphore, #tpu.memory_space<semaphore_mem>>, %arg17: memref<!tpu.dma_semaphore, #tpu.memory_space<semaphore_mem>>, %arg18: memref<!tpu.dma_semaphore, #tpu.memory_space<semaphore_mem>>, %arg19: memref<!tpu.dma_semaphore, #tpu.memory_space<semaphore_mem>>, %arg20: memref<!tpu.dma_semaphore, #tpu.memory_space<semaphore_mem>>, %arg21: memref<!tpu.dma_semaphore, #tpu.memory_space<semaphore_mem>>) attributes {dimension_semantics = [#tpu.dimension_semantics<core_parallel>, #tpu.dimension_semantics<subcore_parallel>], iteration_bounds = array<i64: 2, 16>, scalar_prefetch = 0 : i64, scratch_operands = 13 : i64, tpu.core_type = #tpu.core_type<sc_vector_subcore>, window_params = [{transform_indices = #map}, {transform_indices = #map}, {transform_indices = #map1}, {transform_indices = #map1}, {transform_indices = #map}, {transform_indices = #map}, {transform_indices = #map1}]} {
    %mul3A = arith.constant 2 : i32
    %mul3A_0 = arith.muli %arg1, %mul3A : i32
    %add3A = arith.addi %mul3A_0, %arg0 : i32
    %mul3A_1 = arith.constant 25600 : i32
    %mul3A_2 = arith.muli %add3A, %mul3A_1 : i32
    "tpu.region"() ({
      %run_scoped3A = tpu.sem_alloc : memref<!tpu.dma_semaphore, #tpu.memory_space<semaphore_mem>>
      tpu.enqueue_dma source(%arg6 : memref<128xf32, #tpu.memory_space<hbm>>) target(%arg14 : memref<128xf32, #tpu.memory_space<vmem>>) target_semaphore(%run_scoped3A : memref<!tpu.dma_semaphore, #tpu.memory_space<semaphore_mem>>)
      tpu.wait_dma2 semaphore(%run_scoped3A : memref<!tpu.dma_semaphore, #tpu.memory_space<semaphore_mem>>) src(%arg6 : memref<128xf32, #tpu.memory_space<hbm>>) dst(%arg14 : memref<128xf32, #tpu.memory_space<vmem>>)
      tpu.yield
    }) : () -> ()
    "tpu.region"() ({
      %run_scoped3A = tpu.sem_alloc : memref<!tpu.dma_semaphore, #tpu.memory_space<semaphore_mem>>
      tpu.enqueue_dma source(%arg7 : memref<128xf32, #tpu.memory_space<hbm>>) target(%arg15 : memref<128xf32, #tpu.memory_space<vmem>>) target_semaphore(%run_scoped3A : memref<!tpu.dma_semaphore, #tpu.memory_space<semaphore_mem>>)
      tpu.wait_dma2 semaphore(%run_scoped3A : memref<!tpu.dma_semaphore, #tpu.memory_space<semaphore_mem>>) src(%arg7 : memref<128xf32, #tpu.memory_space<hbm>>) dst(%arg15 : memref<128xf32, #tpu.memory_space<vmem>>)
      tpu.yield
    }) : () -> ()
    %get3A = arith.constant 0 : index
    %get3A_3 = tpu.vector_load %arg14[%get3A] {strides = array<i32>} : memref<128xf32, #tpu.memory_space<vmem>>, vector<16xf32>,
    %get3A_4 = arith.constant 16 : index
    %get3A_5 = tpu.vector_load %arg14[%get3A_4] {strides = array<i32>} : memref<128xf32, #tpu.memory_space<vmem>>, vector<16xf32>,
    %get3A_6 = arith.constant 32 : index
    %get3A_7 = tpu.vector_load %arg14[%get3A_6] {strides = array<i32>} : memref<128xf32, #tpu.memory_space<vmem>>, vector<16xf32>,
    %get3A_8 = arith.constant 48 : index
    %get3A_9 = tpu.vector_load %arg14[%get3A_8] {strides = array<i32>} : memref<128xf32, #tpu.memory_space<vmem>>, vector<16xf32>,
    %get3A_10 = arith.constant 64 : index
    %get3A_11 = tpu.vector_load %arg14[%get3A_10] {strides = array<i32>} : memref<128xf32, #tpu.memory_space<vmem>>, vector<16xf32>,
    %get3A_12 = arith.constant 80 : index
    %get3A_13 = tpu.vector_load %arg14[%get3A_12] {strides = array<i32>} : memref<128xf32, #tpu.memory_space<vmem>>, vector<16xf32>,
    %get3A_14 = arith.constant 96 : index
    %get3A_15 = tpu.vector_load %arg14[%get3A_14] {strides = array<i32>} : memref<128xf32, #tpu.memory_space<vmem>>, vector<16xf32>,
    %get3A_16 = arith.constant 112 : index
    %get3A_17 = tpu.vector_load %arg14[%get3A_16] {strides = array<i32>} : memref<128xf32, #tpu.memory_space<vmem>>, vector<16xf32>,
    %get3A_18 = arith.constant 0 : index
    %get3A_19 = tpu.vector_load %arg15[%get3A_18] {strides = array<i32>} : memref<128xf32, #tpu.memory_space<vmem>>, vector<16xf32>,
    %get3A_20 = arith.constant 16 : index
    %get3A_21 = tpu.vector_load %arg15[%get3A_20] {strides = array<i32>} : memref<128xf32, #tpu.memory_space<vmem>>, vector<16xf32>,
    %get3A_22 = arith.constant 32 : index
    %get3A_23 = tpu.vector_load %arg15[%get3A_22] {strides = array<i32>} : memref<128xf32, #tpu.memory_space<vmem>>, vector<16xf32>,
    %get3A_24 = arith.constant 48 : index
    %get3A_25 = tpu.vector_load %arg15[%get3A_24] {strides = array<i32>} : memref<128xf32, #tpu.memory_space<vmem>>, vector<16xf32>,
    %get3A_26 = arith.constant 64 : index
    %get3A_27 = tpu.vector_load %arg15[%get3A_26] {strides = array<i32>} : memref<128xf32, #tpu.memory_space<vmem>>, vector<16xf32>,
    %get3A_28 = arith.constant 80 : index
    %get3A_29 = tpu.vector_load %arg15[%get3A_28] {strides = array<i32>} : memref<128xf32, #tpu.memory_space<vmem>>, vector<16xf32>,
    %get3A_30 = arith.constant 96 : index
    %get3A_31 = tpu.vector_load %arg15[%get3A_30] {strides = array<i32>} : memref<128xf32, #tpu.memory_space<vmem>>, vector<16xf32>,
    %get3A_32 = arith.constant 112 : index
    %get3A_33 = tpu.vector_load %arg15[%get3A_32] {strides = array<i32>} : memref<128xf32, #tpu.memory_space<vmem>>, vector<16xf32>,
    %add3A_34 = arith.constant 0 : i32
    %add3A_35 = arith.addi %mul3A_2, %add3A_34 : i32
    %dma_start3A = arith.constant 0 : i32
    %dma_start3A_36 = arith.constant 0 : i32
    %dma_start3A_37 = tpu.memref_slice %arg9[%dma_start3A, %dma_start3A_36] : memref<2x128xi32, #tpu.memory_space<vmem>> -> memref<1x128xi32, #tpu.memory_space<vmem>>
    %dma_start3A_38 = tpu.memref_squeeze %dma_start3A_37 : memref<1x128xi32, #tpu.memory_space<vmem>> -> memref<128xi32, #tpu.memory_space<vmem>>
    %dma_start3A_39 = tpu.memref_slice %arg2[%add3A_35] : memref<819200xi32, #tpu.memory_space<hbm>> -> memref<128xi32, #tpu.memory_space<hbm>>
    %dma_start3A_40 = arith.constant 0 : i32
    %dma_start3A_41 = tpu.memref_slice %arg9[%dma_start3A, %dma_start3A_40] : memref<2x128xi32, #tpu.memory_space<vmem>> -> memref<1x128xi32, #tpu.memory_space<vmem>>
    %dma_start3A_42 = tpu.memref_squeeze %dma_start3A_41 : memref<1x128xi32, #tpu.memory_space<vmem>> -> memref<128xi32, #tpu.memory_space<vmem>>
    %dma_start3A_43 = tpu.memref_slice %arg2[%add3A_35] : memref<819200xi32, #tpu.memory_space<hbm>> -> memref<128xi32, #tpu.memory_space<hbm>>
    tpu.enqueue_dma source(%dma_start3A_43 : memref<128xi32, #tpu.memory_space<hbm>>) target(%dma_start3A_42 : memref<128xi32, #tpu.memory_space<vmem>>) target_semaphore(%arg16 : memref<!tpu.dma_semaphore, #tpu.memory_space<semaphore_mem>>)
    %dma_start3A_44 = arith.constant 0 : i32
    %dma_start3A_45 = arith.constant 0 : i32
    %dma_start3A_46 = tpu.memref_slice %arg10[%dma_start3A_44, %dma_start3A_45] : memref<2x128xi32, #tpu.memory_space<vmem>> -> memref<1x128xi32, #tpu.memory_space<vmem>>
    %dma_start3A_47 = tpu.memref_squeeze %dma_start3A_46 : memref<1x128xi32, #tpu.memory_space<vmem>> -> memref<128xi32, #tpu.memory_space<vmem>>
    %dma_start3A_48 = tpu.memref_slice %arg3[%add3A_35] : memref<819200xi32, #tpu.memory_space<hbm>> -> memref<128xi32, #tpu.memory_space<hbm>>
    %dma_start3A_49 = arith.constant 0 : i32
    %dma_start3A_50 = tpu.memref_slice %arg10[%dma_start3A_44, %dma_start3A_49] : memref<2x128xi32, #tpu.memory_space<vmem>> -> memref<1x128xi32, #tpu.memory_space<vmem>>
    %dma_start3A_51 = tpu.memref_squeeze %dma_start3A_50 : memref<1x128xi32, #tpu.memory_space<vmem>> -> memref<128xi32, #tpu.memory_space<vmem>>
    %dma_start3A_52 = tpu.memref_slice %arg3[%add3A_35] : memref<819200xi32, #tpu.memory_space<hbm>> -> memref<128xi32, #tpu.memory_space<hbm>>
    tpu.enqueue_dma source(%dma_start3A_52 : memref<128xi32, #tpu.memory_space<hbm>>) target(%dma_start3A_51 : memref<128xi32, #tpu.memory_space<vmem>>) target_semaphore(%arg16 : memref<!tpu.dma_semaphore, #tpu.memory_space<semaphore_mem>>)
    %add3A_53 = arith.constant 128 : i32
    %add3A_54 = arith.addi %mul3A_2, %add3A_53 : i32
    %dma_start3A_55 = arith.constant 1 : i32
    %dma_start3A_56 = arith.constant 0 : i32
    %dma_start3A_57 = tpu.memref_slice %arg9[%dma_start3A_55, %dma_start3A_56] : memref<2x128xi32, #tpu.memory_space<vmem>> -> memref<1x128xi32, #tpu.memory_space<vmem>>
    %dma_start3A_58 = tpu.memref_squeeze %dma_start3A_57 : memref<1x128xi32, #tpu.memory_space<vmem>> -> memref<128xi32, #tpu.memory_space<vmem>>
    %dma_start3A_59 = tpu.memref_slice %arg2[%add3A_54] : memref<819200xi32, #tpu.memory_space<hbm>> -> memref<128xi32, #tpu.memory_space<hbm>>
    %dma_start3A_60 = arith.constant 0 : i32
    %dma_start3A_61 = tpu.memref_slice %arg9[%dma_start3A_55, %dma_start3A_60] : memref<2x128xi32, #tpu.memory_space<vmem>> -> memref<1x128xi32, #tpu.memory_space<vmem>>
    %dma_start3A_62 = tpu.memref_squeeze %dma_start3A_61 : memref<1x128xi32, #tpu.memory_space<vmem>> -> memref<128xi32, #tpu.memory_space<vmem>>
    %dma_start3A_63 = tpu.memref_slice %arg2[%add3A_54] : memref<819200xi32, #tpu.memory_space<hbm>> -> memref<128xi32, #tpu.memory_space<hbm>>
    tpu.enqueue_dma source(%dma_start3A_63 : memref<128xi32, #tpu.memory_space<hbm>>) target(%dma_start3A_62 : memref<128xi32, #tpu.memory_space<vmem>>) target_semaphore(%arg17 : memref<!tpu.dma_semaphore, #tpu.memory_space<semaphore_mem>>)
    %dma_start3A_64 = arith.constant 1 : i32
    %dma_start3A_65 = arith.constant 0 : i32
    %dma_start3A_66 = tpu.memref_slice %arg10[%dma_start3A_64, %dma_start3A_65] : memref<2x128xi32, #tpu.memory_space<vmem>> -> memref<1x128xi32, #tpu.memory_space<vmem>>
    %dma_start3A_67 = tpu.memref_squeeze %dma_start3A_66 : memref<1x128xi32, #tpu.memory_space<vmem>> -> memref<128xi32, #tpu.memory_space<vmem>>
    %dma_start3A_68 = tpu.memref_slice %arg3[%add3A_54] : memref<819200xi32, #tpu.memory_space<hbm>> -> memref<128xi32, #tpu.memory_space<hbm>>
    %dma_start3A_69 = arith.constant 0 : i32
    %dma_start3A_70 = tpu.memref_slice %arg10[%dma_start3A_64, %dma_start3A_69] : memref<2x128xi32, #tpu.memory_space<vmem>> -> memref<1x128xi32, #tpu.memory_space<vmem>>
    %dma_start3A_71 = tpu.memref_squeeze %dma_start3A_70 : memref<1x128xi32, #tpu.memory_space<vmem>> -> memref<128xi32, #tpu.memory_space<vmem>>
    %dma_start3A_72 = tpu.memref_slice %arg3[%add3A_54] : memref<819200xi32, #tpu.memory_space<hbm>> -> memref<128xi32, #tpu.memory_space<hbm>>
    tpu.enqueue_dma source(%dma_start3A_72 : memref<128xi32, #tpu.memory_space<hbm>>) target(%dma_start3A_71 : memref<128xi32, #tpu.memory_space<vmem>>) target_semaphore(%arg17 : memref<!tpu.dma_semaphore, #tpu.memory_space<semaphore_mem>>)
    %dma_wait3A = arith.constant 0 : i32
    %dma_wait3A_73 = arith.constant 0 : i32
    %dma_wait3A_74 = tpu.memref_slice %arg9[%dma_wait3A, %dma_wait3A_73] : memref<2x128xi32, #tpu.memory_space<vmem>> -> memref<1x128xi32, #tpu.memory_space<vmem>>
    %dma_wait3A_75 = tpu.memref_squeeze %dma_wait3A_74 : memref<1x128xi32, #tpu.memory_space<vmem>> -> memref<128xi32, #tpu.memory_space<vmem>>
    %dma_wait3A_76 = arith.constant 0 : i32
    %dma_wait3A_77 = tpu.memref_slice %arg2[%dma_wait3A_76] : memref<819200xi32, #tpu.memory_space<hbm>> -> memref<128xi32, #tpu.memory_space<hbm>>
    %dma_wait3A_78 = arith.constant 0 : i32
    %dma_wait3A_79 = tpu.memref_slice %arg9[%dma_wait3A, %dma_wait3A_78] : memref<2x128xi32, #tpu.memory_space<vmem>> -> memref<1x128xi32, #tpu.memory_space<vmem>>
    %dma_wait3A_80 = tpu.memref_squeeze %dma_wait3A_79 : memref<1x128xi32, #tpu.memory_space<vmem>> -> memref<128xi32, #tpu.memory_space<vmem>>
    %dma_wait3A_81 = arith.constant 0 : i32
    %dma_wait3A_82 = tpu.memref_slice %arg2[%dma_wait3A_81] : memref<819200xi32, #tpu.memory_space<hbm>> -> memref<128xi32, #tpu.memory_space<hbm>>
    tpu.wait_dma2 semaphore(%arg16 : memref<!tpu.dma_semaphore, #tpu.memory_space<semaphore_mem>>) src(%dma_wait3A_82 : memref<128xi32, #tpu.memory_space<hbm>>) dst(%dma_wait3A_80 : memref<128xi32, #tpu.memory_space<vmem>>)
    %dma_wait3A_83 = arith.constant 0 : i32
    %dma_wait3A_84 = arith.constant 0 : i32
    %dma_wait3A_85 = tpu.memref_slice %arg10[%dma_wait3A_83, %dma_wait3A_84] : memref<2x128xi32, #tpu.memory_space<vmem>> -> memref<1x128xi32, #tpu.memory_space<vmem>>
    %dma_wait3A_86 = tpu.memref_squeeze %dma_wait3A_85 : memref<1x128xi32, #tpu.memory_space<vmem>> -> memref<128xi32, #tpu.memory_space<vmem>>
    %dma_wait3A_87 = arith.constant 0 : i32
    %dma_wait3A_88 = tpu.memref_slice %arg3[%dma_wait3A_87] : memref<819200xi32, #tpu.memory_space<hbm>> -> memref<128xi32, #tpu.memory_space<hbm>>
    %dma_wait3A_89 = arith.constant 0 : i32
    %dma_wait3A_90 = tpu.memref_slice %arg10[%dma_wait3A_83, %dma_wait3A_89] : memref<2x128xi32, #tpu.memory_space<vmem>> -> memref<1x128xi32, #tpu.memory_space<vmem>>
    %dma_wait3A_91 = tpu.memref_squeeze %dma_wait3A_90 : memref<1x128xi32, #tpu.memory_space<vmem>> -> memref<128xi32, #tpu.memory_space<vmem>>
    %dma_wait3A_92 = arith.constant 0 : i32
    %dma_wait3A_93 = tpu.memref_slice %arg3[%dma_wait3A_92] : memref<819200xi32, #tpu.memory_space<hbm>> -> memref<128xi32, #tpu.memory_space<hbm>>
    tpu.wait_dma2 semaphore(%arg16 : memref<!tpu.dma_semaphore, #tpu.memory_space<semaphore_mem>>) src(%dma_wait3A_93 : memref<128xi32, #tpu.memory_space<hbm>>) dst(%dma_wait3A_91 : memref<128xi32, #tpu.memory_space<vmem>>)
    %dma_start3A_94 = arith.constant 0 : i32
    %dma_start3A_95 = arith.constant 0 : i32
    %dma_start3A_96 = arith.constant 0 : i32
    %dma_start3A_97 = arith.constant 0 : i32
    %dma_start3A_98 = tpu.memref_slice %arg11[%dma_start3A_95, %dma_start3A_96, %dma_start3A_97] : memref<2x128x128xf32, #tpu.memory_space<vmem>> -> memref<1x128x128xf32, #tpu.memory_space<vmem>>
    %dma_start3A_99 = tpu.memref_squeeze %dma_start3A_98 : memref<1x128x128xf32, #tpu.memory_space<vmem>> -> memref<128x128xf32, #tpu.memory_space<vmem>>
    %dma_start3A_100 = arith.constant 0 : i32
    %dma_start3A_101 = tpu.memref_slice %arg9[%dma_start3A_94, %dma_start3A_100] : memref<2x128xi32, #tpu.memory_space<vmem>> -> memref<1x128xi32, #tpu.memory_space<vmem>>
    %dma_start3A_102 = tpu.memref_squeeze %dma_start3A_101 : memref<1x128xi32, #tpu.memory_space<vmem>> -> memref<128xi32, #tpu.memory_space<vmem>>
    %dma_start3A_103 = arith.constant 0 : i32
    %dma_start3A_104 = arith.constant 0 : i32
    %dma_start3A_105 = tpu.memref_slice %arg4[%dma_start3A_103, %dma_start3A_104] : memref<100000x128xf32, #tpu.memory_space<hbm>> -> memref<100000x128xf32, #tpu.memory_space<hbm>>
    tpu.enqueue_indirect_dma source(%dma_start3A_105 : memref<100000x128xf32, #tpu.memory_space<hbm>>) target(%dma_start3A_99 : memref<128x128xf32, #tpu.memory_space<vmem>>) offsets(%dma_start3A_102 : memref<128xi32, #tpu.memory_space<vmem>>) semaphore(%arg18 : memref<!tpu.dma_semaphore, #tpu.memory_space<semaphore_mem>>)
    %dma_start3A_106 = arith.constant 0 : i32
    %dma_start3A_107 = arith.constant 0 : i32
    %dma_start3A_108 = arith.constant 0 : i32
    %dma_start3A_109 = arith.constant 0 : i32
    %dma_start3A_110 = tpu.memref_slice %arg12[%dma_start3A_107, %dma_start3A_108, %dma_start3A_109] : memref<2x128x128xf32, #tpu.memory_space<vmem>> -> memref<1x128x128xf32, #tpu.memory_space<vmem>>
    %dma_start3A_111 = tpu.memref_squeeze %dma_start3A_110 : memref<1x128x128xf32, #tpu.memory_space<vmem>> -> memref<128x128xf32, #tpu.memory_space<vmem>>
    %dma_start3A_112 = arith.constant 0 : i32
    %dma_start3A_113 = tpu.memref_slice %arg10[%dma_start3A_106, %dma_start3A_112] : memref<2x128xi32, #tpu.memory_space<vmem>> -> memref<1x128xi32, #tpu.memory_space<vmem>>
    %dma_start3A_114 = tpu.memref_squeeze %dma_start3A_113 : memref<1x128xi32, #tpu.memory_space<vmem>> -> memref<128xi32, #tpu.memory_space<vmem>>
    %dma_start3A_115 = arith.constant 0 : i32
    %dma_start3A_116 = arith.constant 0 : i32
    %dma_start3A_117 = tpu.memref_slice %arg5[%dma_start3A_115, %dma_start3A_116] : memref<512x128xf32, #tpu.memory_space<hbm>> -> memref<512x128xf32, #tpu.memory_space<hbm>>
    tpu.enqueue_indirect_dma source(%dma_start3A_117 : memref<512x128xf32, #tpu.memory_space<hbm>>) target(%dma_start3A_111 : memref<128x128xf32, #tpu.memory_space<vmem>>) offsets(%dma_start3A_114 : memref<128xi32, #tpu.memory_space<vmem>>) semaphore(%arg18 : memref<!tpu.dma_semaphore, #tpu.memory_space<semaphore_mem>>)
    %scan3A = arith.constant 0 : i32
    %scan3A_118 = arith.constant 0 : i32
    %scan3A_119 = arith.constant 100 : i32
    %scan3A_120 = arith.addi %scan3A_118, %scan3A_119 : i32
    %scan3A_121 = arith.constant 1 : i32
    %scan3A_122 = scf.for %scan3A_154 = %scan3A_118 to %scan3A_120 step %scan3A_121 iter_args(%scan3A_155 = %scan3A) -> (i32)  : i32 {
      %mul3A_156 = arith.constant 2 : i32
      %mul3A_157 = arith.muli %mul3A_156, %scan3A_154 : i32
      %add3A_158 = arith.constant 0 : i32
      %add3A_159 = arith.addi %mul3A_157, %add3A_158 : i32
      %dma_wait3A_160 = arith.constant 0 : i32
      %dma_wait3A_161 = arith.constant 0 : i32
      %dma_wait3A_162 = arith.constant 0 : i32
      %dma_wait3A_163 = arith.constant 0 : i32
      %dma_wait3A_164 = tpu.memref_slice %arg11[%dma_wait3A_161, %dma_wait3A_162, %dma_wait3A_163] : memref<2x128x128xf32, #tpu.memory_space<vmem>> -> memref<1x128x128xf32, #tpu.memory_space<vmem>>
      %dma_wait3A_165 = tpu.memref_squeeze %dma_wait3A_164 : memref<1x128x128xf32, #tpu.memory_space<vmem>> -> memref<128x128xf32, #tpu.memory_space<vmem>>
      %dma_wait3A_166 = arith.constant 0 : i32
      %dma_wait3A_167 = tpu.memref_slice %arg9[%dma_wait3A_160, %dma_wait3A_166] : memref<2x128xi32, #tpu.memory_space<vmem>> -> memref<1x128xi32, #tpu.memory_space<vmem>>
      %dma_wait3A_168 = tpu.memref_squeeze %dma_wait3A_167 : memref<1x128xi32, #tpu.memory_space<vmem>> -> memref<128xi32, #tpu.memory_space<vmem>>
      %dma_wait3A_169 = arith.constant 0 : i32
      %dma_wait3A_170 = arith.constant 0 : i32
      %dma_wait3A_171 = tpu.memref_slice %arg4[%dma_wait3A_169, %dma_wait3A_170] : memref<100000x128xf32, #tpu.memory_space<hbm>> -> memref<100000x128xf32, #tpu.memory_space<hbm>>
      tpu.wait_indirect_dma semaphore(%arg18 : memref<!tpu.dma_semaphore, #tpu.memory_space<semaphore_mem>>) src(%dma_wait3A_171 : memref<100000x128xf32, #tpu.memory_space<hbm>>) dst(%dma_wait3A_165 : memref<128x128xf32, #tpu.memory_space<vmem>>)
      %dma_wait3A_172 = arith.constant 0 : i32
      %dma_wait3A_173 = arith.constant 0 : i32
      %dma_wait3A_174 = arith.constant 0 : i32
      %dma_wait3A_175 = arith.constant 0 : i32
      %dma_wait3A_176 = tpu.memref_slice %arg12[%dma_wait3A_173, %dma_wait3A_174, %dma_wait3A_175] : memref<2x128x128xf32, #tpu.memory_space<vmem>> -> memref<1x128x128xf32, #tpu.memory_space<vmem>>
      %dma_wait3A_177 = tpu.memref_squeeze %dma_wait3A_176 : memref<1x128x128xf32, #tpu.memory_space<vmem>> -> memref<128x128xf32, #tpu.memory_space<vmem>>
      %dma_wait3A_178 = arith.constant 0 : i32
      %dma_wait3A_179 = tpu.memref_slice %arg10[%dma_wait3A_172, %dma_wait3A_178] : memref<2x128xi32, #tpu.memory_space<vmem>> -> memref<1x128xi32, #tpu.memory_space<vmem>>
      %dma_wait3A_180 = tpu.memref_squeeze %dma_wait3A_179 : memref<1x128xi32, #tpu.memory_space<vmem>> -> memref<128xi32, #tpu.memory_space<vmem>>
      %dma_wait3A_181 = arith.constant 0 : i32
      %dma_wait3A_182 = arith.constant 0 : i32
      %dma_wait3A_183 = tpu.memref_slice %arg5[%dma_wait3A_181, %dma_wait3A_182] : memref<512x128xf32, #tpu.memory_space<hbm>> -> memref<512x128xf32, #tpu.memory_space<hbm>>
      tpu.wait_indirect_dma semaphore(%arg18 : memref<!tpu.dma_semaphore, #tpu.memory_space<semaphore_mem>>) src(%dma_wait3A_183 : memref<512x128xf32, #tpu.memory_space<hbm>>) dst(%dma_wait3A_177 : memref<128x128xf32, #tpu.memory_space<vmem>>)
      %add3A_184 = arith.constant 2 : i32
      %add3A_185 = arith.addi %add3A_159, %add3A_184 : i32
      %lt3A = arith.constant 200 : i32
      %lt3A_186 = arith.cmpi slt, %add3A_185, %lt3A : i32
      %convert_element_type3A = arith.extui %lt3A_186 : i1 to i32
      %cond3A = arith.constant 0 : i32
      %cond3A_187 = arith.cmpi ne, %convert_element_type3A, %cond3A : i32
      scf.if %cond3A_187 {
        %add3A_291 = arith.constant 2 : i32
        %add3A_292 = arith.addi %add3A_159, %add3A_291 : i32
        %mul3A_293 = arith.constant 128 : i32
        %mul3A_294 = arith.muli %add3A_292, %mul3A_293 : i32
        %add3A_295 = arith.addi %mul3A_2, %mul3A_294 : i32
        %dma_start3A_296 = arith.constant 0 : i32
        %dma_start3A_297 = arith.constant 0 : i32
        %dma_start3A_298 = tpu.memref_slice %arg9[%dma_start3A_296, %dma_start3A_297] : memref<2x128xi32, #tpu.memory_space<vmem>> -> memref<1x128xi32, #tpu.memory_space<vmem>>
        %dma_start3A_299 = tpu.memref_squeeze %dma_start3A_298 : memref<1x128xi32, #tpu.memory_space<vmem>> -> memref<128xi32, #tpu.memory_space<vmem>>
        %dma_start3A_300 = tpu.memref_slice %arg2[%add3A_295] : memref<819200xi32, #tpu.memory_space<hbm>> -> memref<128xi32, #tpu.memory_space<hbm>>
        %dma_start3A_301 = arith.constant 0 : i32
        %dma_start3A_302 = tpu.memref_slice %arg9[%dma_start3A_296, %dma_start3A_301] : memref<2x128xi32, #tpu.memory_space<vmem>> -> memref<1x128xi32, #tpu.memory_space<vmem>>
        %dma_start3A_303 = tpu.memref_squeeze %dma_start3A_302 : memref<1x128xi32, #tpu.memory_space<vmem>> -> memref<128xi32, #tpu.memory_space<vmem>>
        %dma_start3A_304 = tpu.memref_slice %arg2[%add3A_295] : memref<819200xi32, #tpu.memory_space<hbm>> -> memref<128xi32, #tpu.memory_space<hbm>>
        tpu.enqueue_dma source(%dma_start3A_304 : memref<128xi32, #tpu.memory_space<hbm>>) target(%dma_start3A_303 : memref<128xi32, #tpu.memory_space<vmem>>) target_semaphore(%arg16 : memref<!tpu.dma_semaphore, #tpu.memory_space<semaphore_mem>>)
        %dma_start3A_305 = arith.constant 0 : i32
        %dma_start3A_306 = arith.constant 0 : i32
        %dma_start3A_307 = tpu.memref_slice %arg10[%dma_start3A_305, %dma_start3A_306] : memref<2x128xi32, #tpu.memory_space<vmem>> -> memref<1x128xi32, #tpu.memory_space<vmem>>
        %dma_start3A_308 = tpu.memref_squeeze %dma_start3A_307 : memref<1x128xi32, #tpu.memory_space<vmem>> -> memref<128xi32, #tpu.memory_space<vmem>>
        %dma_start3A_309 = tpu.memref_slice %arg3[%add3A_295] : memref<819200xi32, #tpu.memory_space<hbm>> -> memref<128xi32, #tpu.memory_space<hbm>>
        %dma_start3A_310 = arith.constant 0 : i32
        %dma_start3A_311 = tpu.memref_slice %arg10[%dma_start3A_305, %dma_start3A_310] : memref<2x128xi32, #tpu.memory_space<vmem>> -> memref<1x128xi32, #tpu.memory_space<vmem>>
        %dma_start3A_312 = tpu.memref_squeeze %dma_start3A_311 : memref<1x128xi32, #tpu.memory_space<vmem>> -> memref<128xi32, #tpu.memory_space<vmem>>
        %dma_start3A_313 = tpu.memref_slice %arg3[%add3A_295] : memref<819200xi32, #tpu.memory_space<hbm>> -> memref<128xi32, #tpu.memory_space<hbm>>
        tpu.enqueue_dma source(%dma_start3A_313 : memref<128xi32, #tpu.memory_space<hbm>>) target(%dma_start3A_312 : memref<128xi32, #tpu.memory_space<vmem>>) target_semaphore(%arg16 : memref<!tpu.dma_semaphore, #tpu.memory_space<semaphore_mem>>)
      } else {
      }
      %add3A_188 = arith.constant 1 : i32
      %add3A_189 = arith.addi %add3A_159, %add3A_188 : i32
      %lt3A_190 = arith.constant 200 : i32
      %lt3A_191 = arith.cmpi slt, %add3A_189, %lt3A_190 : i32
      %convert_element_type3A_192 = arith.extui %lt3A_191 : i1 to i32
      %cond3A_193 = arith.constant 0 : i32
      %cond3A_194 = arith.cmpi ne, %convert_element_type3A_192, %cond3A_193 : i32
      scf.if %cond3A_194 {
        %dma_wait3A_291 = arith.constant 1 : i32
        %dma_wait3A_292 = arith.constant 0 : i32
        %dma_wait3A_293 = tpu.memref_slice %arg9[%dma_wait3A_291, %dma_wait3A_292] : memref<2x128xi32, #tpu.memory_space<vmem>> -> memref<1x128xi32, #tpu.memory_space<vmem>>
        %dma_wait3A_294 = tpu.memref_squeeze %dma_wait3A_293 : memref<1x128xi32, #tpu.memory_space<vmem>> -> memref<128xi32, #tpu.memory_space<vmem>>
        %dma_wait3A_295 = arith.constant 0 : i32
        %dma_wait3A_296 = tpu.memref_slice %arg2[%dma_wait3A_295] : memref<819200xi32, #tpu.memory_space<hbm>> -> memref<128xi32, #tpu.memory_space<hbm>>
        %dma_wait3A_297 = arith.constant 0 : i32
        %dma_wait3A_298 = tpu.memref_slice %arg9[%dma_wait3A_291, %dma_wait3A_297] : memref<2x128xi32, #tpu.memory_space<vmem>> -> memref<1x128xi32, #tpu.memory_space<vmem>>
        %dma_wait3A_299 = tpu.memref_squeeze %dma_wait3A_298 : memref<1x128xi32, #tpu.memory_space<vmem>> -> memref<128xi32, #tpu.memory_space<vmem>>
        %dma_wait3A_300 = arith.constant 0 : i32
        %dma_wait3A_301 = tpu.memref_slice %arg2[%dma_wait3A_300] : memref<819200xi32, #tpu.memory_space<hbm>> -> memref<128xi32, #tpu.memory_space<hbm>>
        tpu.wait_dma2 semaphore(%arg17 : memref<!tpu.dma_semaphore, #tpu.memory_space<semaphore_mem>>) src(%dma_wait3A_301 : memref<128xi32, #tpu.memory_space<hbm>>) dst(%dma_wait3A_299 : memref<128xi32, #tpu.memory_space<vmem>>)
        %dma_wait3A_302 = arith.constant 1 : i32
        %dma_wait3A_303 = arith.constant 0 : i32
        %dma_wait3A_304 = tpu.memref_slice %arg10[%dma_wait3A_302, %dma_wait3A_303] : memref<2x128xi32, #tpu.memory_space<vmem>> -> memref<1x128xi32, #tpu.memory_space<vmem>>
        %dma_wait3A_305 = tpu.memref_squeeze %dma_wait3A_304 : memref<1x128xi32, #tpu.memory_space<vmem>> -> memref<128xi32, #tpu.memory_space<vmem>>
        %dma_wait3A_306 = arith.constant 0 : i32
        %dma_wait3A_307 = tpu.memref_slice %arg3[%dma_wait3A_306] : memref<819200xi32, #tpu.memory_space<hbm>> -> memref<128xi32, #tpu.memory_space<hbm>>
        %dma_wait3A_308 = arith.constant 0 : i32
        %dma_wait3A_309 = tpu.memref_slice %arg10[%dma_wait3A_302, %dma_wait3A_308] : memref<2x128xi32, #tpu.memory_space<vmem>> -> memref<1x128xi32, #tpu.memory_space<vmem>>
        %dma_wait3A_310 = tpu.memref_squeeze %dma_wait3A_309 : memref<1x128xi32, #tpu.memory_space<vmem>> -> memref<128xi32, #tpu.memory_space<vmem>>
        %dma_wait3A_311 = arith.constant 0 : i32
        %dma_wait3A_312 = tpu.memref_slice %arg3[%dma_wait3A_311] : memref<819200xi32, #tpu.memory_space<hbm>> -> memref<128xi32, #tpu.memory_space<hbm>>
        tpu.wait_dma2 semaphore(%arg17 : memref<!tpu.dma_semaphore, #tpu.memory_space<semaphore_mem>>) src(%dma_wait3A_312 : memref<128xi32, #tpu.memory_space<hbm>>) dst(%dma_wait3A_310 : memref<128xi32, #tpu.memory_space<vmem>>)
        %dma_start3A_313 = arith.constant 1 : i32
        %dma_start3A_314 = arith.constant 1 : i32
        %dma_start3A_315 = arith.constant 0 : i32
        %dma_start3A_316 = arith.constant 0 : i32
        %dma_start3A_317 = tpu.memref_slice %arg11[%dma_start3A_314, %dma_start3A_315, %dma_start3A_316] : memref<2x128x128xf32, #tpu.memory_space<vmem>> -> memref<1x128x128xf32, #tpu.memory_space<vmem>>
        %dma_start3A_318 = tpu.memref_squeeze %dma_start3A_317 : memref<1x128x128xf32, #tpu.memory_space<vmem>> -> memref<128x128xf32, #tpu.memory_space<vmem>>
        %dma_start3A_319 = arith.constant 0 : i32
        %dma_start3A_320 = tpu.memref_slice %arg9[%dma_start3A_313, %dma_start3A_319] : memref<2x128xi32, #tpu.memory_space<vmem>> -> memref<1x128xi32, #tpu.memory_space<vmem>>
        %dma_start3A_321 = tpu.memref_squeeze %dma_start3A_320 : memref<1x128xi32, #tpu.memory_space<vmem>> -> memref<128xi32, #tpu.memory_space<vmem>>
        %dma_start3A_322 = arith.constant 0 : i32
        %dma_start3A_323 = arith.constant 0 : i32
        %dma_start3A_324 = tpu.memref_slice %arg4[%dma_start3A_322, %dma_start3A_323] : memref<100000x128xf32, #tpu.memory_space<hbm>> -> memref<100000x128xf32, #tpu.memory_space<hbm>>
        tpu.enqueue_indirect_dma source(%dma_start3A_324 : memref<100000x128xf32, #tpu.memory_space<hbm>>) target(%dma_start3A_318 : memref<128x128xf32, #tpu.memory_space<vmem>>) offsets(%dma_start3A_321 : memref<128xi32, #tpu.memory_space<vmem>>) semaphore(%arg19 : memref<!tpu.dma_semaphore, #tpu.memory_space<semaphore_mem>>)
        %dma_start3A_325 = arith.constant 1 : i32
        %dma_start3A_326 = arith.constant 1 : i32
        %dma_start3A_327 = arith.constant 0 : i32
        %dma_start3A_328 = arith.constant 0 : i32
        %dma_start3A_329 = tpu.memref_slice %arg12[%dma_start3A_326, %dma_start3A_327, %dma_start3A_328] : memref<2x128x128xf32, #tpu.memory_space<vmem>> -> memref<1x128x128xf32, #tpu.memory_space<vmem>>
        %dma_start3A_330 = tpu.memref_squeeze %dma_start3A_329 : memref<1x128x128xf32, #tpu.memory_space<vmem>> -> memref<128x128xf32, #tpu.memory_space<vmem>>
        %dma_start3A_331 = arith.constant 0 : i32
        %dma_start3A_332 = tpu.memref_slice %arg10[%dma_start3A_325, %dma_start3A_331] : memref<2x128xi32, #tpu.memory_space<vmem>> -> memref<1x128xi32, #tpu.memory_space<vmem>>
        %dma_start3A_333 = tpu.memref_squeeze %dma_start3A_332 : memref<1x128xi32, #tpu.memory_space<vmem>> -> memref<128xi32, #tpu.memory_space<vmem>>
        %dma_start3A_334 = arith.constant 0 : i32
        %dma_start3A_335 = arith.constant 0 : i32
        %dma_start3A_336 = tpu.memref_slice %arg5[%dma_start3A_334, %dma_start3A_335] : memref<512x128xf32, #tpu.memory_space<hbm>> -> memref<512x128xf32, #tpu.memory_space<hbm>>
        tpu.enqueue_indirect_dma source(%dma_start3A_336 : memref<512x128xf32, #tpu.memory_space<hbm>>) target(%dma_start3A_330 : memref<128x128xf32, #tpu.memory_space<vmem>>) offsets(%dma_start3A_333 : memref<128xi32, #tpu.memory_space<vmem>>) semaphore(%arg19 : memref<!tpu.dma_semaphore, #tpu.memory_space<semaphore_mem>>)
      } else {
      }
      %ge3A = arith.constant 2 : i32
      %ge3A_195 = arith.cmpi sge, %add3A_159, %ge3A : i32
      %convert_element_type3A_196 = arith.extui %ge3A_195 : i1 to i32
      %cond3A_197 = arith.constant 0 : i32
      %cond3A_198 = arith.cmpi ne, %convert_element_type3A_196, %cond3A_197 : i32
      scf.if %cond3A_198 {
        %dma_wait3A_291 = arith.constant 0 : i32
        %dma_wait3A_292 = arith.constant 0 : i32
        %dma_wait3A_293 = arith.constant 0 : i32
        %dma_wait3A_294 = tpu.memref_slice %arg13[%dma_wait3A_291, %dma_wait3A_292, %dma_wait3A_293] : memref<2x128x128xf32, #tpu.memory_space<vmem>> -> memref<1x128x128xf32, #tpu.memory_space<vmem>>
        %dma_wait3A_295 = tpu.memref_squeeze %dma_wait3A_294 : memref<1x128x128xf32, #tpu.memory_space<vmem>> -> memref<128x128xf32, #tpu.memory_space<vmem>>
        %dma_wait3A_296 = arith.constant 0 : i32
        %dma_wait3A_297 = arith.constant 0 : i32
        %dma_wait3A_298 = tpu.memref_slice %arg8[%dma_wait3A_296, %dma_wait3A_297] : memref<819200x128xf32, #tpu.memory_space<hbm>> -> memref<128x128xf32, #tpu.memory_space<hbm>>
        %dma_wait3A_299 = arith.constant 0 : i32
        %dma_wait3A_300 = arith.constant 0 : i32
        %dma_wait3A_301 = tpu.memref_slice %arg8[%dma_wait3A_299, %dma_wait3A_300] : memref<819200x128xf32, #tpu.memory_space<hbm>> -> memref<128x128xf32, #tpu.memory_space<hbm>>
        %dma_wait3A_302 = arith.constant 0 : i32
        %dma_wait3A_303 = arith.constant 0 : i32
        %dma_wait3A_304 = tpu.memref_slice %arg13[%dma_wait3A_291, %dma_wait3A_302, %dma_wait3A_303] : memref<2x128x128xf32, #tpu.memory_space<vmem>> -> memref<1x128x128xf32, #tpu.memory_space<vmem>>
        %dma_wait3A_305 = tpu.memref_squeeze %dma_wait3A_304 : memref<1x128x128xf32, #tpu.memory_space<vmem>> -> memref<128x128xf32, #tpu.memory_space<vmem>>
        tpu.wait_dma2 semaphore(%arg20 : memref<!tpu.dma_semaphore, #tpu.memory_space<semaphore_mem>>) src(%dma_wait3A_305 : memref<128x128xf32, #tpu.memory_space<vmem>>) dst(%dma_wait3A_301 : memref<128x128xf32, #tpu.memory_space<hbm>>)
      } else {
      }
      %scan3A_199 = arith.constant 0 : i32
      %scan3A_200 = arith.constant 0 : i32
      %scan3A_201 = arith.constant 64 : i32
      %scan3A_202 = arith.addi %scan3A_200, %scan3A_201 : i32
      %scan3A_203 = arith.constant 1 : i32
      scf.for %scan3A_291 = %scan3A_200 to %scan3A_202 step %scan3A_203  : i32 {
        %mul3A_292 = arith.constant 2 : i32
        %mul3A_293 = arith.muli %scan3A_291, %mul3A_292 : i32
        %add3A_294 = arith.constant 0 : i32
        %add3A_295 = arith.addi %mul3A_293, %add3A_294 : i32
        %get3A_296 = arith.constant 0 : i32
        %get3A_297 = arith.index_cast %get3A_296 : i32 to index
        %get3A_298 = arith.index_cast %add3A_295 : i32 to index
        %get3A_299 = arith.constant 0 : index
        %get3A_300 = tpu.vector_load %arg11[%get3A_297, %get3A_298, %get3A_299] {strides = array<i32>} : memref<2x128x128xf32, #tpu.memory_space<vmem>>, vector<16xf32>,
        %get3A_301 = arith.constant 0 : i32
        %get3A_302 = arith.index_cast %get3A_301 : i32 to index
        %get3A_303 = arith.index_cast %add3A_295 : i32 to index
        %get3A_304 = arith.constant 0 : index
        %get3A_305 = tpu.vector_load %arg12[%get3A_302, %get3A_303, %get3A_304] {strides = array<i32>} : memref<2x128x128xf32, #tpu.memory_space<vmem>>, vector<16xf32>,
        %add3A_306 = arith.addf %get3A_300, %get3A_305 : vector<16xf32>
        %get3A_307 = arith.constant 0 : i32
        %get3A_308 = arith.index_cast %get3A_307 : i32 to index
        %get3A_309 = arith.index_cast %add3A_295 : i32 to index
        %get3A_310 = arith.constant 16 : index
        %get3A_311 = tpu.vector_load %arg11[%get3A_308, %get3A_309, %get3A_310] {strides = array<i32>} : memref<2x128x128xf32, #tpu.memory_space<vmem>>, vector<16xf32>,
        %get3A_312 = arith.constant 0 : i32
        %get3A_313 = arith.index_cast %get3A_312 : i32 to index
        %get3A_314 = arith.index_cast %add3A_295 : i32 to index
        %get3A_315 = arith.constant 16 : index
        %get3A_316 = tpu.vector_load %arg12[%get3A_313, %get3A_314, %get3A_315] {strides = array<i32>} : memref<2x128x128xf32, #tpu.memory_space<vmem>>, vector<16xf32>,
        %add3A_317 = arith.addf %get3A_311, %get3A_316 : vector<16xf32>
        %get3A_318 = arith.constant 0 : i32
        %get3A_319 = arith.index_cast %get3A_318 : i32 to index
        %get3A_320 = arith.index_cast %add3A_295 : i32 to index
        %get3A_321 = arith.constant 32 : index
        %get3A_322 = tpu.vector_load %arg11[%get3A_319, %get3A_320, %get3A_321] {strides = array<i32>} : memref<2x128x128xf32, #tpu.memory_space<vmem>>, vector<16xf32>,
        %get3A_323 = arith.constant 0 : i32
        %get3A_324 = arith.index_cast %get3A_323 : i32 to index
        %get3A_325 = arith.index_cast %add3A_295 : i32 to index
        %get3A_326 = arith.constant 32 : index
        %get3A_327 = tpu.vector_load %arg12[%get3A_324, %get3A_325, %get3A_326] {strides = array<i32>} : memref<2x128x128xf32, #tpu.memory_space<vmem>>, vector<16xf32>,
        %add3A_328 = arith.addf %get3A_322, %get3A_327 : vector<16xf32>
        %get3A_329 = arith.constant 0 : i32
        %get3A_330 = arith.index_cast %get3A_329 : i32 to index
        %get3A_331 = arith.index_cast %add3A_295 : i32 to index
        %get3A_332 = arith.constant 48 : index
        %get3A_333 = tpu.vector_load %arg11[%get3A_330, %get3A_331, %get3A_332] {strides = array<i32>} : memref<2x128x128xf32, #tpu.memory_space<vmem>>, vector<16xf32>,
        %get3A_334 = arith.constant 0 : i32
        %get3A_335 = arith.index_cast %get3A_334 : i32 to index
        %get3A_336 = arith.index_cast %add3A_295 : i32 to index
        %get3A_337 = arith.constant 48 : index
        %get3A_338 = tpu.vector_load %arg12[%get3A_335, %get3A_336, %get3A_337] {strides = array<i32>} : memref<2x128x128xf32, #tpu.memory_space<vmem>>, vector<16xf32>,
        %add3A_339 = arith.addf %get3A_333, %get3A_338 : vector<16xf32>
        %get3A_340 = arith.constant 0 : i32
        %get3A_341 = arith.index_cast %get3A_340 : i32 to index
        %get3A_342 = arith.index_cast %add3A_295 : i32 to index
        %get3A_343 = arith.constant 64 : index
        %get3A_344 = tpu.vector_load %arg11[%get3A_341, %get3A_342, %get3A_343] {strides = array<i32>} : memref<2x128x128xf32, #tpu.memory_space<vmem>>, vector<16xf32>,
        %get3A_345 = arith.constant 0 : i32
        %get3A_346 = arith.index_cast %get3A_345 : i32 to index
        %get3A_347 = arith.index_cast %add3A_295 : i32 to index
        %get3A_348 = arith.constant 64 : index
        %get3A_349 = tpu.vector_load %arg12[%get3A_346, %get3A_347, %get3A_348] {strides = array<i32>} : memref<2x128x128xf32, #tpu.memory_space<vmem>>, vector<16xf32>,
        %add3A_350 = arith.addf %get3A_344, %get3A_349 : vector<16xf32>
        %get3A_351 = arith.constant 0 : i32
        %get3A_352 = arith.index_cast %get3A_351 : i32 to index
        %get3A_353 = arith.index_cast %add3A_295 : i32 to index
        %get3A_354 = arith.constant 80 : index
        %get3A_355 = tpu.vector_load %arg11[%get3A_352, %get3A_353, %get3A_354] {strides = array<i32>} : memref<2x128x128xf32, #tpu.memory_space<vmem>>, vector<16xf32>,
        %get3A_356 = arith.constant 0 : i32
        %get3A_357 = arith.index_cast %get3A_356 : i32 to index
        %get3A_358 = arith.index_cast %add3A_295 : i32 to index
        %get3A_359 = arith.constant 80 : index
        %get3A_360 = tpu.vector_load %arg12[%get3A_357, %get3A_358, %get3A_359] {strides = array<i32>} : memref<2x128x128xf32, #tpu.memory_space<vmem>>, vector<16xf32>,
        %add3A_361 = arith.addf %get3A_355, %get3A_360 : vector<16xf32>
        %get3A_362 = arith.constant 0 : i32
        %get3A_363 = arith.index_cast %get3A_362 : i32 to index
        %get3A_364 = arith.index_cast %add3A_295 : i32 to index
        %get3A_365 = arith.constant 96 : index
        %get3A_366 = tpu.vector_load %arg11[%get3A_363, %get3A_364, %get3A_365] {strides = array<i32>} : memref<2x128x128xf32, #tpu.memory_space<vmem>>, vector<16xf32>,
        %get3A_367 = arith.constant 0 : i32
        %get3A_368 = arith.index_cast %get3A_367 : i32 to index
        %get3A_369 = arith.index_cast %add3A_295 : i32 to index
        %get3A_370 = arith.constant 96 : index
        %get3A_371 = tpu.vector_load %arg12[%get3A_368, %get3A_369, %get3A_370] {strides = array<i32>} : memref<2x128x128xf32, #tpu.memory_space<vmem>>, vector<16xf32>,
        %add3A_372 = arith.addf %get3A_366, %get3A_371 : vector<16xf32>
        %get3A_373 = arith.constant 0 : i32
        %get3A_374 = arith.index_cast %get3A_373 : i32 to index
        %get3A_375 = arith.index_cast %add3A_295 : i32 to index
        %get3A_376 = arith.constant 112 : index
        %get3A_377 = tpu.vector_load %arg11[%get3A_374, %get3A_375, %get3A_376] {strides = array<i32>} : memref<2x128x128xf32, #tpu.memory_space<vmem>>, vector<16xf32>,
        %get3A_378 = arith.constant 0 : i32
        %get3A_379 = arith.index_cast %get3A_378 : i32 to index
        %get3A_380 = arith.index_cast %add3A_295 : i32 to index
        %get3A_381 = arith.constant 112 : index
        %get3A_382 = tpu.vector_load %arg12[%get3A_379, %get3A_380, %get3A_381] {strides = array<i32>} : memref<2x128x128xf32, #tpu.memory_space<vmem>>, vector<16xf32>,
        %add3A_383 = arith.addf %get3A_377, %get3A_382 : vector<16xf32>
        %mul3A_384 = arith.mulf %add3A_306, %add3A_306 : vector<16xf32>
        %add3A_385 = arith.addf %add3A_306, %add3A_317 : vector<16xf32>
        %mul3A_386 = arith.mulf %add3A_317, %add3A_317 : vector<16xf32>
        %add3A_387 = arith.addf %mul3A_384, %mul3A_386 : vector<16xf32>
        %add3A_388 = arith.addf %add3A_385, %add3A_328 : vector<16xf32>
        %mul3A_389 = arith.mulf %add3A_328, %add3A_328 : vector<16xf32>
        %add3A_390 = arith.addf %add3A_387, %mul3A_389 : vector<16xf32>
        %add3A_391 = arith.addf %add3A_388, %add3A_339 : vector<16xf32>
        %mul3A_392 = arith.mulf %add3A_339, %add3A_339 : vector<16xf32>
        %add3A_393 = arith.addf %add3A_390, %mul3A_392 : vector<16xf32>
        %add3A_394 = arith.addf %add3A_391, %add3A_350 : vector<16xf32>
        %mul3A_395 = arith.mulf %add3A_350, %add3A_350 : vector<16xf32>
        %add3A_396 = arith.addf %add3A_393, %mul3A_395 : vector<16xf32>
        %add3A_397 = arith.addf %add3A_394, %add3A_361 : vector<16xf32>
        %mul3A_398 = arith.mulf %add3A_361, %add3A_361 : vector<16xf32>
        %add3A_399 = arith.addf %add3A_396, %mul3A_398 : vector<16xf32>
        %add3A_400 = arith.addf %add3A_397, %add3A_372 : vector<16xf32>
        %mul3A_401 = arith.mulf %add3A_372, %add3A_372 : vector<16xf32>
        %add3A_402 = arith.addf %add3A_399, %mul3A_401 : vector<16xf32>
        %add3A_403 = arith.addf %add3A_400, %add3A_383 : vector<16xf32>
        %mul3A_404 = arith.mulf %add3A_383, %add3A_383 : vector<16xf32>
        %add3A_405 = arith.addf %add3A_402, %mul3A_404 : vector<16xf32>
        %reduce_sum3A = arith.constant true
        %reduce_sum3A_406 = vector.broadcast %reduce_sum3A : i1 to vector<16xi1>
        %reduce_sum3A_407 = tpu.scan <sum>, %add3A_403 masked %reduce_sum3A_406 : vector<16xf32>, vector<16xi1> -> vector<16xf32>
        %reduce_sum3A_408 = vector.extract %reduce_sum3A_407[15] : f32 from vector<16xf32>
        %reduce_sum3A_409 = arith.constant true
        %reduce_sum3A_410 = vector.broadcast %reduce_sum3A_409 : i1 to vector<16xi1>
        %reduce_sum3A_411 = tpu.scan <sum>, %add3A_405 masked %reduce_sum3A_410 : vector<16xf32>, vector<16xi1> -> vector<16xf32>
        %reduce_sum3A_412 = vector.extract %reduce_sum3A_411[15] : f32 from vector<16xf32>
        %mul3A_413 = arith.constant 7.812500e-03 : f32
        %mul3A_414 = arith.mulf %reduce_sum3A_408, %mul3A_413 : f32
        %mul3A_415 = arith.constant 7.812500e-03 : f32
        %mul3A_416 = arith.mulf %reduce_sum3A_412, %mul3A_415 : f32
        %mul3A_417 = arith.mulf %mul3A_414, %mul3A_414 : f32
        %sub3A = arith.subf %mul3A_416, %mul3A_417 : f32
        %broadcast_in_dim3A = vector.broadcast %mul3A_414 : f32 to vector<16xf32>
        %add3A_418 = arith.constant 7.812500e-08 : f32
        %add3A_419 = arith.addf %sub3A, %add3A_418 : f32
        %broadcast_in_dim3A_420 = vector.broadcast %add3A_419 : f32 to vector<16xf32>
        %bitcast3A = vector.bitcast %broadcast_in_dim3A_420 : vector<16xf32> to vector<16xi32>
        %shift_right_arithmetic3A = arith.constant 1 : i32
        %shift_right_arithmetic3A_421 = vector.broadcast %shift_right_arithmetic3A : i32 to vector<16xi32>
        %shift_right_arithmetic3A_422 = arith.shrsi %bitcast3A, %shift_right_arithmetic3A_421 : vector<16xi32>
        %sub3A_423 = arith.constant 1597463007 : i32
        %sub3A_424 = vector.broadcast %sub3A_423 : i32 to vector<16xi32>
        %sub3A_425 = arith.subi %sub3A_424, %shift_right_arithmetic3A_422 : vector<16xi32>
        %bitcast3A_426 = vector.bitcast %sub3A_425 : vector<16xi32> to vector<16xf32>
        %mul3A_427 = arith.constant 5.000000e-01 : f32
        %mul3A_428 = vector.broadcast %mul3A_427 : f32 to vector<16xf32>
        %mul3A_429 = arith.mulf %mul3A_428, %broadcast_in_dim3A_420 : vector<16xf32>
        %mul3A_430 = arith.mulf %mul3A_429, %bitcast3A_426 : vector<16xf32>
        %mul3A_431 = arith.mulf %mul3A_430, %bitcast3A_426 : vector<16xf32>
        %sub3A_432 = arith.constant 1.500000e+00 : f32
        %sub3A_433 = vector.broadcast %sub3A_432 : f32 to vector<16xf32>
        %sub3A_434 = arith.subf %sub3A_433, %mul3A_431 : vector<16xf32>
        %mul3A_435 = arith.mulf %bitcast3A_426, %sub3A_434 : vector<16xf32>
        %mul3A_436 = arith.constant 5.000000e-01 : f32
        %mul3A_437 = vector.broadcast %mul3A_436 : f32 to vector<16xf32>
        %mul3A_438 = arith.mulf %mul3A_437, %broadcast_in_dim3A_420 : vector<16xf32>
        %mul3A_439 = arith.mulf %mul3A_438, %mul3A_435 : vector<16xf32>
        %mul3A_440 = arith.mulf %mul3A_439, %mul3A_435 : vector<16xf32>
        %sub3A_441 = arith.constant 1.500000e+00 : f32
        %sub3A_442 = vector.broadcast %sub3A_441 : f32 to vector<16xf32>
        %sub3A_443 = arith.subf %sub3A_442, %mul3A_440 : vector<16xf32>
        %mul3A_444 = arith.mulf %mul3A_435, %sub3A_443 : vector<16xf32>
        %mul3A_445 = arith.constant 5.000000e-01 : f32
        %mul3A_446 = vector.broadcast %mul3A_445 : f32 to vector<16xf32>
        %mul3A_447 = arith.mulf %mul3A_446, %broadcast_in_dim3A_420 : vector<16xf32>
        %mul3A_448 = arith.mulf %mul3A_447, %mul3A_444 : vector<16xf32>
        %mul3A_449 = arith.mulf %mul3A_448, %mul3A_444 : vector<16xf32>
        %sub3A_450 = arith.constant 1.500000e+00 : f32
        %sub3A_451 = vector.broadcast %sub3A_450 : f32 to vector<16xf32>
        %sub3A_452 = arith.subf %sub3A_451, %mul3A_449 : vector<16xf32>
        %mul3A_453 = arith.mulf %mul3A_444, %sub3A_452 : vector<16xf32>
        %sub3A_454 = arith.subf %add3A_306, %broadcast_in_dim3A : vector<16xf32>
        %mul3A_455 = arith.mulf %sub3A_454, %mul3A_453 : vector<16xf32>
        %mul3A_456 = arith.mulf %mul3A_455, %get3A_3 : vector<16xf32>
        %add3A_457 = arith.addf %mul3A_456, %get3A_19 : vector<16xf32>
        %swap3A = arith.constant 0 : i32
        %swap3A_458 = arith.index_cast %swap3A : i32 to index
        %swap3A_459 = arith.index_cast %add3A_295 : i32 to index
        %swap3A_460 = arith.constant 0 : index
        %swap3A_461 = tpu.vector_load %arg13[%swap3A_458, %swap3A_459, %swap3A_460] {strides = array<i32>} : memref<2x128x128xf32, #tpu.memory_space<vmem>>, vector<16xf32>,
        tpu.vector_store %arg13[%swap3A_458, %swap3A_459, %swap3A_460], %add3A_457 {strides = array<i32>} : memref<2x128x128xf32, #tpu.memory_space<vmem>>, vector<16xf32>,
        %sub3A_462 = arith.subf %add3A_317, %broadcast_in_dim3A : vector<16xf32>
        %mul3A_463 = arith.mulf %sub3A_462, %mul3A_453 : vector<16xf32>
        %mul3A_464 = arith.mulf %mul3A_463, %get3A_5 : vector<16xf32>
        %add3A_465 = arith.addf %mul3A_464, %get3A_21 : vector<16xf32>
        %swap3A_466 = arith.constant 0 : i32
        %swap3A_467 = arith.index_cast %swap3A_466 : i32 to index
        %swap3A_468 = arith.index_cast %add3A_295 : i32 to index
        %swap3A_469 = arith.constant 16 : index
        %swap3A_470 = tpu.vector_load %arg13[%swap3A_467, %swap3A_468, %swap3A_469] {strides = array<i32>} : memref<2x128x128xf32, #tpu.memory_space<vmem>>, vector<16xf32>,
        tpu.vector_store %arg13[%swap3A_467, %swap3A_468, %swap3A_469], %add3A_465 {strides = array<i32>} : memref<2x128x128xf32, #tpu.memory_space<vmem>>, vector<16xf32>,
        %sub3A_471 = arith.subf %add3A_328, %broadcast_in_dim3A : vector<16xf32>
        %mul3A_472 = arith.mulf %sub3A_471, %mul3A_453 : vector<16xf32>
        %mul3A_473 = arith.mulf %mul3A_472, %get3A_7 : vector<16xf32>
        %add3A_474 = arith.addf %mul3A_473, %get3A_23 : vector<16xf32>
        %swap3A_475 = arith.constant 0 : i32
        %swap3A_476 = arith.index_cast %swap3A_475 : i32 to index
        %swap3A_477 = arith.index_cast %add3A_295 : i32 to index
        %swap3A_478 = arith.constant 32 : index
        %swap3A_479 = tpu.vector_load %arg13[%swap3A_476, %swap3A_477, %swap3A_478] {strides = array<i32>} : memref<2x128x128xf32, #tpu.memory_space<vmem>>, vector<16xf32>,
        tpu.vector_store %arg13[%swap3A_476, %swap3A_477, %swap3A_478], %add3A_474 {strides = array<i32>} : memref<2x128x128xf32, #tpu.memory_space<vmem>>, vector<16xf32>,
        %sub3A_480 = arith.subf %add3A_339, %broadcast_in_dim3A : vector<16xf32>
        %mul3A_481 = arith.mulf %sub3A_480, %mul3A_453 : vector<16xf32>
        %mul3A_482 = arith.mulf %mul3A_481, %get3A_9 : vector<16xf32>
        %add3A_483 = arith.addf %mul3A_482, %get3A_25 : vector<16xf32>
        %swap3A_484 = arith.constant 0 : i32
        %swap3A_485 = arith.index_cast %swap3A_484 : i32 to index
        %swap3A_486 = arith.index_cast %add3A_295 : i32 to index
        %swap3A_487 = arith.constant 48 : index
        %swap3A_488 = tpu.vector_load %arg13[%swap3A_485, %swap3A_486, %swap3A_487] {strides = array<i32>} : memref<2x128x128xf32, #tpu.memory_space<vmem>>, vector<16xf32>,
        tpu.vector_store %arg13[%swap3A_485, %swap3A_486, %swap3A_487], %add3A_483 {strides = array<i32>} : memref<2x128x128xf32, #tpu.memory_space<vmem>>, vector<16xf32>,
        %sub3A_489 = arith.subf %add3A_350, %broadcast_in_dim3A : vector<16xf32>
        %mul3A_490 = arith.mulf %sub3A_489, %mul3A_453 : vector<16xf32>
        %mul3A_491 = arith.mulf %mul3A_490, %get3A_11 : vector<16xf32>
        %add3A_492 = arith.addf %mul3A_491, %get3A_27 : vector<16xf32>
        %swap3A_493 = arith.constant 0 : i32
        %swap3A_494 = arith.index_cast %swap3A_493 : i32 to index
        %swap3A_495 = arith.index_cast %add3A_295 : i32 to index
        %swap3A_496 = arith.constant 64 : index
        %swap3A_497 = tpu.vector_load %arg13[%swap3A_494, %swap3A_495, %swap3A_496] {strides = array<i32>} : memref<2x128x128xf32, #tpu.memory_space<vmem>>, vector<16xf32>,
        tpu.vector_store %arg13[%swap3A_494, %swap3A_495, %swap3A_496], %add3A_492 {strides = array<i32>} : memref<2x128x128xf32, #tpu.memory_space<vmem>>, vector<16xf32>,
        %sub3A_498 = arith.subf %add3A_361, %broadcast_in_dim3A : vector<16xf32>
        %mul3A_499 = arith.mulf %sub3A_498, %mul3A_453 : vector<16xf32>
        %mul3A_500 = arith.mulf %mul3A_499, %get3A_13 : vector<16xf32>
        %add3A_501 = arith.addf %mul3A_500, %get3A_29 : vector<16xf32>
        %swap3A_502 = arith.constant 0 : i32
        %swap3A_503 = arith.index_cast %swap3A_502 : i32 to index
        %swap3A_504 = arith.index_cast %add3A_295 : i32 to index
        %swap3A_505 = arith.constant 80 : index
        %swap3A_506 = tpu.vector_load %arg13[%swap3A_503, %swap3A_504, %swap3A_505] {strides = array<i32>} : memref<2x128x128xf32, #tpu.memory_space<vmem>>, vector<16xf32>,
        tpu.vector_store %arg13[%swap3A_503, %swap3A_504, %swap3A_505], %add3A_501 {strides = array<i32>} : memref<2x128x128xf32, #tpu.memory_space<vmem>>, vector<16xf32>,
        %sub3A_507 = arith.subf %add3A_372, %broadcast_in_dim3A : vector<16xf32>
        %mul3A_508 = arith.mulf %sub3A_507, %mul3A_453 : vector<16xf32>
        %mul3A_509 = arith.mulf %mul3A_508, %get3A_15 : vector<16xf32>
        %add3A_510 = arith.addf %mul3A_509, %get3A_31 : vector<16xf32>
        %swap3A_511 = arith.constant 0 : i32
        %swap3A_512 = arith.index_cast %swap3A_511 : i32 to index
        %swap3A_513 = arith.index_cast %add3A_295 : i32 to index
        %swap3A_514 = arith.constant 96 : index
        %swap3A_515 = tpu.vector_load %arg13[%swap3A_512, %swap3A_513, %swap3A_514] {strides = array<i32>} : memref<2x128x128xf32, #tpu.memory_space<vmem>>, vector<16xf32>,
        tpu.vector_store %arg13[%swap3A_512, %swap3A_513, %swap3A_514], %add3A_510 {strides = array<i32>} : memref<2x128x128xf32, #tpu.memory_space<vmem>>, vector<16xf32>,
        %sub3A_516 = arith.subf %add3A_383, %broadcast_in_dim3A : vector<16xf32>
        %mul3A_517 = arith.mulf %sub3A_516, %mul3A_453 : vector<16xf32>
        %mul3A_518 = arith.mulf %mul3A_517, %get3A_17 : vector<16xf32>
        %add3A_519 = arith.addf %mul3A_518, %get3A_33 : vector<16xf32>
        %swap3A_520 = arith.constant 0 : i32
        %swap3A_521 = arith.index_cast %swap3A_520 : i32 to index
        %swap3A_522 = arith.index_cast %add3A_295 : i32 to index
        %swap3A_523 = arith.constant 112 : index
        %swap3A_524 = tpu.vector_load %arg13[%swap3A_521, %swap3A_522, %swap3A_523] {strides = array<i32>} : memref<2x128x128xf32, #tpu.memory_space<vmem>>, vector<16xf32>,
        tpu.vector_store %arg13[%swap3A_521, %swap3A_522, %swap3A_523], %add3A_519 {strides = array<i32>} : memref<2x128x128xf32, #tpu.memory_space<vmem>>, vector<16xf32>,
        %mul3A_525 = arith.constant 2 : i32
        %mul3A_526 = arith.muli %scan3A_291, %mul3A_525 : i32
        %add3A_527 = arith.constant 1 : i32
        %add3A_528 = arith.addi %mul3A_526, %add3A_527 : i32
        %get3A_529 = arith.constant 0 : i32
        %get3A_530 = arith.index_cast %get3A_529 : i32 to index
        %get3A_531 = arith.index_cast %add3A_528 : i32 to index
        %get3A_532 = arith.constant 0 : index
        %get3A_533 = tpu.vector_load %arg11[%get3A_530, %get3A_531, %get3A_532] {strides = array<i32>} : memref<2x128x128xf32, #tpu.memory_space<vmem>>, vector<16xf32>,
        %get3A_534 = arith.constant 0 : i32
        %get3A_535 = arith.index_cast %get3A_534 : i32 to index
        %get3A_536 = arith.index_cast %add3A_528 : i32 to index
        %get3A_537 = arith.constant 0 : index
        %get3A_538 = tpu.vector_load %arg12[%get3A_535, %get3A_536, %get3A_537] {strides = array<i32>} : memref<2x128x128xf32, #tpu.memory_space<vmem>>, vector<16xf32>,
        %add3A_539 = arith.addf %get3A_533, %get3A_538 : vector<16xf32>
        %get3A_540 = arith.constant 0 : i32
        %get3A_541 = arith.index_cast %get3A_540 : i32 to index
        %get3A_542 = arith.index_cast %add3A_528 : i32 to index
        %get3A_543 = arith.constant 16 : index
        %get3A_544 = tpu.vector_load %arg11[%get3A_541, %get3A_542, %get3A_543] {strides = array<i32>} : memref<2x128x128xf32, #tpu.memory_space<vmem>>, vector<16xf32>,
        %get3A_545 = arith.constant 0 : i32
        %get3A_546 = arith.index_cast %get3A_545 : i32 to index
        %get3A_547 = arith.index_cast %add3A_528 : i32 to index
        %get3A_548 = arith.constant 16 : index
        %get3A_549 = tpu.vector_load %arg12[%get3A_546, %get3A_547, %get3A_548] {strides = array<i32>} : memref<2x128x128xf32, #tpu.memory_space<vmem>>, vector<16xf32>,
        %add3A_550 = arith.addf %get3A_544, %get3A_549 : vector<16xf32>
        %get3A_551 = arith.constant 0 : i32
        %get3A_552 = arith.index_cast %get3A_551 : i32 to index
        %get3A_553 = arith.index_cast %add3A_528 : i32 to index
        %get3A_554 = arith.constant 32 : index
        %get3A_555 = tpu.vector_load %arg11[%get3A_552, %get3A_553, %get3A_554] {strides = array<i32>} : memref<2x128x128xf32, #tpu.memory_space<vmem>>, vector<16xf32>,
        %get3A_556 = arith.constant 0 : i32
        %get3A_557 = arith.index_cast %get3A_556 : i32 to index
        %get3A_558 = arith.index_cast %add3A_528 : i32 to index
        %get3A_559 = arith.constant 32 : index
        %get3A_560 = tpu.vector_load %arg12[%get3A_557, %get3A_558, %get3A_559] {strides = array<i32>} : memref<2x128x128xf32, #tpu.memory_space<vmem>>, vector<16xf32>,
        %add3A_561 = arith.addf %get3A_555, %get3A_560 : vector<16xf32>
        %get3A_562 = arith.constant 0 : i32
        %get3A_563 = arith.index_cast %get3A_562 : i32 to index
        %get3A_564 = arith.index_cast %add3A_528 : i32 to index
        %get3A_565 = arith.constant 48 : index
        %get3A_566 = tpu.vector_load %arg11[%get3A_563, %get3A_564, %get3A_565] {strides = array<i32>} : memref<2x128x128xf32, #tpu.memory_space<vmem>>, vector<16xf32>,
        %get3A_567 = arith.constant 0 : i32
        %get3A_568 = arith.index_cast %get3A_567 : i32 to index
        %get3A_569 = arith.index_cast %add3A_528 : i32 to index
        %get3A_570 = arith.constant 48 : index
        %get3A_571 = tpu.vector_load %arg12[%get3A_568, %get3A_569, %get3A_570] {strides = array<i32>} : memref<2x128x128xf32, #tpu.memory_space<vmem>>, vector<16xf32>,
        %add3A_572 = arith.addf %get3A_566, %get3A_571 : vector<16xf32>
        %get3A_573 = arith.constant 0 : i32
        %get3A_574 = arith.index_cast %get3A_573 : i32 to index
        %get3A_575 = arith.index_cast %add3A_528 : i32 to index
        %get3A_576 = arith.constant 64 : index
        %get3A_577 = tpu.vector_load %arg11[%get3A_574, %get3A_575, %get3A_576] {strides = array<i32>} : memref<2x128x128xf32, #tpu.memory_space<vmem>>, vector<16xf32>,
        %get3A_578 = arith.constant 0 : i32
        %get3A_579 = arith.index_cast %get3A_578 : i32 to index
        %get3A_580 = arith.index_cast %add3A_528 : i32 to index
        %get3A_581 = arith.constant 64 : index
        %get3A_582 = tpu.vector_load %arg12[%get3A_579, %get3A_580, %get3A_581] {strides = array<i32>} : memref<2x128x128xf32, #tpu.memory_space<vmem>>, vector<16xf32>,
        %add3A_583 = arith.addf %get3A_577, %get3A_582 : vector<16xf32>
        %get3A_584 = arith.constant 0 : i32
        %get3A_585 = arith.index_cast %get3A_584 : i32 to index
        %get3A_586 = arith.index_cast %add3A_528 : i32 to index
        %get3A_587 = arith.constant 80 : index
        %get3A_588 = tpu.vector_load %arg11[%get3A_585, %get3A_586, %get3A_587] {strides = array<i32>} : memref<2x128x128xf32, #tpu.memory_space<vmem>>, vector<16xf32>,
        %get3A_589 = arith.constant 0 : i32
        %get3A_590 = arith.index_cast %get3A_589 : i32 to index
        %get3A_591 = arith.index_cast %add3A_528 : i32 to index
        %get3A_592 = arith.constant 80 : index
        %get3A_593 = tpu.vector_load %arg12[%get3A_590, %get3A_591, %get3A_592] {strides = array<i32>} : memref<2x128x128xf32, #tpu.memory_space<vmem>>, vector<16xf32>,
        %add3A_594 = arith.addf %get3A_588, %get3A_593 : vector<16xf32>
        %get3A_595 = arith.constant 0 : i32
        %get3A_596 = arith.index_cast %get3A_595 : i32 to index
        %get3A_597 = arith.index_cast %add3A_528 : i32 to index
        %get3A_598 = arith.constant 96 : index
        %get3A_599 = tpu.vector_load %arg11[%get3A_596, %get3A_597, %get3A_598] {strides = array<i32>} : memref<2x128x128xf32, #tpu.memory_space<vmem>>, vector<16xf32>,
        %get3A_600 = arith.constant 0 : i32
        %get3A_601 = arith.index_cast %get3A_600 : i32 to index
        %get3A_602 = arith.index_cast %add3A_528 : i32 to index
        %get3A_603 = arith.constant 96 : index
        %get3A_604 = tpu.vector_load %arg12[%get3A_601, %get3A_602, %get3A_603] {strides = array<i32>} : memref<2x128x128xf32, #tpu.memory_space<vmem>>, vector<16xf32>,
        %add3A_605 = arith.addf %get3A_599, %get3A_604 : vector<16xf32>
        %get3A_606 = arith.constant 0 : i32
        %get3A_607 = arith.index_cast %get3A_606 : i32 to index
        %get3A_608 = arith.index_cast %add3A_528 : i32 to index
        %get3A_609 = arith.constant 112 : index
        %get3A_610 = tpu.vector_load %arg11[%get3A_607, %get3A_608, %get3A_609] {strides = array<i32>} : memref<2x128x128xf32, #tpu.memory_space<vmem>>, vector<16xf32>,
        %get3A_611 = arith.constant 0 : i32
        %get3A_612 = arith.index_cast %get3A_611 : i32 to index
        %get3A_613 = arith.index_cast %add3A_528 : i32 to index
        %get3A_614 = arith.constant 112 : index
        %get3A_615 = tpu.vector_load %arg12[%get3A_612, %get3A_613, %get3A_614] {strides = array<i32>} : memref<2x128x128xf32, #tpu.memory_space<vmem>>, vector<16xf32>,
        %add3A_616 = arith.addf %get3A_610, %get3A_615 : vector<16xf32>
        %mul3A_617 = arith.mulf %add3A_539, %add3A_539 : vector<16xf32>
        %add3A_618 = arith.addf %add3A_539, %add3A_550 : vector<16xf32>
        %mul3A_619 = arith.mulf %add3A_550, %add3A_550 : vector<16xf32>
        %add3A_620 = arith.addf %mul3A_617, %mul3A_619 : vector<16xf32>
        %add3A_621 = arith.addf %add3A_618, %add3A_561 : vector<16xf32>
        %mul3A_622 = arith.mulf %add3A_561, %add3A_561 : vector<16xf32>
        %add3A_623 = arith.addf %add3A_620, %mul3A_622 : vector<16xf32>
        %add3A_624 = arith.addf %add3A_621, %add3A_572 : vector<16xf32>
        %mul3A_625 = arith.mulf %add3A_572, %add3A_572 : vector<16xf32>
        %add3A_626 = arith.addf %add3A_623, %mul3A_625 : vector<16xf32>
        %add3A_627 = arith.addf %add3A_624, %add3A_583 : vector<16xf32>
        %mul3A_628 = arith.mulf %add3A_583, %add3A_583 : vector<16xf32>
        %add3A_629 = arith.addf %add3A_626, %mul3A_628 : vector<16xf32>
        %add3A_630 = arith.addf %add3A_627, %add3A_594 : vector<16xf32>
        %mul3A_631 = arith.mulf %add3A_594, %add3A_594 : vector<16xf32>
        %add3A_632 = arith.addf %add3A_629, %mul3A_631 : vector<16xf32>
        %add3A_633 = arith.addf %add3A_630, %add3A_605 : vector<16xf32>
        %mul3A_634 = arith.mulf %add3A_605, %add3A_605 : vector<16xf32>
        %add3A_635 = arith.addf %add3A_632, %mul3A_634 : vector<16xf32>
        %add3A_636 = arith.addf %add3A_633, %add3A_616 : vector<16xf32>
        %mul3A_637 = arith.mulf %add3A_616, %add3A_616 : vector<16xf32>
        %add3A_638 = arith.addf %add3A_635, %mul3A_637 : vector<16xf32>
        %reduce_sum3A_639 = arith.constant true
        %reduce_sum3A_640 = vector.broadcast %reduce_sum3A_639 : i1 to vector<16xi1>
        %reduce_sum3A_641 = tpu.scan <sum>, %add3A_636 masked %reduce_sum3A_640 : vector<16xf32>, vector<16xi1> -> vector<16xf32>
        %reduce_sum3A_642 = vector.extract %reduce_sum3A_641[15] : f32 from vector<16xf32>
        %reduce_sum3A_643 = arith.constant true
        %reduce_sum3A_644 = vector.broadcast %reduce_sum3A_643 : i1 to vector<16xi1>
        %reduce_sum3A_645 = tpu.scan <sum>, %add3A_638 masked %reduce_sum3A_644 : vector<16xf32>, vector<16xi1> -> vector<16xf32>
        %reduce_sum3A_646 = vector.extract %reduce_sum3A_645[15] : f32 from vector<16xf32>
        %mul3A_647 = arith.constant 7.812500e-03 : f32
        %mul3A_648 = arith.mulf %reduce_sum3A_642, %mul3A_647 : f32
        %mul3A_649 = arith.constant 7.812500e-03 : f32
        %mul3A_650 = arith.mulf %reduce_sum3A_646, %mul3A_649 : f32
        %mul3A_651 = arith.mulf %mul3A_648, %mul3A_648 : f32
        %sub3A_652 = arith.subf %mul3A_650, %mul3A_651 : f32
        %broadcast_in_dim3A_653 = vector.broadcast %mul3A_648 : f32 to vector<16xf32>
        %add3A_654 = arith.constant 7.812500e-08 : f32
        %add3A_655 = arith.addf %sub3A_652, %add3A_654 : f32
        %broadcast_in_dim3A_656 = vector.broadcast %add3A_655 : f32 to vector<16xf32>
        %bitcast3A_657 = vector.bitcast %broadcast_in_dim3A_656 : vector<16xf32> to vector<16xi32>
        %shift_right_arithmetic3A_658 = arith.constant 1 : i32
        %shift_right_arithmetic3A_659 = vector.broadcast %shift_right_arithmetic3A_658 : i32 to vector<16xi32>
        %shift_right_arithmetic3A_660 = arith.shrsi %bitcast3A_657, %shift_right_arithmetic3A_659 : vector<16xi32>
        %sub3A_661 = arith.constant 1597463007 : i32
        %sub3A_662 = vector.broadcast %sub3A_661 : i32 to vector<16xi32>
        %sub3A_663 = arith.subi %sub3A_662, %shift_right_arithmetic3A_660 : vector<16xi32>
        %bitcast3A_664 = vector.bitcast %sub3A_663 : vector<16xi32> to vector<16xf32>
        %mul3A_665 = arith.constant 5.000000e-01 : f32
        %mul3A_666 = vector.broadcast %mul3A_665 : f32 to vector<16xf32>
        %mul3A_667 = arith.mulf %mul3A_666, %broadcast_in_dim3A_656 : vector<16xf32>
        %mul3A_668 = arith.mulf %mul3A_667, %bitcast3A_664 : vector<16xf32>
        %mul3A_669 = arith.mulf %mul3A_668, %bitcast3A_664 : vector<16xf32>
        %sub3A_670 = arith.constant 1.500000e+00 : f32
        %sub3A_671 = vector.broadcast %sub3A_670 : f32 to vector<16xf32>
        %sub3A_672 = arith.subf %sub3A_671, %mul3A_669 : vector<16xf32>
        %mul3A_673 = arith.mulf %bitcast3A_664, %sub3A_672 : vector<16xf32>
        %mul3A_674 = arith.constant 5.000000e-01 : f32
        %mul3A_675 = vector.broadcast %mul3A_674 : f32 to vector<16xf32>
        %mul3A_676 = arith.mulf %mul3A_675, %broadcast_in_dim3A_656 : vector<16xf32>
        %mul3A_677 = arith.mulf %mul3A_676, %mul3A_673 : vector<16xf32>
        %mul3A_678 = arith.mulf %mul3A_677, %mul3A_673 : vector<16xf32>
        %sub3A_679 = arith.constant 1.500000e+00 : f32
        %sub3A_680 = vector.broadcast %sub3A_679 : f32 to vector<16xf32>
        %sub3A_681 = arith.subf %sub3A_680, %mul3A_678 : vector<16xf32>
        %mul3A_682 = arith.mulf %mul3A_673, %sub3A_681 : vector<16xf32>
        %mul3A_683 = arith.constant 5.000000e-01 : f32
        %mul3A_684 = vector.broadcast %mul3A_683 : f32 to vector<16xf32>
        %mul3A_685 = arith.mulf %mul3A_684, %broadcast_in_dim3A_656 : vector<16xf32>
        %mul3A_686 = arith.mulf %mul3A_685, %mul3A_682 : vector<16xf32>
        %mul3A_687 = arith.mulf %mul3A_686, %mul3A_682 : vector<16xf32>
        %sub3A_688 = arith.constant 1.500000e+00 : f32
        %sub3A_689 = vector.broadcast %sub3A_688 : f32 to vector<16xf32>
        %sub3A_690 = arith.subf %sub3A_689, %mul3A_687 : vector<16xf32>
        %mul3A_691 = arith.mulf %mul3A_682, %sub3A_690 : vector<16xf32>
        %sub3A_692 = arith.subf %add3A_539, %broadcast_in_dim3A_653 : vector<16xf32>
        %mul3A_693 = arith.mulf %sub3A_692, %mul3A_691 : vector<16xf32>
        %mul3A_694 = arith.mulf %mul3A_693, %get3A_3 : vector<16xf32>
        %add3A_695 = arith.addf %mul3A_694, %get3A_19 : vector<16xf32>
        %swap3A_696 = arith.constant 0 : i32
        %swap3A_697 = arith.index_cast %swap3A_696 : i32 to index
        %swap3A_698 = arith.index_cast %add3A_528 : i32 to index
        %swap3A_699 = arith.constant 0 : index
        %swap3A_700 = tpu.vector_load %arg13[%swap3A_697, %swap3A_698, %swap3A_699] {strides = array<i32>} : memref<2x128x128xf32, #tpu.memory_space<vmem>>, vector<16xf32>,
        tpu.vector_store %arg13[%swap3A_697, %swap3A_698, %swap3A_699], %add3A_695 {strides = array<i32>} : memref<2x128x128xf32, #tpu.memory_space<vmem>>, vector<16xf32>,
        %sub3A_701 = arith.subf %add3A_550, %broadcast_in_dim3A_653 : vector<16xf32>
        %mul3A_702 = arith.mulf %sub3A_701, %mul3A_691 : vector<16xf32>
        %mul3A_703 = arith.mulf %mul3A_702, %get3A_5 : vector<16xf32>
        %add3A_704 = arith.addf %mul3A_703, %get3A_21 : vector<16xf32>
        %swap3A_705 = arith.constant 0 : i32
        %swap3A_706 = arith.index_cast %swap3A_705 : i32 to index
        %swap3A_707 = arith.index_cast %add3A_528 : i32 to index
        %swap3A_708 = arith.constant 16 : index
        %swap3A_709 = tpu.vector_load %arg13[%swap3A_706, %swap3A_707, %swap3A_708] {strides = array<i32>} : memref<2x128x128xf32, #tpu.memory_space<vmem>>, vector<16xf32>,
        tpu.vector_store %arg13[%swap3A_706, %swap3A_707, %swap3A_708], %add3A_704 {strides = array<i32>} : memref<2x128x128xf32, #tpu.memory_space<vmem>>, vector<16xf32>,
        %sub3A_710 = arith.subf %add3A_561, %broadcast_in_dim3A_653 : vector<16xf32>
        %mul3A_711 = arith.mulf %sub3A_710, %mul3A_691 : vector<16xf32>
        %mul3A_712 = arith.mulf %mul3A_711, %get3A_7 : vector<16xf32>
        %add3A_713 = arith.addf %mul3A_712, %get3A_23 : vector<16xf32>
        %swap3A_714 = arith.constant 0 : i32
        %swap3A_715 = arith.index_cast %swap3A_714 : i32 to index
        %swap3A_716 = arith.index_cast %add3A_528 : i32 to index
        %swap3A_717 = arith.constant 32 : index
        %swap3A_718 = tpu.vector_load %arg13[%swap3A_715, %swap3A_716, %swap3A_717] {strides = array<i32>} : memref<2x128x128xf32, #tpu.memory_space<vmem>>, vector<16xf32>,
        tpu.vector_store %arg13[%swap3A_715, %swap3A_716, %swap3A_717], %add3A_713 {strides = array<i32>} : memref<2x128x128xf32, #tpu.memory_space<vmem>>, vector<16xf32>,
        %sub3A_719 = arith.subf %add3A_572, %broadcast_in_dim3A_653 : vector<16xf32>
        %mul3A_720 = arith.mulf %sub3A_719, %mul3A_691 : vector<16xf32>
        %mul3A_721 = arith.mulf %mul3A_720, %get3A_9 : vector<16xf32>
        %add3A_722 = arith.addf %mul3A_721, %get3A_25 : vector<16xf32>
        %swap3A_723 = arith.constant 0 : i32
        %swap3A_724 = arith.index_cast %swap3A_723 : i32 to index
        %swap3A_725 = arith.index_cast %add3A_528 : i32 to index
        %swap3A_726 = arith.constant 48 : index
        %swap3A_727 = tpu.vector_load %arg13[%swap3A_724, %swap3A_725, %swap3A_726] {strides = array<i32>} : memref<2x128x128xf32, #tpu.memory_space<vmem>>, vector<16xf32>,
        tpu.vector_store %arg13[%swap3A_724, %swap3A_725, %swap3A_726], %add3A_722 {strides = array<i32>} : memref<2x128x128xf32, #tpu.memory_space<vmem>>, vector<16xf32>,
        %sub3A_728 = arith.subf %add3A_583, %broadcast_in_dim3A_653 : vector<16xf32>
        %mul3A_729 = arith.mulf %sub3A_728, %mul3A_691 : vector<16xf32>
        %mul3A_730 = arith.mulf %mul3A_729, %get3A_11 : vector<16xf32>
        %add3A_731 = arith.addf %mul3A_730, %get3A_27 : vector<16xf32>
        %swap3A_732 = arith.constant 0 : i32
        %swap3A_733 = arith.index_cast %swap3A_732 : i32 to index
        %swap3A_734 = arith.index_cast %add3A_528 : i32 to index
        %swap3A_735 = arith.constant 64 : index
        %swap3A_736 = tpu.vector_load %arg13[%swap3A_733, %swap3A_734, %swap3A_735] {strides = array<i32>} : memref<2x128x128xf32, #tpu.memory_space<vmem>>, vector<16xf32>,
        tpu.vector_store %arg13[%swap3A_733, %swap3A_734, %swap3A_735], %add3A_731 {strides = array<i32>} : memref<2x128x128xf32, #tpu.memory_space<vmem>>, vector<16xf32>,
        %sub3A_737 = arith.subf %add3A_594, %broadcast_in_dim3A_653 : vector<16xf32>
        %mul3A_738 = arith.mulf %sub3A_737, %mul3A_691 : vector<16xf32>
        %mul3A_739 = arith.mulf %mul3A_738, %get3A_13 : vector<16xf32>
        %add3A_740 = arith.addf %mul3A_739, %get3A_29 : vector<16xf32>
        %swap3A_741 = arith.constant 0 : i32
        %swap3A_742 = arith.index_cast %swap3A_741 : i32 to index
        %swap3A_743 = arith.index_cast %add3A_528 : i32 to index
        %swap3A_744 = arith.constant 80 : index
        %swap3A_745 = tpu.vector_load %arg13[%swap3A_742, %swap3A_743, %swap3A_744] {strides = array<i32>} : memref<2x128x128xf32, #tpu.memory_space<vmem>>, vector<16xf32>,
        tpu.vector_store %arg13[%swap3A_742, %swap3A_743, %swap3A_744], %add3A_740 {strides = array<i32>} : memref<2x128x128xf32, #tpu.memory_space<vmem>>, vector<16xf32>,
        %sub3A_746 = arith.subf %add3A_605, %broadcast_in_dim3A_653 : vector<16xf32>
        %mul3A_747 = arith.mulf %sub3A_746, %mul3A_691 : vector<16xf32>
        %mul3A_748 = arith.mulf %mul3A_747, %get3A_15 : vector<16xf32>
        %add3A_749 = arith.addf %mul3A_748, %get3A_31 : vector<16xf32>
        %swap3A_750 = arith.constant 0 : i32
        %swap3A_751 = arith.index_cast %swap3A_750 : i32 to index
        %swap3A_752 = arith.index_cast %add3A_528 : i32 to index
        %swap3A_753 = arith.constant 96 : index
        %swap3A_754 = tpu.vector_load %arg13[%swap3A_751, %swap3A_752, %swap3A_753] {strides = array<i32>} : memref<2x128x128xf32, #tpu.memory_space<vmem>>, vector<16xf32>,
        tpu.vector_store %arg13[%swap3A_751, %swap3A_752, %swap3A_753], %add3A_749 {strides = array<i32>} : memref<2x128x128xf32, #tpu.memory_space<vmem>>, vector<16xf32>,
        %sub3A_755 = arith.subf %add3A_616, %broadcast_in_dim3A_653 : vector<16xf32>
        %mul3A_756 = arith.mulf %sub3A_755, %mul3A_691 : vector<16xf32>
        %mul3A_757 = arith.mulf %mul3A_756, %get3A_17 : vector<16xf32>
        %add3A_758 = arith.addf %mul3A_757, %get3A_33 : vector<16xf32>
        %swap3A_759 = arith.constant 0 : i32
        %swap3A_760 = arith.index_cast %swap3A_759 : i32 to index
        %swap3A_761 = arith.index_cast %add3A_528 : i32 to index
        %swap3A_762 = arith.constant 112 : index
        %swap3A_763 = tpu.vector_load %arg13[%swap3A_760, %swap3A_761, %swap3A_762] {strides = array<i32>} : memref<2x128x128xf32, #tpu.memory_space<vmem>>, vector<16xf32>,
        tpu.vector_store %arg13[%swap3A_760, %swap3A_761, %swap3A_762], %add3A_758 {strides = array<i32>} : memref<2x128x128xf32, #tpu.memory_space<vmem>>, vector<16xf32>,
      }
      %scan3A_204 = arith.constant 64 : i32
      %mul3A_205 = arith.constant 128 : i32
      %mul3A_206 = arith.muli %add3A_159, %mul3A_205 : i32
      %add3A_207 = arith.addi %mul3A_2, %mul3A_206 : i32
      %dma_start3A_208 = arith.constant 0 : i32
      %dma_start3A_209 = arith.constant 0 : i32
      %dma_start3A_210 = arith.constant 0 : i32
      %dma_start3A_211 = tpu.memref_slice %arg13[%dma_start3A_208, %dma_start3A_209, %dma_start3A_210] : memref<2x128x128xf32, #tpu.memory_space<vmem>> -> memref<1x128x128xf32, #tpu.memory_space<vmem>>
      %dma_start3A_212 = tpu.memref_squeeze %dma_start3A_211 : memref<1x128x128xf32, #tpu.memory_space<vmem>> -> memref<128x128xf32, #tpu.memory_space<vmem>>
      %dma_start3A_213 = arith.constant 0 : i32
      %dma_start3A_214 = tpu.memref_slice %arg8[%add3A_207, %dma_start3A_213] : memref<819200x128xf32, #tpu.memory_space<hbm>> -> memref<128x128xf32, #tpu.memory_space<hbm>>
      %dma_start3A_215 = arith.constant 0 : i32
      %dma_start3A_216 = tpu.memref_slice %arg8[%add3A_207, %dma_start3A_215] : memref<819200x128xf32, #tpu.memory_space<hbm>> -> memref<128x128xf32, #tpu.memory_space<hbm>>
      %dma_start3A_217 = arith.constant 0 : i32
      %dma_start3A_218 = arith.constant 0 : i32
      %dma_start3A_219 = tpu.memref_slice %arg13[%dma_start3A_208, %dma_start3A_217, %dma_start3A_218] : memref<2x128x128xf32, #tpu.memory_space<vmem>> -> memref<1x128x128xf32, #tpu.memory_space<vmem>>
      %dma_start3A_220 = tpu.memref_squeeze %dma_start3A_219 : memref<1x128x128xf32, #tpu.memory_space<vmem>> -> memref<128x128xf32, #tpu.memory_space<vmem>>
      tpu.enqueue_dma source(%dma_start3A_220 : memref<128x128xf32, #tpu.memory_space<vmem>>) target(%dma_start3A_216 : memref<128x128xf32, #tpu.memory_space<hbm>>) target_semaphore(%arg20 : memref<!tpu.dma_semaphore, #tpu.memory_space<semaphore_mem>>)
      %mul3A_221 = arith.constant 2 : i32
      %mul3A_222 = arith.muli %mul3A_221, %scan3A_154 : i32
      %add3A_223 = arith.constant 1 : i32
      %add3A_224 = arith.addi %mul3A_222, %add3A_223 : i32
      %dma_wait3A_225 = arith.constant 1 : i32
      %dma_wait3A_226 = arith.constant 1 : i32
      %dma_wait3A_227 = arith.constant 0 : i32
      %dma_wait3A_228 = arith.constant 0 : i32
      %dma_wait3A_229 = tpu.memref_slice %arg11[%dma_wait3A_226, %dma_wait3A_227, %dma_wait3A_228] : memref<2x128x128xf32, #tpu.memory_space<vmem>> -> memref<1x128x128xf32, #tpu.memory_space<vmem>>
      %dma_wait3A_230 = tpu.memref_squeeze %dma_wait3A_229 : memref<1x128x128xf32, #tpu.memory_space<vmem>> -> memref<128x128xf32, #tpu.memory_space<vmem>>
      %dma_wait3A_231 = arith.constant 0 : i32
      %dma_wait3A_232 = tpu.memref_slice %arg9[%dma_wait3A_225, %dma_wait3A_231] : memref<2x128xi32, #tpu.memory_space<vmem>> -> memref<1x128xi32, #tpu.memory_space<vmem>>
      %dma_wait3A_233 = tpu.memref_squeeze %dma_wait3A_232 : memref<1x128xi32, #tpu.memory_space<vmem>> -> memref<128xi32, #tpu.memory_space<vmem>>
      %dma_wait3A_234 = arith.constant 0 : i32
      %dma_wait3A_235 = arith.constant 0 : i32
      %dma_wait3A_236 = tpu.memref_slice %arg4[%dma_wait3A_234, %dma_wait3A_235] : memref<100000x128xf32, #tpu.memory_space<hbm>> -> memref<100000x128xf32, #tpu.memory_space<hbm>>
      tpu.wait_indirect_dma semaphore(%arg19 : memref<!tpu.dma_semaphore, #tpu.memory_space<semaphore_mem>>) src(%dma_wait3A_236 : memref<100000x128xf32, #tpu.memory_space<hbm>>) dst(%dma_wait3A_230 : memref<128x128xf32, #tpu.memory_space<vmem>>)
      %dma_wait3A_237 = arith.constant 1 : i32
      %dma_wait3A_238 = arith.constant 1 : i32
      %dma_wait3A_239 = arith.constant 0 : i32
      %dma_wait3A_240 = arith.constant 0 : i32
      %dma_wait3A_241 = tpu.memref_slice %arg12[%dma_wait3A_238, %dma_wait3A_239, %dma_wait3A_240] : memref<2x128x128xf32, #tpu.memory_space<vmem>> -> memref<1x128x128xf32, #tpu.memory_space<vmem>>
      %dma_wait3A_242 = tpu.memref_squeeze %dma_wait3A_241 : memref<1x128x128xf32, #tpu.memory_space<vmem>> -> memref<128x128xf32, #tpu.memory_space<vmem>>
      %dma_wait3A_243 = arith.constant 0 : i32
      %dma_wait3A_244 = tpu.memref_slice %arg10[%dma_wait3A_237, %dma_wait3A_243] : memref<2x128xi32, #tpu.memory_space<vmem>> -> memref<1x128xi32, #tpu.memory_space<vmem>>
      %dma_wait3A_245 = tpu.memref_squeeze %dma_wait3A_244 : memref<1x128xi32, #tpu.memory_space<vmem>> -> memref<128xi32, #tpu.memory_space<vmem>>
      %dma_wait3A_246 = arith.constant 0 : i32
      %dma_wait3A_247 = arith.constant 0 : i32
      %dma_wait3A_248 = tpu.memref_slice %arg5[%dma_wait3A_246, %dma_wait3A_247] : memref<512x128xf32, #tpu.memory_space<hbm>> -> memref<512x128xf32, #tpu.memory_space<hbm>>
      tpu.wait_indirect_dma semaphore(%arg19 : memref<!tpu.dma_semaphore, #tpu.memory_space<semaphore_mem>>) src(%dma_wait3A_248 : memref<512x128xf32, #tpu.memory_space<hbm>>) dst(%dma_wait3A_242 : memref<128x128xf32, #tpu.memory_space<vmem>>)
      %add3A_249 = arith.constant 2 : i32
      %add3A_250 = arith.addi %add3A_224, %add3A_249 : i32
      %lt3A_251 = arith.constant 200 : i32
      %lt3A_252 = arith.cmpi slt, %add3A_250, %lt3A_251 : i32
      %convert_element_type3A_253 = arith.extui %lt3A_252 : i1 to i32
      %cond3A_254 = arith.constant 0 : i32
      %cond3A_255 = arith.cmpi ne, %convert_element_type3A_253, %cond3A_254 : i32
      scf.if %cond3A_255 {
        %add3A_291 = arith.constant 2 : i32
        %add3A_292 = arith.addi %add3A_224, %add3A_291 : i32
        %mul3A_293 = arith.constant 128 : i32
        %mul3A_294 = arith.muli %add3A_292, %mul3A_293 : i32
        %add3A_295 = arith.addi %mul3A_2, %mul3A_294 : i32
        %dma_start3A_296 = arith.constant 1 : i32
        %dma_start3A_297 = arith.constant 0 : i32
        %dma_start3A_298 = tpu.memref_slice %arg9[%dma_start3A_296, %dma_start3A_297] : memref<2x128xi32, #tpu.memory_space<vmem>> -> memref<1x128xi32, #tpu.memory_space<vmem>>
        %dma_start3A_299 = tpu.memref_squeeze %dma_start3A_298 : memref<1x128xi32, #tpu.memory_space<vmem>> -> memref<128xi32, #tpu.memory_space<vmem>>
        %dma_start3A_300 = tpu.memref_slice %arg2[%add3A_295] : memref<819200xi32, #tpu.memory_space<hbm>> -> memref<128xi32, #tpu.memory_space<hbm>>
        %dma_start3A_301 = arith.constant 0 : i32
        %dma_start3A_302 = tpu.memref_slice %arg9[%dma_start3A_296, %dma_start3A_301] : memref<2x128xi32, #tpu.memory_space<vmem>> -> memref<1x128xi32, #tpu.memory_space<vmem>>
        %dma_start3A_303 = tpu.memref_squeeze %dma_start3A_302 : memref<1x128xi32, #tpu.memory_space<vmem>> -> memref<128xi32, #tpu.memory_space<vmem>>
        %dma_start3A_304 = tpu.memref_slice %arg2[%add3A_295] : memref<819200xi32, #tpu.memory_space<hbm>> -> memref<128xi32, #tpu.memory_space<hbm>>
        tpu.enqueue_dma source(%dma_start3A_304 : memref<128xi32, #tpu.memory_space<hbm>>) target(%dma_start3A_303 : memref<128xi32, #tpu.memory_space<vmem>>) target_semaphore(%arg17 : memref<!tpu.dma_semaphore, #tpu.memory_space<semaphore_mem>>)
        %dma_start3A_305 = arith.constant 1 : i32
        %dma_start3A_306 = arith.constant 0 : i32
        %dma_start3A_307 = tpu.memref_slice %arg10[%dma_start3A_305, %dma_start3A_306] : memref<2x128xi32, #tpu.memory_space<vmem>> -> memref<1x128xi32, #tpu.memory_space<vmem>>
        %dma_start3A_308 = tpu.memref_squeeze %dma_start3A_307 : memref<1x128xi32, #tpu.memory_space<vmem>> -> memref<128xi32, #tpu.memory_space<vmem>>
        %dma_start3A_309 = tpu.memref_slice %arg3[%add3A_295] : memref<819200xi32, #tpu.memory_space<hbm>> -> memref<128xi32, #tpu.memory_space<hbm>>
        %dma_start3A_310 = arith.constant 0 : i32
        %dma_start3A_311 = tpu.memref_slice %arg10[%dma_start3A_305, %dma_start3A_310] : memref<2x128xi32, #tpu.memory_space<vmem>> -> memref<1x128xi32, #tpu.memory_space<vmem>>
        %dma_start3A_312 = tpu.memref_squeeze %dma_start3A_311 : memref<1x128xi32, #tpu.memory_space<vmem>> -> memref<128xi32, #tpu.memory_space<vmem>>
        %dma_start3A_313 = tpu.memref_slice %arg3[%add3A_295] : memref<819200xi32, #tpu.memory_space<hbm>> -> memref<128xi32, #tpu.memory_space<hbm>>
        tpu.enqueue_dma source(%dma_start3A_313 : memref<128xi32, #tpu.memory_space<hbm>>) target(%dma_start3A_312 : memref<128xi32, #tpu.memory_space<vmem>>) target_semaphore(%arg17 : memref<!tpu.dma_semaphore, #tpu.memory_space<semaphore_mem>>)
      } else {
      }
      %add3A_256 = arith.constant 1 : i32
      %add3A_257 = arith.addi %add3A_224, %add3A_256 : i32
      %lt3A_258 = arith.constant 200 : i32
      %lt3A_259 = arith.cmpi slt, %add3A_257, %lt3A_258 : i32
      %convert_element_type3A_260 = arith.extui %lt3A_259 : i1 to i32
      %cond3A_261 = arith.constant 0 : i32
      %cond3A_262 = arith.cmpi ne, %convert_element_type3A_260, %cond3A_261 : i32
      scf.if %cond3A_262 {
        %dma_wait3A_291 = arith.constant 0 : i32
        %dma_wait3A_292 = arith.constant 0 : i32
        %dma_wait3A_293 = tpu.memref_slice %arg9[%dma_wait3A_291, %dma_wait3A_292] : memref<2x128xi32, #tpu.memory_space<vmem>> -> memref<1x128xi32, #tpu.memory_space<vmem>>
        %dma_wait3A_294 = tpu.memref_squeeze %dma_wait3A_293 : memref<1x128xi32, #tpu.memory_space<vmem>> -> memref<128xi32, #tpu.memory_space<vmem>>
        %dma_wait3A_295 = arith.constant 0 : i32
        %dma_wait3A_296 = tpu.memref_slice %arg2[%dma_wait3A_295] : memref<819200xi32, #tpu.memory_space<hbm>> -> memref<128xi32, #tpu.memory_space<hbm>>
        %dma_wait3A_297 = arith.constant 0 : i32
        %dma_wait3A_298 = tpu.memref_slice %arg9[%dma_wait3A_291, %dma_wait3A_297] : memref<2x128xi32, #tpu.memory_space<vmem>> -> memref<1x128xi32, #tpu.memory_space<vmem>>
        %dma_wait3A_299 = tpu.memref_squeeze %dma_wait3A_298 : memref<1x128xi32, #tpu.memory_space<vmem>> -> memref<128xi32, #tpu.memory_space<vmem>>
        %dma_wait3A_300 = arith.constant 0 : i32
        %dma_wait3A_301 = tpu.memref_slice %arg2[%dma_wait3A_300] : memref<819200xi32, #tpu.memory_space<hbm>> -> memref<128xi32, #tpu.memory_space<hbm>>
        tpu.wait_dma2 semaphore(%arg16 : memref<!tpu.dma_semaphore, #tpu.memory_space<semaphore_mem>>) src(%dma_wait3A_301 : memref<128xi32, #tpu.memory_space<hbm>>) dst(%dma_wait3A_299 : memref<128xi32, #tpu.memory_space<vmem>>)
        %dma_wait3A_302 = arith.constant 0 : i32
        %dma_wait3A_303 = arith.constant 0 : i32
        %dma_wait3A_304 = tpu.memref_slice %arg10[%dma_wait3A_302, %dma_wait3A_303] : memref<2x128xi32, #tpu.memory_space<vmem>> -> memref<1x128xi32, #tpu.memory_space<vmem>>
        %dma_wait3A_305 = tpu.memref_squeeze %dma_wait3A_304 : memref<1x128xi32, #tpu.memory_space<vmem>> -> memref<128xi32, #tpu.memory_space<vmem>>
        %dma_wait3A_306 = arith.constant 0 : i32
        %dma_wait3A_307 = tpu.memref_slice %arg3[%dma_wait3A_306] : memref<819200xi32, #tpu.memory_space<hbm>> -> memref<128xi32, #tpu.memory_space<hbm>>
        %dma_wait3A_308 = arith.constant 0 : i32
        %dma_wait3A_309 = tpu.memref_slice %arg10[%dma_wait3A_302, %dma_wait3A_308] : memref<2x128xi32, #tpu.memory_space<vmem>> -> memref<1x128xi32, #tpu.memory_space<vmem>>
        %dma_wait3A_310 = tpu.memref_squeeze %dma_wait3A_309 : memref<1x128xi32, #tpu.memory_space<vmem>> -> memref<128xi32, #tpu.memory_space<vmem>>
        %dma_wait3A_311 = arith.constant 0 : i32
        %dma_wait3A_312 = tpu.memref_slice %arg3[%dma_wait3A_311] : memref<819200xi32, #tpu.memory_space<hbm>> -> memref<128xi32, #tpu.memory_space<hbm>>
        tpu.wait_dma2 semaphore(%arg16 : memref<!tpu.dma_semaphore, #tpu.memory_space<semaphore_mem>>) src(%dma_wait3A_312 : memref<128xi32, #tpu.memory_space<hbm>>) dst(%dma_wait3A_310 : memref<128xi32, #tpu.memory_space<vmem>>)
        %dma_start3A_313 = arith.constant 0 : i32
        %dma_start3A_314 = arith.constant 0 : i32
        %dma_start3A_315 = arith.constant 0 : i32
        %dma_start3A_316 = arith.constant 0 : i32
        %dma_start3A_317 = tpu.memref_slice %arg11[%dma_start3A_314, %dma_start3A_315, %dma_start3A_316] : memref<2x128x128xf32, #tpu.memory_space<vmem>> -> memref<1x128x128xf32, #tpu.memory_space<vmem>>
        %dma_start3A_318 = tpu.memref_squeeze %dma_start3A_317 : memref<1x128x128xf32, #tpu.memory_space<vmem>> -> memref<128x128xf32, #tpu.memory_space<vmem>>
        %dma_start3A_319 = arith.constant 0 : i32
        %dma_start3A_320 = tpu.memref_slice %arg9[%dma_start3A_313, %dma_start3A_319] : memref<2x128xi32, #tpu.memory_space<vmem>> -> memref<1x128xi32, #tpu.memory_space<vmem>>
        %dma_start3A_321 = tpu.memref_squeeze %dma_start3A_320 : memref<1x128xi32, #tpu.memory_space<vmem>> -> memref<128xi32, #tpu.memory_space<vmem>>
        %dma_start3A_322 = arith.constant 0 : i32
        %dma_start3A_323 = arith.constant 0 : i32
        %dma_start3A_324 = tpu.memref_slice %arg4[%dma_start3A_322, %dma_start3A_323] : memref<100000x128xf32, #tpu.memory_space<hbm>> -> memref<100000x128xf32, #tpu.memory_space<hbm>>
        tpu.enqueue_indirect_dma source(%dma_start3A_324 : memref<100000x128xf32, #tpu.memory_space<hbm>>) target(%dma_start3A_318 : memref<128x128xf32, #tpu.memory_space<vmem>>) offsets(%dma_start3A_321 : memref<128xi32, #tpu.memory_space<vmem>>) semaphore(%arg18 : memref<!tpu.dma_semaphore, #tpu.memory_space<semaphore_mem>>)
        %dma_start3A_325 = arith.constant 0 : i32
        %dma_start3A_326 = arith.constant 0 : i32
        %dma_start3A_327 = arith.constant 0 : i32
        %dma_start3A_328 = arith.constant 0 : i32
        %dma_start3A_329 = tpu.memref_slice %arg12[%dma_start3A_326, %dma_start3A_327, %dma_start3A_328] : memref<2x128x128xf32, #tpu.memory_space<vmem>> -> memref<1x128x128xf32, #tpu.memory_space<vmem>>
        %dma_start3A_330 = tpu.memref_squeeze %dma_start3A_329 : memref<1x128x128xf32, #tpu.memory_space<vmem>> -> memref<128x128xf32, #tpu.memory_space<vmem>>
        %dma_start3A_331 = arith.constant 0 : i32
        %dma_start3A_332 = tpu.memref_slice %arg10[%dma_start3A_325, %dma_start3A_331] : memref<2x128xi32, #tpu.memory_space<vmem>> -> memref<1x128xi32, #tpu.memory_space<vmem>>
        %dma_start3A_333 = tpu.memref_squeeze %dma_start3A_332 : memref<1x128xi32, #tpu.memory_space<vmem>> -> memref<128xi32, #tpu.memory_space<vmem>>
        %dma_start3A_334 = arith.constant 0 : i32
        %dma_start3A_335 = arith.constant 0 : i32
        %dma_start3A_336 = tpu.memref_slice %arg5[%dma_start3A_334, %dma_start3A_335] : memref<512x128xf32, #tpu.memory_space<hbm>> -> memref<512x128xf32, #tpu.memory_space<hbm>>
        tpu.enqueue_indirect_dma source(%dma_start3A_336 : memref<512x128xf32, #tpu.memory_space<hbm>>) target(%dma_start3A_330 : memref<128x128xf32, #tpu.memory_space<vmem>>) offsets(%dma_start3A_333 : memref<128xi32, #tpu.memory_space<vmem>>) semaphore(%arg18 : memref<!tpu.dma_semaphore, #tpu.memory_space<semaphore_mem>>)
      } else {
      }
      %ge3A_263 = arith.constant 2 : i32
      %ge3A_264 = arith.cmpi sge, %add3A_224, %ge3A_263 : i32
      %convert_element_type3A_265 = arith.extui %ge3A_264 : i1 to i32
      %cond3A_266 = arith.constant 0 : i32
      %cond3A_267 = arith.cmpi ne, %convert_element_type3A_265, %cond3A_266 : i32
      scf.if %cond3A_267 {
        %dma_wait3A_291 = arith.constant 1 : i32
        %dma_wait3A_292 = arith.constant 0 : i32
        %dma_wait3A_293 = arith.constant 0 : i32
        %dma_wait3A_294 = tpu.memref_slice %arg13[%dma_wait3A_291, %dma_wait3A_292, %dma_wait3A_293] : memref<2x128x128xf32, #tpu.memory_space<vmem>> -> memref<1x128x128xf32, #tpu.memory_space<vmem>>
        %dma_wait3A_295 = tpu.memref_squeeze %dma_wait3A_294 : memref<1x128x128xf32, #tpu.memory_space<vmem>> -> memref<128x128xf32, #tpu.memory_space<vmem>>
        %dma_wait3A_296 = arith.constant 0 : i32
        %dma_wait3A_297 = arith.constant 0 : i32
        %dma_wait3A_298 = tpu.memref_slice %arg8[%dma_wait3A_296, %dma_wait3A_297] : memref<819200x128xf32, #tpu.memory_space<hbm>> -> memref<128x128xf32, #tpu.memory_space<hbm>>
        %dma_wait3A_299 = arith.constant 0 : i32
        %dma_wait3A_300 = arith.constant 0 : i32
        %dma_wait3A_301 = tpu.memref_slice %arg8[%dma_wait3A_299, %dma_wait3A_300] : memref<819200x128xf32, #tpu.memory_space<hbm>> -> memref<128x128xf32, #tpu.memory_space<hbm>>
        %dma_wait3A_302 = arith.constant 0 : i32
        %dma_wait3A_303 = arith.constant 0 : i32
        %dma_wait3A_304 = tpu.memref_slice %arg13[%dma_wait3A_291, %dma_wait3A_302, %dma_wait3A_303] : memref<2x128x128xf32, #tpu.memory_space<vmem>> -> memref<1x128x128xf32, #tpu.memory_space<vmem>>
        %dma_wait3A_305 = tpu.memref_squeeze %dma_wait3A_304 : memref<1x128x128xf32, #tpu.memory_space<vmem>> -> memref<128x128xf32, #tpu.memory_space<vmem>>
        tpu.wait_dma2 semaphore(%arg21 : memref<!tpu.dma_semaphore, #tpu.memory_space<semaphore_mem>>) src(%dma_wait3A_305 : memref<128x128xf32, #tpu.memory_space<vmem>>) dst(%dma_wait3A_301 : memref<128x128xf32, #tpu.memory_space<hbm>>)
      } else {
      }
      %scan3A_268 = arith.constant 0 : i32
      %scan3A_269 = arith.constant 0 : i32
      %scan3A_270 = arith.constant 64 : i32
      %scan3A_271 = arith.addi %scan3A_269, %scan3A_270 : i32
      %scan3A_272 = arith.constant 1 : i32
      scf.for %scan3A_291 = %scan3A_269 to %scan3A_271 step %scan3A_272  : i32 {
        %mul3A_292 = arith.constant 2 : i32
        %mul3A_293 = arith.muli %scan3A_291, %mul3A_292 : i32
        %add3A_294 = arith.constant 0 : i32
        %add3A_295 = arith.addi %mul3A_293, %add3A_294 : i32
        %get3A_296 = arith.constant 1 : i32
        %get3A_297 = arith.index_cast %get3A_296 : i32 to index
        %get3A_298 = arith.index_cast %add3A_295 : i32 to index
        %get3A_299 = arith.constant 0 : index
        %get3A_300 = tpu.vector_load %arg11[%get3A_297, %get3A_298, %get3A_299] {strides = array<i32>} : memref<2x128x128xf32, #tpu.memory_space<vmem>>, vector<16xf32>,
        %get3A_301 = arith.constant 1 : i32
        %get3A_302 = arith.index_cast %get3A_301 : i32 to index
        %get3A_303 = arith.index_cast %add3A_295 : i32 to index
        %get3A_304 = arith.constant 0 : index
        %get3A_305 = tpu.vector_load %arg12[%get3A_302, %get3A_303, %get3A_304] {strides = array<i32>} : memref<2x128x128xf32, #tpu.memory_space<vmem>>, vector<16xf32>,
        %add3A_306 = arith.addf %get3A_300, %get3A_305 : vector<16xf32>
        %get3A_307 = arith.constant 1 : i32
        %get3A_308 = arith.index_cast %get3A_307 : i32 to index
        %get3A_309 = arith.index_cast %add3A_295 : i32 to index
        %get3A_310 = arith.constant 16 : index
        %get3A_311 = tpu.vector_load %arg11[%get3A_308, %get3A_309, %get3A_310] {strides = array<i32>} : memref<2x128x128xf32, #tpu.memory_space<vmem>>, vector<16xf32>,
        %get3A_312 = arith.constant 1 : i32
        %get3A_313 = arith.index_cast %get3A_312 : i32 to index
        %get3A_314 = arith.index_cast %add3A_295 : i32 to index
        %get3A_315 = arith.constant 16 : index
        %get3A_316 = tpu.vector_load %arg12[%get3A_313, %get3A_314, %get3A_315] {strides = array<i32>} : memref<2x128x128xf32, #tpu.memory_space<vmem>>, vector<16xf32>,
        %add3A_317 = arith.addf %get3A_311, %get3A_316 : vector<16xf32>
        %get3A_318 = arith.constant 1 : i32
        %get3A_319 = arith.index_cast %get3A_318 : i32 to index
        %get3A_320 = arith.index_cast %add3A_295 : i32 to index
        %get3A_321 = arith.constant 32 : index
        %get3A_322 = tpu.vector_load %arg11[%get3A_319, %get3A_320, %get3A_321] {strides = array<i32>} : memref<2x128x128xf32, #tpu.memory_space<vmem>>, vector<16xf32>,
        %get3A_323 = arith.constant 1 : i32
        %get3A_324 = arith.index_cast %get3A_323 : i32 to index
        %get3A_325 = arith.index_cast %add3A_295 : i32 to index
        %get3A_326 = arith.constant 32 : index
        %get3A_327 = tpu.vector_load %arg12[%get3A_324, %get3A_325, %get3A_326] {strides = array<i32>} : memref<2x128x128xf32, #tpu.memory_space<vmem>>, vector<16xf32>,
        %add3A_328 = arith.addf %get3A_322, %get3A_327 : vector<16xf32>
        %get3A_329 = arith.constant 1 : i32
        %get3A_330 = arith.index_cast %get3A_329 : i32 to index
        %get3A_331 = arith.index_cast %add3A_295 : i32 to index
        %get3A_332 = arith.constant 48 : index
        %get3A_333 = tpu.vector_load %arg11[%get3A_330, %get3A_331, %get3A_332] {strides = array<i32>} : memref<2x128x128xf32, #tpu.memory_space<vmem>>, vector<16xf32>,
        %get3A_334 = arith.constant 1 : i32
        %get3A_335 = arith.index_cast %get3A_334 : i32 to index
        %get3A_336 = arith.index_cast %add3A_295 : i32 to index
        %get3A_337 = arith.constant 48 : index
        %get3A_338 = tpu.vector_load %arg12[%get3A_335, %get3A_336, %get3A_337] {strides = array<i32>} : memref<2x128x128xf32, #tpu.memory_space<vmem>>, vector<16xf32>,
        %add3A_339 = arith.addf %get3A_333, %get3A_338 : vector<16xf32>
        %get3A_340 = arith.constant 1 : i32
        %get3A_341 = arith.index_cast %get3A_340 : i32 to index
        %get3A_342 = arith.index_cast %add3A_295 : i32 to index
        %get3A_343 = arith.constant 64 : index
        %get3A_344 = tpu.vector_load %arg11[%get3A_341, %get3A_342, %get3A_343] {strides = array<i32>} : memref<2x128x128xf32, #tpu.memory_space<vmem>>, vector<16xf32>,
        %get3A_345 = arith.constant 1 : i32
        %get3A_346 = arith.index_cast %get3A_345 : i32 to index
        %get3A_347 = arith.index_cast %add3A_295 : i32 to index
        %get3A_348 = arith.constant 64 : index
        %get3A_349 = tpu.vector_load %arg12[%get3A_346, %get3A_347, %get3A_348] {strides = array<i32>} : memref<2x128x128xf32, #tpu.memory_space<vmem>>, vector<16xf32>,
        %add3A_350 = arith.addf %get3A_344, %get3A_349 : vector<16xf32>
        %get3A_351 = arith.constant 1 : i32
        %get3A_352 = arith.index_cast %get3A_351 : i32 to index
        %get3A_353 = arith.index_cast %add3A_295 : i32 to index
        %get3A_354 = arith.constant 80 : index
        %get3A_355 = tpu.vector_load %arg11[%get3A_352, %get3A_353, %get3A_354] {strides = array<i32>} : memref<2x128x128xf32, #tpu.memory_space<vmem>>, vector<16xf32>,
        %get3A_356 = arith.constant 1 : i32
        %get3A_357 = arith.index_cast %get3A_356 : i32 to index
        %get3A_358 = arith.index_cast %add3A_295 : i32 to index
        %get3A_359 = arith.constant 80 : index
        %get3A_360 = tpu.vector_load %arg12[%get3A_357, %get3A_358, %get3A_359] {strides = array<i32>} : memref<2x128x128xf32, #tpu.memory_space<vmem>>, vector<16xf32>,
        %add3A_361 = arith.addf %get3A_355, %get3A_360 : vector<16xf32>
        %get3A_362 = arith.constant 1 : i32
        %get3A_363 = arith.index_cast %get3A_362 : i32 to index
        %get3A_364 = arith.index_cast %add3A_295 : i32 to index
        %get3A_365 = arith.constant 96 : index
        %get3A_366 = tpu.vector_load %arg11[%get3A_363, %get3A_364, %get3A_365] {strides = array<i32>} : memref<2x128x128xf32, #tpu.memory_space<vmem>>, vector<16xf32>,
        %get3A_367 = arith.constant 1 : i32
        %get3A_368 = arith.index_cast %get3A_367 : i32 to index
        %get3A_369 = arith.index_cast %add3A_295 : i32 to index
        %get3A_370 = arith.constant 96 : index
        %get3A_371 = tpu.vector_load %arg12[%get3A_368, %get3A_369, %get3A_370] {strides = array<i32>} : memref<2x128x128xf32, #tpu.memory_space<vmem>>, vector<16xf32>,
        %add3A_372 = arith.addf %get3A_366, %get3A_371 : vector<16xf32>
        %get3A_373 = arith.constant 1 : i32
        %get3A_374 = arith.index_cast %get3A_373 : i32 to index
        %get3A_375 = arith.index_cast %add3A_295 : i32 to index
        %get3A_376 = arith.constant 112 : index
        %get3A_377 = tpu.vector_load %arg11[%get3A_374, %get3A_375, %get3A_376] {strides = array<i32>} : memref<2x128x128xf32, #tpu.memory_space<vmem>>, vector<16xf32>,
        %get3A_378 = arith.constant 1 : i32
        %get3A_379 = arith.index_cast %get3A_378 : i32 to index
        %get3A_380 = arith.index_cast %add3A_295 : i32 to index
        %get3A_381 = arith.constant 112 : index
        %get3A_382 = tpu.vector_load %arg12[%get3A_379, %get3A_380, %get3A_381] {strides = array<i32>} : memref<2x128x128xf32, #tpu.memory_space<vmem>>, vector<16xf32>,
        %add3A_383 = arith.addf %get3A_377, %get3A_382 : vector<16xf32>
        %mul3A_384 = arith.mulf %add3A_306, %add3A_306 : vector<16xf32>
        %add3A_385 = arith.addf %add3A_306, %add3A_317 : vector<16xf32>
        %mul3A_386 = arith.mulf %add3A_317, %add3A_317 : vector<16xf32>
        %add3A_387 = arith.addf %mul3A_384, %mul3A_386 : vector<16xf32>
        %add3A_388 = arith.addf %add3A_385, %add3A_328 : vector<16xf32>
        %mul3A_389 = arith.mulf %add3A_328, %add3A_328 : vector<16xf32>
        %add3A_390 = arith.addf %add3A_387, %mul3A_389 : vector<16xf32>
        %add3A_391 = arith.addf %add3A_388, %add3A_339 : vector<16xf32>
        %mul3A_392 = arith.mulf %add3A_339, %add3A_339 : vector<16xf32>
        %add3A_393 = arith.addf %add3A_390, %mul3A_392 : vector<16xf32>
        %add3A_394 = arith.addf %add3A_391, %add3A_350 : vector<16xf32>
        %mul3A_395 = arith.mulf %add3A_350, %add3A_350 : vector<16xf32>
        %add3A_396 = arith.addf %add3A_393, %mul3A_395 : vector<16xf32>
        %add3A_397 = arith.addf %add3A_394, %add3A_361 : vector<16xf32>
        %mul3A_398 = arith.mulf %add3A_361, %add3A_361 : vector<16xf32>
        %add3A_399 = arith.addf %add3A_396, %mul3A_398 : vector<16xf32>
        %add3A_400 = arith.addf %add3A_397, %add3A_372 : vector<16xf32>
        %mul3A_401 = arith.mulf %add3A_372, %add3A_372 : vector<16xf32>
        %add3A_402 = arith.addf %add3A_399, %mul3A_401 : vector<16xf32>
        %add3A_403 = arith.addf %add3A_400, %add3A_383 : vector<16xf32>
        %mul3A_404 = arith.mulf %add3A_383, %add3A_383 : vector<16xf32>
        %add3A_405 = arith.addf %add3A_402, %mul3A_404 : vector<16xf32>
        %reduce_sum3A = arith.constant true
        %reduce_sum3A_406 = vector.broadcast %reduce_sum3A : i1 to vector<16xi1>
        %reduce_sum3A_407 = tpu.scan <sum>, %add3A_403 masked %reduce_sum3A_406 : vector<16xf32>, vector<16xi1> -> vector<16xf32>
        %reduce_sum3A_408 = vector.extract %reduce_sum3A_407[15] : f32 from vector<16xf32>
        %reduce_sum3A_409 = arith.constant true
        %reduce_sum3A_410 = vector.broadcast %reduce_sum3A_409 : i1 to vector<16xi1>
        %reduce_sum3A_411 = tpu.scan <sum>, %add3A_405 masked %reduce_sum3A_410 : vector<16xf32>, vector<16xi1> -> vector<16xf32>
        %reduce_sum3A_412 = vector.extract %reduce_sum3A_411[15] : f32 from vector<16xf32>
        %mul3A_413 = arith.constant 7.812500e-03 : f32
        %mul3A_414 = arith.mulf %reduce_sum3A_408, %mul3A_413 : f32
        %mul3A_415 = arith.constant 7.812500e-03 : f32
        %mul3A_416 = arith.mulf %reduce_sum3A_412, %mul3A_415 : f32
        %mul3A_417 = arith.mulf %mul3A_414, %mul3A_414 : f32
        %sub3A = arith.subf %mul3A_416, %mul3A_417 : f32
        %broadcast_in_dim3A = vector.broadcast %mul3A_414 : f32 to vector<16xf32>
        %add3A_418 = arith.constant 7.812500e-08 : f32
        %add3A_419 = arith.addf %sub3A, %add3A_418 : f32
        %broadcast_in_dim3A_420 = vector.broadcast %add3A_419 : f32 to vector<16xf32>
        %bitcast3A = vector.bitcast %broadcast_in_dim3A_420 : vector<16xf32> to vector<16xi32>
        %shift_right_arithmetic3A = arith.constant 1 : i32
        %shift_right_arithmetic3A_421 = vector.broadcast %shift_right_arithmetic3A : i32 to vector<16xi32>
        %shift_right_arithmetic3A_422 = arith.shrsi %bitcast3A, %shift_right_arithmetic3A_421 : vector<16xi32>
        %sub3A_423 = arith.constant 1597463007 : i32
        %sub3A_424 = vector.broadcast %sub3A_423 : i32 to vector<16xi32>
        %sub3A_425 = arith.subi %sub3A_424, %shift_right_arithmetic3A_422 : vector<16xi32>
        %bitcast3A_426 = vector.bitcast %sub3A_425 : vector<16xi32> to vector<16xf32>
        %mul3A_427 = arith.constant 5.000000e-01 : f32
        %mul3A_428 = vector.broadcast %mul3A_427 : f32 to vector<16xf32>
        %mul3A_429 = arith.mulf %mul3A_428, %broadcast_in_dim3A_420 : vector<16xf32>
        %mul3A_430 = arith.mulf %mul3A_429, %bitcast3A_426 : vector<16xf32>
        %mul3A_431 = arith.mulf %mul3A_430, %bitcast3A_426 : vector<16xf32>
        %sub3A_432 = arith.constant 1.500000e+00 : f32
        %sub3A_433 = vector.broadcast %sub3A_432 : f32 to vector<16xf32>
        %sub3A_434 = arith.subf %sub3A_433, %mul3A_431 : vector<16xf32>
        %mul3A_435 = arith.mulf %bitcast3A_426, %sub3A_434 : vector<16xf32>
        %mul3A_436 = arith.constant 5.000000e-01 : f32
        %mul3A_437 = vector.broadcast %mul3A_436 : f32 to vector<16xf32>
        %mul3A_438 = arith.mulf %mul3A_437, %broadcast_in_dim3A_420 : vector<16xf32>
        %mul3A_439 = arith.mulf %mul3A_438, %mul3A_435 : vector<16xf32>
        %mul3A_440 = arith.mulf %mul3A_439, %mul3A_435 : vector<16xf32>
        %sub3A_441 = arith.constant 1.500000e+00 : f32
        %sub3A_442 = vector.broadcast %sub3A_441 : f32 to vector<16xf32>
        %sub3A_443 = arith.subf %sub3A_442, %mul3A_440 : vector<16xf32>
        %mul3A_444 = arith.mulf %mul3A_435, %sub3A_443 : vector<16xf32>
        %mul3A_445 = arith.constant 5.000000e-01 : f32
        %mul3A_446 = vector.broadcast %mul3A_445 : f32 to vector<16xf32>
        %mul3A_447 = arith.mulf %mul3A_446, %broadcast_in_dim3A_420 : vector<16xf32>
        %mul3A_448 = arith.mulf %mul3A_447, %mul3A_444 : vector<16xf32>
        %mul3A_449 = arith.mulf %mul3A_448, %mul3A_444 : vector<16xf32>
        %sub3A_450 = arith.constant 1.500000e+00 : f32
        %sub3A_451 = vector.broadcast %sub3A_450 : f32 to vector<16xf32>
        %sub3A_452 = arith.subf %sub3A_451, %mul3A_449 : vector<16xf32>
        %mul3A_453 = arith.mulf %mul3A_444, %sub3A_452 : vector<16xf32>
        %sub3A_454 = arith.subf %add3A_306, %broadcast_in_dim3A : vector<16xf32>
        %mul3A_455 = arith.mulf %sub3A_454, %mul3A_453 : vector<16xf32>
        %mul3A_456 = arith.mulf %mul3A_455, %get3A_3 : vector<16xf32>
        %add3A_457 = arith.addf %mul3A_456, %get3A_19 : vector<16xf32>
        %swap3A = arith.constant 1 : i32
        %swap3A_458 = arith.index_cast %swap3A : i32 to index
        %swap3A_459 = arith.index_cast %add3A_295 : i32 to index
        %swap3A_460 = arith.constant 0 : index
        %swap3A_461 = tpu.vector_load %arg13[%swap3A_458, %swap3A_459, %swap3A_460] {strides = array<i32>} : memref<2x128x128xf32, #tpu.memory_space<vmem>>, vector<16xf32>,
        tpu.vector_store %arg13[%swap3A_458, %swap3A_459, %swap3A_460], %add3A_457 {strides = array<i32>} : memref<2x128x128xf32, #tpu.memory_space<vmem>>, vector<16xf32>,
        %sub3A_462 = arith.subf %add3A_317, %broadcast_in_dim3A : vector<16xf32>
        %mul3A_463 = arith.mulf %sub3A_462, %mul3A_453 : vector<16xf32>
        %mul3A_464 = arith.mulf %mul3A_463, %get3A_5 : vector<16xf32>
        %add3A_465 = arith.addf %mul3A_464, %get3A_21 : vector<16xf32>
        %swap3A_466 = arith.constant 1 : i32
        %swap3A_467 = arith.index_cast %swap3A_466 : i32 to index
        %swap3A_468 = arith.index_cast %add3A_295 : i32 to index
        %swap3A_469 = arith.constant 16 : index
        %swap3A_470 = tpu.vector_load %arg13[%swap3A_467, %swap3A_468, %swap3A_469] {strides = array<i32>} : memref<2x128x128xf32, #tpu.memory_space<vmem>>, vector<16xf32>,
        tpu.vector_store %arg13[%swap3A_467, %swap3A_468, %swap3A_469], %add3A_465 {strides = array<i32>} : memref<2x128x128xf32, #tpu.memory_space<vmem>>, vector<16xf32>,
        %sub3A_471 = arith.subf %add3A_328, %broadcast_in_dim3A : vector<16xf32>
        %mul3A_472 = arith.mulf %sub3A_471, %mul3A_453 : vector<16xf32>
        %mul3A_473 = arith.mulf %mul3A_472, %get3A_7 : vector<16xf32>
        %add3A_474 = arith.addf %mul3A_473, %get3A_23 : vector<16xf32>
        %swap3A_475 = arith.constant 1 : i32
        %swap3A_476 = arith.index_cast %swap3A_475 : i32 to index
        %swap3A_477 = arith.index_cast %add3A_295 : i32 to index
        %swap3A_478 = arith.constant 32 : index
        %swap3A_479 = tpu.vector_load %arg13[%swap3A_476, %swap3A_477, %swap3A_478] {strides = array<i32>} : memref<2x128x128xf32, #tpu.memory_space<vmem>>, vector<16xf32>,
        tpu.vector_store %arg13[%swap3A_476, %swap3A_477, %swap3A_478], %add3A_474 {strides = array<i32>} : memref<2x128x128xf32, #tpu.memory_space<vmem>>, vector<16xf32>,
        %sub3A_480 = arith.subf %add3A_339, %broadcast_in_dim3A : vector<16xf32>
        %mul3A_481 = arith.mulf %sub3A_480, %mul3A_453 : vector<16xf32>
        %mul3A_482 = arith.mulf %mul3A_481, %get3A_9 : vector<16xf32>
        %add3A_483 = arith.addf %mul3A_482, %get3A_25 : vector<16xf32>
        %swap3A_484 = arith.constant 1 : i32
        %swap3A_485 = arith.index_cast %swap3A_484 : i32 to index
        %swap3A_486 = arith.index_cast %add3A_295 : i32 to index
        %swap3A_487 = arith.constant 48 : index
        %swap3A_488 = tpu.vector_load %arg13[%swap3A_485, %swap3A_486, %swap3A_487] {strides = array<i32>} : memref<2x128x128xf32, #tpu.memory_space<vmem>>, vector<16xf32>,
        tpu.vector_store %arg13[%swap3A_485, %swap3A_486, %swap3A_487], %add3A_483 {strides = array<i32>} : memref<2x128x128xf32, #tpu.memory_space<vmem>>, vector<16xf32>,
        %sub3A_489 = arith.subf %add3A_350, %broadcast_in_dim3A : vector<16xf32>
        %mul3A_490 = arith.mulf %sub3A_489, %mul3A_453 : vector<16xf32>
        %mul3A_491 = arith.mulf %mul3A_490, %get3A_11 : vector<16xf32>
        %add3A_492 = arith.addf %mul3A_491, %get3A_27 : vector<16xf32>
        %swap3A_493 = arith.constant 1 : i32
        %swap3A_494 = arith.index_cast %swap3A_493 : i32 to index
        %swap3A_495 = arith.index_cast %add3A_295 : i32 to index
        %swap3A_496 = arith.constant 64 : index
        %swap3A_497 = tpu.vector_load %arg13[%swap3A_494, %swap3A_495, %swap3A_496] {strides = array<i32>} : memref<2x128x128xf32, #tpu.memory_space<vmem>>, vector<16xf32>,
        tpu.vector_store %arg13[%swap3A_494, %swap3A_495, %swap3A_496], %add3A_492 {strides = array<i32>} : memref<2x128x128xf32, #tpu.memory_space<vmem>>, vector<16xf32>,
        %sub3A_498 = arith.subf %add3A_361, %broadcast_in_dim3A : vector<16xf32>
        %mul3A_499 = arith.mulf %sub3A_498, %mul3A_453 : vector<16xf32>
        %mul3A_500 = arith.mulf %mul3A_499, %get3A_13 : vector<16xf32>
        %add3A_501 = arith.addf %mul3A_500, %get3A_29 : vector<16xf32>
        %swap3A_502 = arith.constant 1 : i32
        %swap3A_503 = arith.index_cast %swap3A_502 : i32 to index
        %swap3A_504 = arith.index_cast %add3A_295 : i32 to index
        %swap3A_505 = arith.constant 80 : index
        %swap3A_506 = tpu.vector_load %arg13[%swap3A_503, %swap3A_504, %swap3A_505] {strides = array<i32>} : memref<2x128x128xf32, #tpu.memory_space<vmem>>, vector<16xf32>,
        tpu.vector_store %arg13[%swap3A_503, %swap3A_504, %swap3A_505], %add3A_501 {strides = array<i32>} : memref<2x128x128xf32, #tpu.memory_space<vmem>>, vector<16xf32>,
        %sub3A_507 = arith.subf %add3A_372, %broadcast_in_dim3A : vector<16xf32>
        %mul3A_508 = arith.mulf %sub3A_507, %mul3A_453 : vector<16xf32>
        %mul3A_509 = arith.mulf %mul3A_508, %get3A_15 : vector<16xf32>
        %add3A_510 = arith.addf %mul3A_509, %get3A_31 : vector<16xf32>
        %swap3A_511 = arith.constant 1 : i32
        %swap3A_512 = arith.index_cast %swap3A_511 : i32 to index
        %swap3A_513 = arith.index_cast %add3A_295 : i32 to index
        %swap3A_514 = arith.constant 96 : index
        %swap3A_515 = tpu.vector_load %arg13[%swap3A_512, %swap3A_513, %swap3A_514] {strides = array<i32>} : memref<2x128x128xf32, #tpu.memory_space<vmem>>, vector<16xf32>,
        tpu.vector_store %arg13[%swap3A_512, %swap3A_513, %swap3A_514], %add3A_510 {strides = array<i32>} : memref<2x128x128xf32, #tpu.memory_space<vmem>>, vector<16xf32>,
        %sub3A_516 = arith.subf %add3A_383, %broadcast_in_dim3A : vector<16xf32>
        %mul3A_517 = arith.mulf %sub3A_516, %mul3A_453 : vector<16xf32>
        %mul3A_518 = arith.mulf %mul3A_517, %get3A_17 : vector<16xf32>
        %add3A_519 = arith.addf %mul3A_518, %get3A_33 : vector<16xf32>
        %swap3A_520 = arith.constant 1 : i32
        %swap3A_521 = arith.index_cast %swap3A_520 : i32 to index
        %swap3A_522 = arith.index_cast %add3A_295 : i32 to index
        %swap3A_523 = arith.constant 112 : index
        %swap3A_524 = tpu.vector_load %arg13[%swap3A_521, %swap3A_522, %swap3A_523] {strides = array<i32>} : memref<2x128x128xf32, #tpu.memory_space<vmem>>, vector<16xf32>,
        tpu.vector_store %arg13[%swap3A_521, %swap3A_522, %swap3A_523], %add3A_519 {strides = array<i32>} : memref<2x128x128xf32, #tpu.memory_space<vmem>>, vector<16xf32>,
        %mul3A_525 = arith.constant 2 : i32
        %mul3A_526 = arith.muli %scan3A_291, %mul3A_525 : i32
        %add3A_527 = arith.constant 1 : i32
        %add3A_528 = arith.addi %mul3A_526, %add3A_527 : i32
        %get3A_529 = arith.constant 1 : i32
        %get3A_530 = arith.index_cast %get3A_529 : i32 to index
        %get3A_531 = arith.index_cast %add3A_528 : i32 to index
        %get3A_532 = arith.constant 0 : index
        %get3A_533 = tpu.vector_load %arg11[%get3A_530, %get3A_531, %get3A_532] {strides = array<i32>} : memref<2x128x128xf32, #tpu.memory_space<vmem>>, vector<16xf32>,
        %get3A_534 = arith.constant 1 : i32
        %get3A_535 = arith.index_cast %get3A_534 : i32 to index
        %get3A_536 = arith.index_cast %add3A_528 : i32 to index
        %get3A_537 = arith.constant 0 : index
        %get3A_538 = tpu.vector_load %arg12[%get3A_535, %get3A_536, %get3A_537] {strides = array<i32>} : memref<2x128x128xf32, #tpu.memory_space<vmem>>, vector<16xf32>,
        %add3A_539 = arith.addf %get3A_533, %get3A_538 : vector<16xf32>
        %get3A_540 = arith.constant 1 : i32
        %get3A_541 = arith.index_cast %get3A_540 : i32 to index
        %get3A_542 = arith.index_cast %add3A_528 : i32 to index
        %get3A_543 = arith.constant 16 : index
        %get3A_544 = tpu.vector_load %arg11[%get3A_541, %get3A_542, %get3A_543] {strides = array<i32>} : memref<2x128x128xf32, #tpu.memory_space<vmem>>, vector<16xf32>,
        %get3A_545 = arith.constant 1 : i32
        %get3A_546 = arith.index_cast %get3A_545 : i32 to index
        %get3A_547 = arith.index_cast %add3A_528 : i32 to index
        %get3A_548 = arith.constant 16 : index
        %get3A_549 = tpu.vector_load %arg12[%get3A_546, %get3A_547, %get3A_548] {strides = array<i32>} : memref<2x128x128xf32, #tpu.memory_space<vmem>>, vector<16xf32>,
        %add3A_550 = arith.addf %get3A_544, %get3A_549 : vector<16xf32>
        %get3A_551 = arith.constant 1 : i32
        %get3A_552 = arith.index_cast %get3A_551 : i32 to index
        %get3A_553 = arith.index_cast %add3A_528 : i32 to index
        %get3A_554 = arith.constant 32 : index
        %get3A_555 = tpu.vector_load %arg11[%get3A_552, %get3A_553, %get3A_554] {strides = array<i32>} : memref<2x128x128xf32, #tpu.memory_space<vmem>>, vector<16xf32>,
        %get3A_556 = arith.constant 1 : i32
        %get3A_557 = arith.index_cast %get3A_556 : i32 to index
        %get3A_558 = arith.index_cast %add3A_528 : i32 to index
        %get3A_559 = arith.constant 32 : index
        %get3A_560 = tpu.vector_load %arg12[%get3A_557, %get3A_558, %get3A_559] {strides = array<i32>} : memref<2x128x128xf32, #tpu.memory_space<vmem>>, vector<16xf32>,
        %add3A_561 = arith.addf %get3A_555, %get3A_560 : vector<16xf32>
        %get3A_562 = arith.constant 1 : i32
        %get3A_563 = arith.index_cast %get3A_562 : i32 to index
        %get3A_564 = arith.index_cast %add3A_528 : i32 to index
        %get3A_565 = arith.constant 48 : index
        %get3A_566 = tpu.vector_load %arg11[%get3A_563, %get3A_564, %get3A_565] {strides = array<i32>} : memref<2x128x128xf32, #tpu.memory_space<vmem>>, vector<16xf32>,
        %get3A_567 = arith.constant 1 : i32
        %get3A_568 = arith.index_cast %get3A_567 : i32 to index
        %get3A_569 = arith.index_cast %add3A_528 : i32 to index
        %get3A_570 = arith.constant 48 : index
        %get3A_571 = tpu.vector_load %arg12[%get3A_568, %get3A_569, %get3A_570] {strides = array<i32>} : memref<2x128x128xf32, #tpu.memory_space<vmem>>, vector<16xf32>,
        %add3A_572 = arith.addf %get3A_566, %get3A_571 : vector<16xf32>
        %get3A_573 = arith.constant 1 : i32
        %get3A_574 = arith.index_cast %get3A_573 : i32 to index
        %get3A_575 = arith.index_cast %add3A_528 : i32 to index
        %get3A_576 = arith.constant 64 : index
        %get3A_577 = tpu.vector_load %arg11[%get3A_574, %get3A_575, %get3A_576] {strides = array<i32>} : memref<2x128x128xf32, #tpu.memory_space<vmem>>, vector<16xf32>,
        %get3A_578 = arith.constant 1 : i32
        %get3A_579 = arith.index_cast %get3A_578 : i32 to index
        %get3A_580 = arith.index_cast %add3A_528 : i32 to index
        %get3A_581 = arith.constant 64 : index
        %get3A_582 = tpu.vector_load %arg12[%get3A_579, %get3A_580, %get3A_581] {strides = array<i32>} : memref<2x128x128xf32, #tpu.memory_space<vmem>>, vector<16xf32>,
        %add3A_583 = arith.addf %get3A_577, %get3A_582 : vector<16xf32>
        %get3A_584 = arith.constant 1 : i32
        %get3A_585 = arith.index_cast %get3A_584 : i32 to index
        %get3A_586 = arith.index_cast %add3A_528 : i32 to index
        %get3A_587 = arith.constant 80 : index
        %get3A_588 = tpu.vector_load %arg11[%get3A_585, %get3A_586, %get3A_587] {strides = array<i32>} : memref<2x128x128xf32, #tpu.memory_space<vmem>>, vector<16xf32>,
        %get3A_589 = arith.constant 1 : i32
        %get3A_590 = arith.index_cast %get3A_589 : i32 to index
        %get3A_591 = arith.index_cast %add3A_528 : i32 to index
        %get3A_592 = arith.constant 80 : index
        %get3A_593 = tpu.vector_load %arg12[%get3A_590, %get3A_591, %get3A_592] {strides = array<i32>} : memref<2x128x128xf32, #tpu.memory_space<vmem>>, vector<16xf32>,
        %add3A_594 = arith.addf %get3A_588, %get3A_593 : vector<16xf32>
        %get3A_595 = arith.constant 1 : i32
        %get3A_596 = arith.index_cast %get3A_595 : i32 to index
        %get3A_597 = arith.index_cast %add3A_528 : i32 to index
        %get3A_598 = arith.constant 96 : index
        %get3A_599 = tpu.vector_load %arg11[%get3A_596, %get3A_597, %get3A_598] {strides = array<i32>} : memref<2x128x128xf32, #tpu.memory_space<vmem>>, vector<16xf32>,
        %get3A_600 = arith.constant 1 : i32
        %get3A_601 = arith.index_cast %get3A_600 : i32 to index
        %get3A_602 = arith.index_cast %add3A_528 : i32 to index
        %get3A_603 = arith.constant 96 : index
        %get3A_604 = tpu.vector_load %arg12[%get3A_601, %get3A_602, %get3A_603] {strides = array<i32>} : memref<2x128x128xf32, #tpu.memory_space<vmem>>, vector<16xf32>,
        %add3A_605 = arith.addf %get3A_599, %get3A_604 : vector<16xf32>
        %get3A_606 = arith.constant 1 : i32
        %get3A_607 = arith.index_cast %get3A_606 : i32 to index
        %get3A_608 = arith.index_cast %add3A_528 : i32 to index
        %get3A_609 = arith.constant 112 : index
        %get3A_610 = tpu.vector_load %arg11[%get3A_607, %get3A_608, %get3A_609] {strides = array<i32>} : memref<2x128x128xf32, #tpu.memory_space<vmem>>, vector<16xf32>,
        %get3A_611 = arith.constant 1 : i32
        %get3A_612 = arith.index_cast %get3A_611 : i32 to index
        %get3A_613 = arith.index_cast %add3A_528 : i32 to index
        %get3A_614 = arith.constant 112 : index
        %get3A_615 = tpu.vector_load %arg12[%get3A_612, %get3A_613, %get3A_614] {strides = array<i32>} : memref<2x128x128xf32, #tpu.memory_space<vmem>>, vector<16xf32>,
        %add3A_616 = arith.addf %get3A_610, %get3A_615 : vector<16xf32>
        %mul3A_617 = arith.mulf %add3A_539, %add3A_539 : vector<16xf32>
        %add3A_618 = arith.addf %add3A_539, %add3A_550 : vector<16xf32>
        %mul3A_619 = arith.mulf %add3A_550, %add3A_550 : vector<16xf32>
        %add3A_620 = arith.addf %mul3A_617, %mul3A_619 : vector<16xf32>
        %add3A_621 = arith.addf %add3A_618, %add3A_561 : vector<16xf32>
        %mul3A_622 = arith.mulf %add3A_561, %add3A_561 : vector<16xf32>
        %add3A_623 = arith.addf %add3A_620, %mul3A_622 : vector<16xf32>
        %add3A_624 = arith.addf %add3A_621, %add3A_572 : vector<16xf32>
        %mul3A_625 = arith.mulf %add3A_572, %add3A_572 : vector<16xf32>
        %add3A_626 = arith.addf %add3A_623, %mul3A_625 : vector<16xf32>
        %add3A_627 = arith.addf %add3A_624, %add3A_583 : vector<16xf32>
        %mul3A_628 = arith.mulf %add3A_583, %add3A_583 : vector<16xf32>
        %add3A_629 = arith.addf %add3A_626, %mul3A_628 : vector<16xf32>
        %add3A_630 = arith.addf %add3A_627, %add3A_594 : vector<16xf32>
        %mul3A_631 = arith.mulf %add3A_594, %add3A_594 : vector<16xf32>
        %add3A_632 = arith.addf %add3A_629, %mul3A_631 : vector<16xf32>
        %add3A_633 = arith.addf %add3A_630, %add3A_605 : vector<16xf32>
        %mul3A_634 = arith.mulf %add3A_605, %add3A_605 : vector<16xf32>
        %add3A_635 = arith.addf %add3A_632, %mul3A_634 : vector<16xf32>
        %add3A_636 = arith.addf %add3A_633, %add3A_616 : vector<16xf32>
        %mul3A_637 = arith.mulf %add3A_616, %add3A_616 : vector<16xf32>
        %add3A_638 = arith.addf %add3A_635, %mul3A_637 : vector<16xf32>
        %reduce_sum3A_639 = arith.constant true
        %reduce_sum3A_640 = vector.broadcast %reduce_sum3A_639 : i1 to vector<16xi1>
        %reduce_sum3A_641 = tpu.scan <sum>, %add3A_636 masked %reduce_sum3A_640 : vector<16xf32>, vector<16xi1> -> vector<16xf32>
        %reduce_sum3A_642 = vector.extract %reduce_sum3A_641[15] : f32 from vector<16xf32>
        %reduce_sum3A_643 = arith.constant true
        %reduce_sum3A_644 = vector.broadcast %reduce_sum3A_643 : i1 to vector<16xi1>
        %reduce_sum3A_645 = tpu.scan <sum>, %add3A_638 masked %reduce_sum3A_644 : vector<16xf32>, vector<16xi1> -> vector<16xf32>
        %reduce_sum3A_646 = vector.extract %reduce_sum3A_645[15] : f32 from vector<16xf32>
        %mul3A_647 = arith.constant 7.812500e-03 : f32
        %mul3A_648 = arith.mulf %reduce_sum3A_642, %mul3A_647 : f32
        %mul3A_649 = arith.constant 7.812500e-03 : f32
        %mul3A_650 = arith.mulf %reduce_sum3A_646, %mul3A_649 : f32
        %mul3A_651 = arith.mulf %mul3A_648, %mul3A_648 : f32
        %sub3A_652 = arith.subf %mul3A_650, %mul3A_651 : f32
        %broadcast_in_dim3A_653 = vector.broadcast %mul3A_648 : f32 to vector<16xf32>
        %add3A_654 = arith.constant 7.812500e-08 : f32
        %add3A_655 = arith.addf %sub3A_652, %add3A_654 : f32
        %broadcast_in_dim3A_656 = vector.broadcast %add3A_655 : f32 to vector<16xf32>
        %bitcast3A_657 = vector.bitcast %broadcast_in_dim3A_656 : vector<16xf32> to vector<16xi32>
        %shift_right_arithmetic3A_658 = arith.constant 1 : i32
        %shift_right_arithmetic3A_659 = vector.broadcast %shift_right_arithmetic3A_658 : i32 to vector<16xi32>
        %shift_right_arithmetic3A_660 = arith.shrsi %bitcast3A_657, %shift_right_arithmetic3A_659 : vector<16xi32>
        %sub3A_661 = arith.constant 1597463007 : i32
        %sub3A_662 = vector.broadcast %sub3A_661 : i32 to vector<16xi32>
        %sub3A_663 = arith.subi %sub3A_662, %shift_right_arithmetic3A_660 : vector<16xi32>
        %bitcast3A_664 = vector.bitcast %sub3A_663 : vector<16xi32> to vector<16xf32>
        %mul3A_665 = arith.constant 5.000000e-01 : f32
        %mul3A_666 = vector.broadcast %mul3A_665 : f32 to vector<16xf32>
        %mul3A_667 = arith.mulf %mul3A_666, %broadcast_in_dim3A_656 : vector<16xf32>
        %mul3A_668 = arith.mulf %mul3A_667, %bitcast3A_664 : vector<16xf32>
        %mul3A_669 = arith.mulf %mul3A_668, %bitcast3A_664 : vector<16xf32>
        %sub3A_670 = arith.constant 1.500000e+00 : f32
        %sub3A_671 = vector.broadcast %sub3A_670 : f32 to vector<16xf32>
        %sub3A_672 = arith.subf %sub3A_671, %mul3A_669 : vector<16xf32>
        %mul3A_673 = arith.mulf %bitcast3A_664, %sub3A_672 : vector<16xf32>
        %mul3A_674 = arith.constant 5.000000e-01 : f32
        %mul3A_675 = vector.broadcast %mul3A_674 : f32 to vector<16xf32>
        %mul3A_676 = arith.mulf %mul3A_675, %broadcast_in_dim3A_656 : vector<16xf32>
        %mul3A_677 = arith.mulf %mul3A_676, %mul3A_673 : vector<16xf32>
        %mul3A_678 = arith.mulf %mul3A_677, %mul3A_673 : vector<16xf32>
        %sub3A_679 = arith.constant 1.500000e+00 : f32
        %sub3A_680 = vector.broadcast %sub3A_679 : f32 to vector<16xf32>
        %sub3A_681 = arith.subf %sub3A_680, %mul3A_678 : vector<16xf32>
        %mul3A_682 = arith.mulf %mul3A_673, %sub3A_681 : vector<16xf32>
        %mul3A_683 = arith.constant 5.000000e-01 : f32
        %mul3A_684 = vector.broadcast %mul3A_683 : f32 to vector<16xf32>
        %mul3A_685 = arith.mulf %mul3A_684, %broadcast_in_dim3A_656 : vector<16xf32>
        %mul3A_686 = arith.mulf %mul3A_685, %mul3A_682 : vector<16xf32>
        %mul3A_687 = arith.mulf %mul3A_686, %mul3A_682 : vector<16xf32>
        %sub3A_688 = arith.constant 1.500000e+00 : f32
        %sub3A_689 = vector.broadcast %sub3A_688 : f32 to vector<16xf32>
        %sub3A_690 = arith.subf %sub3A_689, %mul3A_687 : vector<16xf32>
        %mul3A_691 = arith.mulf %mul3A_682, %sub3A_690 : vector<16xf32>
        %sub3A_692 = arith.subf %add3A_539, %broadcast_in_dim3A_653 : vector<16xf32>
        %mul3A_693 = arith.mulf %sub3A_692, %mul3A_691 : vector<16xf32>
        %mul3A_694 = arith.mulf %mul3A_693, %get3A_3 : vector<16xf32>
        %add3A_695 = arith.addf %mul3A_694, %get3A_19 : vector<16xf32>
        %swap3A_696 = arith.constant 1 : i32
        %swap3A_697 = arith.index_cast %swap3A_696 : i32 to index
        %swap3A_698 = arith.index_cast %add3A_528 : i32 to index
        %swap3A_699 = arith.constant 0 : index
        %swap3A_700 = tpu.vector_load %arg13[%swap3A_697, %swap3A_698, %swap3A_699] {strides = array<i32>} : memref<2x128x128xf32, #tpu.memory_space<vmem>>, vector<16xf32>,
        tpu.vector_store %arg13[%swap3A_697, %swap3A_698, %swap3A_699], %add3A_695 {strides = array<i32>} : memref<2x128x128xf32, #tpu.memory_space<vmem>>, vector<16xf32>,
        %sub3A_701 = arith.subf %add3A_550, %broadcast_in_dim3A_653 : vector<16xf32>
        %mul3A_702 = arith.mulf %sub3A_701, %mul3A_691 : vector<16xf32>
        %mul3A_703 = arith.mulf %mul3A_702, %get3A_5 : vector<16xf32>
        %add3A_704 = arith.addf %mul3A_703, %get3A_21 : vector<16xf32>
        %swap3A_705 = arith.constant 1 : i32
        %swap3A_706 = arith.index_cast %swap3A_705 : i32 to index
        %swap3A_707 = arith.index_cast %add3A_528 : i32 to index
        %swap3A_708 = arith.constant 16 : index
        %swap3A_709 = tpu.vector_load %arg13[%swap3A_706, %swap3A_707, %swap3A_708] {strides = array<i32>} : memref<2x128x128xf32, #tpu.memory_space<vmem>>, vector<16xf32>,
        tpu.vector_store %arg13[%swap3A_706, %swap3A_707, %swap3A_708], %add3A_704 {strides = array<i32>} : memref<2x128x128xf32, #tpu.memory_space<vmem>>, vector<16xf32>,
        %sub3A_710 = arith.subf %add3A_561, %broadcast_in_dim3A_653 : vector<16xf32>
        %mul3A_711 = arith.mulf %sub3A_710, %mul3A_691 : vector<16xf32>
        %mul3A_712 = arith.mulf %mul3A_711, %get3A_7 : vector<16xf32>
        %add3A_713 = arith.addf %mul3A_712, %get3A_23 : vector<16xf32>
        %swap3A_714 = arith.constant 1 : i32
        %swap3A_715 = arith.index_cast %swap3A_714 : i32 to index
        %swap3A_716 = arith.index_cast %add3A_528 : i32 to index
        %swap3A_717 = arith.constant 32 : index
        %swap3A_718 = tpu.vector_load %arg13[%swap3A_715, %swap3A_716, %swap3A_717] {strides = array<i32>} : memref<2x128x128xf32, #tpu.memory_space<vmem>>, vector<16xf32>,
        tpu.vector_store %arg13[%swap3A_715, %swap3A_716, %swap3A_717], %add3A_713 {strides = array<i32>} : memref<2x128x128xf32, #tpu.memory_space<vmem>>, vector<16xf32>,
        %sub3A_719 = arith.subf %add3A_572, %broadcast_in_dim3A_653 : vector<16xf32>
        %mul3A_720 = arith.mulf %sub3A_719, %mul3A_691 : vector<16xf32>
        %mul3A_721 = arith.mulf %mul3A_720, %get3A_9 : vector<16xf32>
        %add3A_722 = arith.addf %mul3A_721, %get3A_25 : vector<16xf32>
        %swap3A_723 = arith.constant 1 : i32
        %swap3A_724 = arith.index_cast %swap3A_723 : i32 to index
        %swap3A_725 = arith.index_cast %add3A_528 : i32 to index
        %swap3A_726 = arith.constant 48 : index
        %swap3A_727 = tpu.vector_load %arg13[%swap3A_724, %swap3A_725, %swap3A_726] {strides = array<i32>} : memref<2x128x128xf32, #tpu.memory_space<vmem>>, vector<16xf32>,
        tpu.vector_store %arg13[%swap3A_724, %swap3A_725, %swap3A_726], %add3A_722 {strides = array<i32>} : memref<2x128x128xf32, #tpu.memory_space<vmem>>, vector<16xf32>,
        %sub3A_728 = arith.subf %add3A_583, %broadcast_in_dim3A_653 : vector<16xf32>
        %mul3A_729 = arith.mulf %sub3A_728, %mul3A_691 : vector<16xf32>
        %mul3A_730 = arith.mulf %mul3A_729, %get3A_11 : vector<16xf32>
        %add3A_731 = arith.addf %mul3A_730, %get3A_27 : vector<16xf32>
        %swap3A_732 = arith.constant 1 : i32
        %swap3A_733 = arith.index_cast %swap3A_732 : i32 to index
        %swap3A_734 = arith.index_cast %add3A_528 : i32 to index
        %swap3A_735 = arith.constant 64 : index
        %swap3A_736 = tpu.vector_load %arg13[%swap3A_733, %swap3A_734, %swap3A_735] {strides = array<i32>} : memref<2x128x128xf32, #tpu.memory_space<vmem>>, vector<16xf32>,
        tpu.vector_store %arg13[%swap3A_733, %swap3A_734, %swap3A_735], %add3A_731 {strides = array<i32>} : memref<2x128x128xf32, #tpu.memory_space<vmem>>, vector<16xf32>,
        %sub3A_737 = arith.subf %add3A_594, %broadcast_in_dim3A_653 : vector<16xf32>
        %mul3A_738 = arith.mulf %sub3A_737, %mul3A_691 : vector<16xf32>
        %mul3A_739 = arith.mulf %mul3A_738, %get3A_13 : vector<16xf32>
        %add3A_740 = arith.addf %mul3A_739, %get3A_29 : vector<16xf32>
        %swap3A_741 = arith.constant 1 : i32
        %swap3A_742 = arith.index_cast %swap3A_741 : i32 to index
        %swap3A_743 = arith.index_cast %add3A_528 : i32 to index
        %swap3A_744 = arith.constant 80 : index
        %swap3A_745 = tpu.vector_load %arg13[%swap3A_742, %swap3A_743, %swap3A_744] {strides = array<i32>} : memref<2x128x128xf32, #tpu.memory_space<vmem>>, vector<16xf32>,
        tpu.vector_store %arg13[%swap3A_742, %swap3A_743, %swap3A_744], %add3A_740 {strides = array<i32>} : memref<2x128x128xf32, #tpu.memory_space<vmem>>, vector<16xf32>,
        %sub3A_746 = arith.subf %add3A_605, %broadcast_in_dim3A_653 : vector<16xf32>
        %mul3A_747 = arith.mulf %sub3A_746, %mul3A_691 : vector<16xf32>
        %mul3A_748 = arith.mulf %mul3A_747, %get3A_15 : vector<16xf32>
        %add3A_749 = arith.addf %mul3A_748, %get3A_31 : vector<16xf32>
        %swap3A_750 = arith.constant 1 : i32
        %swap3A_751 = arith.index_cast %swap3A_750 : i32 to index
        %swap3A_752 = arith.index_cast %add3A_528 : i32 to index
        %swap3A_753 = arith.constant 96 : index
        %swap3A_754 = tpu.vector_load %arg13[%swap3A_751, %swap3A_752, %swap3A_753] {strides = array<i32>} : memref<2x128x128xf32, #tpu.memory_space<vmem>>, vector<16xf32>,
        tpu.vector_store %arg13[%swap3A_751, %swap3A_752, %swap3A_753], %add3A_749 {strides = array<i32>} : memref<2x128x128xf32, #tpu.memory_space<vmem>>, vector<16xf32>,
        %sub3A_755 = arith.subf %add3A_616, %broadcast_in_dim3A_653 : vector<16xf32>
        %mul3A_756 = arith.mulf %sub3A_755, %mul3A_691 : vector<16xf32>
        %mul3A_757 = arith.mulf %mul3A_756, %get3A_17 : vector<16xf32>
        %add3A_758 = arith.addf %mul3A_757, %get3A_33 : vector<16xf32>
        %swap3A_759 = arith.constant 1 : i32
        %swap3A_760 = arith.index_cast %swap3A_759 : i32 to index
        %swap3A_761 = arith.index_cast %add3A_528 : i32 to index
        %swap3A_762 = arith.constant 112 : index
        %swap3A_763 = tpu.vector_load %arg13[%swap3A_760, %swap3A_761, %swap3A_762] {strides = array<i32>} : memref<2x128x128xf32, #tpu.memory_space<vmem>>, vector<16xf32>,
        tpu.vector_store %arg13[%swap3A_760, %swap3A_761, %swap3A_762], %add3A_758 {strides = array<i32>} : memref<2x128x128xf32, #tpu.memory_space<vmem>>, vector<16xf32>,
      }
      %scan3A_273 = arith.constant 64 : i32
      %mul3A_274 = arith.constant 128 : i32
      %mul3A_275 = arith.muli %add3A_224, %mul3A_274 : i32
      %add3A_276 = arith.addi %mul3A_2, %mul3A_275 : i32
      %dma_start3A_277 = arith.constant 1 : i32
      %dma_start3A_278 = arith.constant 0 : i32
      %dma_start3A_279 = arith.constant 0 : i32
      %dma_start3A_280 = tpu.memref_slice %arg13[%dma_start3A_277, %dma_start3A_278, %dma_start3A_279] : memref<2x128x128xf32, #tpu.memory_space<vmem>> -> memref<1x128x128xf32, #tpu.memory_space<vmem>>
      %dma_start3A_281 = tpu.memref_squeeze %dma_start3A_280 : memref<1x128x128xf32, #tpu.memory_space<vmem>> -> memref<128x128xf32, #tpu.memory_space<vmem>>
      %dma_start3A_282 = arith.constant 0 : i32
      %dma_start3A_283 = tpu.memref_slice %arg8[%add3A_276, %dma_start3A_282] : memref<819200x128xf32, #tpu.memory_space<hbm>> -> memref<128x128xf32, #tpu.memory_space<hbm>>
      %dma_start3A_284 = arith.constant 0 : i32
      %dma_start3A_285 = tpu.memref_slice %arg8[%add3A_276, %dma_start3A_284] : memref<819200x128xf32, #tpu.memory_space<hbm>> -> memref<128x128xf32, #tpu.memory_space<hbm>>
      %dma_start3A_286 = arith.constant 0 : i32
      %dma_start3A_287 = arith.constant 0 : i32
      %dma_start3A_288 = tpu.memref_slice %arg13[%dma_start3A_277, %dma_start3A_286, %dma_start3A_287] : memref<2x128x128xf32, #tpu.memory_space<vmem>> -> memref<1x128x128xf32, #tpu.memory_space<vmem>>
      %dma_start3A_289 = tpu.memref_squeeze %dma_start3A_288 : memref<1x128x128xf32, #tpu.memory_space<vmem>> -> memref<128x128xf32, #tpu.memory_space<vmem>>
      tpu.enqueue_dma source(%dma_start3A_289 : memref<128x128xf32, #tpu.memory_space<vmem>>) target(%dma_start3A_285 : memref<128x128xf32, #tpu.memory_space<hbm>>) target_semaphore(%arg21 : memref<!tpu.dma_semaphore, #tpu.memory_space<semaphore_mem>>)
      %scan3A_290 = arith.constant 0 : i32
      scf.yield %scan3A_290 : i32
    }
    %scan3A_123 = arith.constant 100 : i32
    %dma_wait3A_124 = arith.constant 0 : i32
    %dma_wait3A_125 = arith.constant 0 : i32
    %dma_wait3A_126 = arith.constant 0 : i32
    %dma_wait3A_127 = tpu.memref_slice %arg13[%dma_wait3A_124, %dma_wait3A_125, %dma_wait3A_126] : memref<2x128x128xf32, #tpu.memory_space<vmem>> -> memref<1x128x128xf32, #tpu.memory_space<vmem>>
    %dma_wait3A_128 = tpu.memref_squeeze %dma_wait3A_127 : memref<1x128x128xf32, #tpu.memory_space<vmem>> -> memref<128x128xf32, #tpu.memory_space<vmem>>
    %dma_wait3A_129 = arith.constant 0 : i32
    %dma_wait3A_130 = arith.constant 0 : i32
    %dma_wait3A_131 = tpu.memref_slice %arg8[%dma_wait3A_129, %dma_wait3A_130] : memref<819200x128xf32, #tpu.memory_space<hbm>> -> memref<128x128xf32, #tpu.memory_space<hbm>>
    %dma_wait3A_132 = arith.constant 0 : i32
    %dma_wait3A_133 = arith.constant 0 : i32
    %dma_wait3A_134 = tpu.memref_slice %arg8[%dma_wait3A_132, %dma_wait3A_133] : memref<819200x128xf32, #tpu.memory_space<hbm>> -> memref<128x128xf32, #tpu.memory_space<hbm>>
    %dma_wait3A_135 = arith.constant 0 : i32
    %dma_wait3A_136 = arith.constant 0 : i32
    %dma_wait3A_137 = tpu.memref_slice %arg13[%dma_wait3A_124, %dma_wait3A_135, %dma_wait3A_136] : memref<2x128x128xf32, #tpu.memory_space<vmem>> -> memref<1x128x128xf32, #tpu.memory_space<vmem>>
    %dma_wait3A_138 = tpu.memref_squeeze %dma_wait3A_137 : memref<1x128x128xf32, #tpu.memory_space<vmem>> -> memref<128x128xf32, #tpu.memory_space<vmem>>
    tpu.wait_dma2 semaphore(%arg20 : memref<!tpu.dma_semaphore, #tpu.memory_space<semaphore_mem>>) src(%dma_wait3A_138 : memref<128x128xf32, #tpu.memory_space<vmem>>) dst(%dma_wait3A_134 : memref<128x128xf32, #tpu.memory_space<hbm>>)
    %dma_wait3A_139 = arith.constant 1 : i32
    %dma_wait3A_140 = arith.constant 0 : i32
    %dma_wait3A_141 = arith.constant 0 : i32
    %dma_wait3A_142 = tpu.memref_slice %arg13[%dma_wait3A_139, %dma_wait3A_140, %dma_wait3A_141] : memref<2x128x128xf32, #tpu.memory_space<vmem>> -> memref<1x128x128xf32, #tpu.memory_space<vmem>>
    %dma_wait3A_143 = tpu.memref_squeeze %dma_wait3A_142 : memref<1x128x128xf32, #tpu.memory_space<vmem>> -> memref<128x128xf32, #tpu.memory_space<vmem>>
    %dma_wait3A_144 = arith.constant 0 : i32
    %dma_wait3A_145 = arith.constant 0 : i32
    %dma_wait3A_146 = tpu.memref_slice %arg8[%dma_wait3A_144, %dma_wait3A_145] : memref<819200x128xf32, #tpu.memory_space<hbm>> -> memref<128x128xf32, #tpu.memory_space<hbm>>
    %dma_wait3A_147 = arith.constant 0 : i32
    %dma_wait3A_148 = arith.constant 0 : i32
    %dma_wait3A_149 = tpu.memref_slice %arg8[%dma_wait3A_147, %dma_wait3A_148] : memref<819200x128xf32, #tpu.memory_space<hbm>> -> memref<128x128xf32, #tpu.memory_space<hbm>>
    %dma_wait3A_150 = arith.constant 0 : i32
    %dma_wait3A_151 = arith.constant 0 : i32
    %dma_wait3A_152 = tpu.memref_slice %arg13[%dma_wait3A_139, %dma_wait3A_150, %dma_wait3A_151] : memref<2x128x128xf32, #tpu.memory_space<vmem>> -> memref<1x128x128xf32, #tpu.memory_space<vmem>>
    %dma_wait3A_153 = tpu.memref_squeeze %dma_wait3A_152 : memref<1x128x128xf32, #tpu.memory_space<vmem>> -> memref<128x128xf32, #tpu.memory_space<vmem>>
    tpu.wait_dma2 semaphore(%arg21 : memref<!tpu.dma_semaphore, #tpu.memory_space<semaphore_mem>>) src(%dma_wait3A_153 : memref<128x128xf32, #tpu.memory_space<vmem>>) dst(%dma_wait3A_149 : memref<128x128xf32, #tpu.memory_space<hbm>>)
    return
  }
}

</mosaic_0001>

<sc_bundles>
// kernel: kernel.3.cloned.1.call-start
scs
__scs_entry_jumppad:
0x0: {  	(pc) =	sbr.rel $0x88, $3  }
0x1: {  	(tag) =	ssettag $0x0;
	lr =	simm.s32 $0x1  }
0x2: {  	[smem:$0x3F9B] =	sst lr;
	_ =	strace $0xD0000000  }
0x3: {  	_ = 	snop  }
0x4: {  	_ = 	snop  }
0x5: {  	_ = 	snop  }
0x6: {  	_ = 	snop  }
0x7: {  	_ = 	snop  }
__scs_overlays_trampoline_lowered:
0x8: {  	[smem:$0x3FAA] =	sst s0  }
0x9: {  	[smem:$0x3FAB] =	sst s1  }
0xa: {  	[smem:$0x3FAC] =	sst s2  }
0xb: {  	[smem:$0x3FAD] =	sst s3  }
0xc: {  	[smem:$0x3FAE] =	sst s4  }
0xd: {  	[smem:$0x3FAF] =	sst s5  }
0xe: {  	[smem:$0x3FB0] =	sst s6  }
0xf: {  	[smem:$0x3FB1] =	sst s7  }
0x10: {  	[smem:$0x3FB2] =	sst s8  }
0x11: {  	[smem:$0x3FB3] =	sst s9;
	s0 =	simm.s32 @!p0 $0x0  }
0x12: {  	s1 =	sld [smem:$0x3F99];
	s0 =	simm.s32 @p0 $0x1  }
0x13: {  	[smem:$0x3FB4] =	sst s0;
	s0 =	simm.s32 @!p1 $0x0  }
0x14: {  	s2 =	sld [smem:$0x3F98];
	s0 =	simm.s32 @p1 $0x1  }
0x15: {  	[smem:$0x3FB5] =	sst s0;
	s0 =	simm.s32 @!p2 $0x0  }
0x16: {  	s3 =	sld [smem:$0x3FDB];
	s0 =	simm.s32 @p2 $0x1  }
0x17: {  	s4 =	simm.s32 $0x1BF5;
	[smem:$0x3FB7] =	sst s0  }
0x18: {  	s0 =	sld [smem:$0x3F9A];
	_ =	swait.ge [sflag:s4], $0x0  }
0x19: {  	s7 =	sld [smem:$0x3F9B]  }
0x1a: {  	s8 =	sadd.s32 $0xFFFFE003, lr  }
0x1b: {  	s9 =	sadd.s32 $0xFFFFFEF7, lr;
	s5 =	simm.s32 $0xFFFFFFFF;
	p2 =	slt.u32 s8, $0xFFFFF086  }
0x1c: {  	p1 =	slt.u32 s9, $0xF7A;
	s5 =	simm.s32 @!p2 $0x0  }
0x1d: {  	s5 =	simm.s32 @p1 $0x1;
	p0 =	seq.s32 s7, s2  }
0x1e: {  	s7 =	smul.u32 @!p0 $0xF7A, s2;
	p2 =	seq.s32 @!p0 s5, $0x0  }
0x1f: {  	s9 =	smul.u32 $0xF7A, s1;
	s8 =	simm.s32 @!p0 $0x1BF5;
	p2 =	por !p2, p0  }
0x20: {  	[sflag:s8] =	ssyncset.s32 @!p0 $0xFFFFF086;
	s6 =	sadd.s32 @!p0 s3, s7;
	s7 =	simm.s32 @!p0 $0x108  }
0x21: {  	s3 =	sadd.s32 s3, s9;
	s6 =	sadd.s32 @!p0 $0x88, s6;
	s7 =	simm.s32 @p2 $0x1082  }
0x22: {  	[simem:s7], [sflag:s8] =	dma.local @!p0 [hbm:s6], $0xF7A  }
0x23: {  	s9 =	sor.u32 $0xD0000000, s2;
	s6 =	simm.s32 $0x108;
	_ =	swait.ge @!p0 [sflag:s8], $0x0  }
0x24: {  	s3 =	sadd.s32 $0x88, s3;
	s6 =	simm.s32 @!p1 $0x1082;
	[sflag:s4] =	ssyncset.s32 $0xFFFFF086  }
0x25: {  	[simem:s6], [sflag:s4] =	dma.local [hbm:s3], $0xF7A  }
0x26: {  	[smem:$0x3F9B] =	sst s1;
	(tag) =	ssettag s2;
	_ =	strace s9  }
0x27: {  	s1 =	sld [smem:$0x3FAB]  }
0x28: {  	s2 =	sld [smem:$0x3FAC]  }
0x29: {  	s4 =	sld [smem:$0x3FAE]  }
0x2a: {  	p0 =	seq.s32 s5, $0x0;
	s5 =	sld [smem:$0x3FAF]  }
0x2b: {  	s6 =	sld [smem:$0x3FB0]  }
0x2c: {  	s7 =	sld [smem:$0x3FB1]  }
0x2d: {  	s3 =	simm.s32 $0x108;
	s8 =	sld [smem:$0x3FB2]  }
0x2e: {  	s3 =	simm.s32 @!p0 $0x1082;
	s9 =	sld [smem:$0x3FB3]  }
0x2f: {  	lr =	sadd.s32 s0, s3;
	s0 =	sld [smem:$0x3FAA]  }
0x30: {  	s3 =	sld [smem:$0x3FAD]  }
0x31: {  	[smem:$0x3FB6] =	sst s10  }
0x32: {  	s10 =	sld [smem:$0x3FB4];
	_ =	sdelay $0x3  }
0x33: {  	p0 =	seq.s32 s10, $0x1;
	s10 =	sld [smem:$0x3FB6];
	_ =	sdelay $0x3  }
0x34: {  	[smem:$0x3FB6] =	sst s10  }
0x35: {  	s10 =	sld [smem:$0x3FB5];
	_ =	sdelay $0x3  }
0x36: {  	p1 =	seq.s32 s10, $0x1;
	s10 =	sld [smem:$0x3FB6];
	_ =	sdelay $0x3  }
0x37: {  	[smem:$0x3FB6] =	sst s10  }
0x38: {  	s10 =	sld [smem:$0x3FB7]  }
0x39: {  	_ = 	snop;
	(pc) =	sbr.ind lr, $3  }
0x3a: {  	_ = 	snop  }
0x3b: {  	_ = 	snop  }
0x3c: {  	p2 =	seq.s32 s10, $0x1;
	s10 =	sld [smem:$0x3FB6]  }
0x3d: {  	_ =	shalt  }
0x3e: {  	_ =	shalt  }
0x3f: {  	_ =	shalt  }
0x40: {  	_ =	shalt  }
0x41: {  	_ =	shalt  }
0x42: {  	_ =	shalt  }
0x43: {  	_ =	shalt  }
0x44: {  	_ =	shalt  }
0x45: {  	_ =	shalt  }
0x46: {  	_ =	shalt  }
0x47: {  	_ =	shalt  }
0x48: {  	_ =	shalt  }
0x49: {  	_ =	shalt  }
0x4a: {  	_ =	shalt  }
0x4b: {  	_ =	shalt  }
0x4c: {  	_ =	shalt  }
0x4d: {  	_ =	shalt  }
0x4e: {  	_ =	shalt  }
0x4f: {  	_ =	shalt  }
0x50: {  	_ =	shalt  }
0x51: {  	_ =	shalt  }
0x52: {  	_ =	shalt  }
0x53: {  	_ =	shalt  }
0x54: {  	_ =	shalt  }
0x55: {  	_ =	shalt  }
0x56: {  	_ =	shalt  }
0x57: {  	_ =	shalt  }
0x58: {  	_ =	shalt  }
0x59: {  	_ =	shalt  }
0x5a: {  	_ =	shalt  }
0x5b: {  	_ =	shalt  }
0x5c: {  	_ =	shalt  }
0x5d: {  	_ =	shalt  }
0x5e: {  	_ =	shalt  }
0x5f: {  	_ =	shalt  }
0x60: {  	_ =	shalt  }
0x61: {  	_ =	shalt  }
0x62: {  	_ =	shalt  }
0x63: {  	_ =	shalt  }
0x64: {  	_ =	shalt  }
0x65: {  	_ =	shalt  }
0x66: {  	_ =	shalt  }
0x67: {  	_ =	shalt  }
0x68: {  	_ =	shalt  }
0x69: {  	_ =	shalt  }
0x6a: {  	_ =	shalt  }
0x6b: {  	_ =	shalt  }
0x6c: {  	_ =	shalt  }
0x6d: {  	_ =	shalt  }
0x6e: {  	_ =	shalt  }
0x6f: {  	_ =	shalt  }
0x70: {  	_ =	shalt  }
0x71: {  	_ =	shalt  }
0x72: {  	_ =	shalt  }
0x73: {  	_ =	shalt  }
0x74: {  	_ =	shalt  }
0x75: {  	_ =	shalt  }
0x76: {  	_ =	shalt  }
0x77: {  	_ =	shalt  }
0x78: {  	_ =	shalt  }
0x79: {  	_ =	shalt  }
0x7a: {  	_ =	shalt  }
0x7b: {  	_ =	shalt  }
0x7c: {  	_ =	shalt  }
0x7d: {  	_ =	shalt  }
0x7e: {  	_ =	shalt  }
0x7f: {  	_ =	shalt  }
0x80: {  	_ =	shalt  }
0x81: {  	_ =	shalt  }
0x82: {  	_ =	shalt  }
0x83: {  	_ =	shalt  }
0x84: {  	_ =	shalt  }
0x85: {  	_ =	shalt  }
0x86: {  	_ =	shalt  }
0x87: {  	_ =	shalt  }
.Lfunc_end0:
.L_simem_size_0:
called_computation_lowered:
.L_overlay_start_0:
0x88: {  	s2 =	sld [smem:$0x3FD9]  }
0x89: {  	s3 =	sld [smem:$0x3FFE];
	_ =	sdelay $0x1  }
0x8a: {  	s1 =	srdreg.scid  }
0x8b: {  	s0 =	sand.u32 $0x1, s1  }
0x8c: {  	s17 =	sshll.u32 s0, $0xA;
	s2 =	sadd.s32 s3, s2  }
0x8d: {  	s2 =	sadd.s32 s2, s17  }
0x8e: {  	[smem:$0x3FC2] =	sst s2  }
0x8f: {  	_ = 	snop  }
0x90: {  	s2 =	sld [smem:$0x3FC7]  }
0x91: {  	s18 =	sld [smem:$0x3FC5]  }
0x92: {  	s4 =	sld [smem:$0x3FC4]  }
0x93: {  	s5 =	sld [smem:$0x3FD0];
	(tm) =	ssettm $0x1  }
0x94: {  	s6 =	sld [smem:$0x3FFB];
	_ =	sdelay $0x3  }
0x95: {  	_ =	strace s6  }
0x96: {  	s6 =	sld [smem:$0x3FFC];
	_ =	sdelay $0x3  }
0x97: {  	_ =	strace s6  }
0x98: {  	s6 =	sld [smem:$0x3FFD];
	_ =	sdelay $0x3  }
0x99: {  	_ =	strace s6  }
0x9a: {  	_ =	strace $0x8FFFFFFF  }
0x9b: {  	s19 =	sld [smem:$0x3FDB];
	_ =	sdelay $0x1  }
0x9c: {  	s7 =	simm.s32 $_scs_section_size  }
0x9d: {  	s8 =	simm.s32 $_size__tile_overlayer_lowered;
	s9 =	simm.s32 $_tile_overlayer_lowered  }
0x9e: {  	s22 =	simm.s32 $0x1BFF;
	s21 =	sshll.u32 s9, $0x1;
	s6 =	sadd.s32 s7, s19  }
0x9f: {  	s10 =	simm.s32 $0x0;
	s20 =	sshll.u32 s8, $0x1;
	s8 =	sadd.s32 s21, s6  }
0xa0: {  	[timem:s10], [sflag:s22] =	dma.local [hbm:s8], s20  }
0xa1: {  	_ =	swait.ge [sflag:s22], s20  }
0xa2: {  	s7 =	ssub.s32 $0x0, s20;
	[sflag:s22] =	ssyncset.done $0x0  }
0xa3: {  	[sflag:s22] =	ssyncadd.s32 s7;
	_ =	sdelay $0x1  }
0xa4: {  	s23 =	simm.s32 $0x1B8B  }
0xa5: {  	_ =	swait.ge [sflag:s23], $0x1  }
0xa6: {  	[sflag:s23] =	ssyncset.done $0x0  }
0xa7: {  	s25 =	simm.s32 $0x1B8E;
	s24 =	sld [smem:$0x3FFE];
	[sflag:s23] =	ssyncadd.s32 $0xFFFFFFFF  }
0xa8: {  	s26 =	simm.s32 $execute0_lowered;
	[smem:$0x3FD2] =	sst s25  }
0xa9: {  	s8 =	sshll.u32 s26, $0x1;
	_ =	strace $0x80000046;
	[dreg:$0x1] =	wrdreg $0xFFFFFFFF  }
0xaa: {  	s28 =	simm.s32 $_size_execute0_lowered;
	s6 =	sadd.s32 s6, s8;
	[dreg:$0x0] =	wrdreg $0x0  }
0xab: {  	s8 =	sshll.u32 s28, $0x1;
	[dreg:$0x2] =	wrdreg s6  }
0xac: {  	[dreg:$0x3] =	wrdreg s8  }
0xad: {  	[dreg:$0x4] =	wrdreg $0xC0  }
0xae: {  	_ =	task [dreg:s10], $0x5FFFF  }
0xaf: {  	[dreg:$0x1] =	wrdreg $0xFFFFFFFF  }
0xb0: {  	[dreg:$0x0] =	wrdreg $0x60  }
0xb1: {  	[dreg:$0x2] =	wrdreg s24  }
0xb2: {  	[dreg:$0x3] =	wrdreg s2  }
0xb3: {  	[dreg:$0x4] =	wrdreg s18  }
0xb4: {  	[dreg:$0x5] =	wrdreg s4  }
0xb5: {  	[dreg:$0x6] =	wrdreg s5  }
0xb6: {  	[dreg:$0x7] =	wrdreg $0x9  }
0xb7: {  	_ =	task.clear_ibuf [dreg:s10], $0x8FFFF;
	_ =	strace $0x90000046  }
0xb8: {  	s29 =	simm.s32 $0x9;
	_ =	strace $0x80000048  }
0xb9: {  	_ =	swait.ge [sflag:s29], $0x1  }
0xba: {  	[sflag:s29] =	ssyncadd.s32 $0xFFFFFFFF  }
0xbb: {  	_ =	strace $0x90000048  }
0xbc: {  	_ =	sfence  }
0xbd: {  	s30 =	sld [smem:$0x0];
	_ =	sdelay $0x2  }
0xbe: {  	s31 =	sshll.u32 s1, $0xD;
	s1 =	sshrl.u32 s1, $0x2  }
0xbf: {  	s3 =	sand.u32 $0x4000, s31;
	s1 =	sadd.s32 s1, s30  }
0xc0: {  	s0 =	sor.u32 s3, s0;
	s1 =	sshll.u32 s1, $0x11  }
0xc1: {  	s0 =	sor.u32 s1, s0  }
0xc2: {  	s0 =	sadd.s32 $0x8F2B, s0  }
0xc3: {  	[sflag:s0] =	ssyncadd.remote.s32 $0x1  }
0xc4: {  	_ =	sfence.sel $0xFFFF  }
0xc5: {  	[dreg:$0x0] =	wrdreg $0xFFFFFFFF;
	(pc) =	sbr.abs _section_cstart, $3  }
0xc6: {  	[dreg:$0x1] =	wrdreg $0xFFFFFFFF  }
0xc7: {  	_ =	task.clear_ibuf [dreg:s10], $0x2FFFF;
	_ =	strace $0x9FFFFFFF  }
0xc8: {  	(tm) =	ssettm $0x7FFFFFFF  }
0xc9: {  	_ =	shalt  }
tec
execute0_lowered:
.L_overlay_start_1:
0x0: {  	(tag) =	ssettag $0x1  }
0x1: {  	s0 =	rddreg [dreg:$0x0]  }
0x2: {  	s1 =	rddreg [dreg:$0x1]  }
0x3: {  	s5 =	rddreg [dreg:$0x4]  }
0x4: {  	s2 =	srdreg.scid;
	s3 =	stileid.u32  }
0x5: {  	s6 =	simm.s32 $0x0;
	s23 =	simm.s32 $0x80;
	s24 =	simm.s32 $0x180  }
0x6: {  	s29 =	simm.s32 $0x3;
	s30 =	simm.s32 $0x2;
	s21 =	simm.s32 $0x6  }
0x7: {  	s11 =	simm.s32 $0x0;
	s2 =	sand.u32 $0x1, s2;
	s3 =	sshll.u32 s3, $0x1  }
0x8: {  	[smem:$0x7FF] =	sst s6;
	s7 =	sadd.s32 $0x2600, s0;
	s8 =	sadd.s32 $0x1B600, s0  }
0x9: {  	s9 =	sadd.s32 $0x600, s0;
	s3 =	sor.u32 s2, s3;
	s2 =	ssub.s32 $0x2, s2  }
0xa: {  	_ =	strace $0x80000047;
	s4 =	smul.u32 $0x6400, s3;
	s25 =	sshrl.u32 s2, $0x1  }
0xb: {  	s13 =	smul.u32 $0x320000, s3;
	s3 =	simm.s32 $0x10200;
	s0 =	ssub.s32 s2, s25  }
0xc: {  	s10 =	sshrl.u32 s4, $0x3;
	s15 =	sor.u32 $0x100, s4;
	s0 =	smax.u32 s0, $0x1  }
0xd: {  	s16 =	sor.u32 $0x180, s4;
	s26 =	sadd.s32 s7, s10;
	[dreg:$0xa] =	wrdreg s0  }
0xe: {  	s28 =	sor.u32 $0x10, s10;
	s10 =	sadd.s32 s8, s10;
	[dreg:$0x6] =	wrdreg s26  }
0xf: {  	s17 =	sor.u32 $0x4000, s13;
	[dreg:$0x7] =	wrdreg s10;
	s31 =	sadd.s32 s7, s28  }
0x10: {  	s4 =	simm.s32 $0x14200;
	s2 =	sadd.s32 s8, s28;
	[dreg:$0x8] =	wrdreg s31  }
0x11: {  	s0 =	simm.s32 $0xC200;
	[dreg:$0x9] =	wrdreg s2;
	s2 =	simm.s32 $0x4  }
.LBB2_1:
0x12: {  	[dreg:$0xb] =	wrdreg s11  }
0x13: {  	s10 =	rddreg [dreg:$0x2];
	s25 =	simm.s32 $0x18200;
	s26 =	simm.s32 $0x7  }
0x14: {  	[tilespmem:s25], [sflag:$0x7] =	stream.linear.gather [hbm4b:s10+s6], $0x80, $0x38;
	[tilespmem:$0x18300] =	vst v63  }
0x15: {  	_ =	swait.ge [sflag:s26], $0x80  }
0x16: {  	[sflag:s26] =	ssyncset.done $0x0  }
0x17: {  	[sflag:s26] =	ssyncadd.s32 $0xFFFFFF80  }
0x18: {  	s12 =	simm.s32 $0x18280;
	s31 =	rddreg [dreg:$0x3]  }
0x19: {  	[tilespmem:s12], [sflag:$0x7] =	stream.linear.gather [hbm4b:s31+s6], $0x80, $0x38;
	[tilespmem:$0x18300] =	vst v63  }
0x1a: {  	_ =	swait.ge [sflag:s26], $0x80  }
0x1b: {  	[sflag:s26] =	ssyncset.done $0x0  }
0x1c: {  	[sflag:s26] =	ssyncadd.s32 $0xFFFFFF80  }
0x1d: {  	v61 =	vld [tilespmem:$0x18200]  }
0x1e: {  	v62 =	vld [tilespmem:$0x18210]  }
0x1f: {  	v63 =	vld [tilespmem:$0x18220]  }
0x20: {  	v60 =	vld [tilespmem:$0x18230]  }
0x21: {  	v7 =	vld [tilespmem:$0x18240]  }
0x22: {  	v8 =	vld [tilespmem:$0x18250]  }
0x23: {  	v9 =	vld [tilespmem:$0x18260]  }
0x24: {  	v1 =	vld [tilespmem:$0x18270]  }
0x25: {  	v4 =	vld [tilespmem:$0x18280]  }
0x26: {  	v11 =	vld [tilespmem:$0x18290]  }
0x27: {  	v12 =	vld [tilespmem:$0x182A0]  }
0x28: {  	v13 =	vld [tilespmem:$0x182B0]  }
0x29: {  	v14 =	vld [tilespmem:$0x182C0]  }
0x2a: {  	v15 =	vld [tilespmem:$0x182D0]  }
0x2b: {  	s14 =	rddreg [dreg:$0x6];
	v10 =	vld [tilespmem:$0x182E0]  }
0x2c: {  	v0 =	vld [tilespmem:$0x182F0];
	[tilespmem:s6], [sflag:$0x1] =	stream.linear.gather [hbm4b:s14+s6], $0x80, $0x38  }
0x2d: {  	s19 =	simm.s32 $0x100;
	s18 =	rddreg [dreg:$0x7]  }
0x2e: {  	[tilespmem:s19], [sflag:$0x1] =	stream.linear.gather [hbm4b:s18+s6], $0x80, $0x38;
	[tilespmem:$0x18300] =	vst v63  }
0x2f: {  	s20 =	rddreg [dreg:$0x8]  }
0x30: {  	[tilespmem:s23], [sflag:$0x2] =	stream.linear.gather [hbm4b:s20+s6], $0x80, $0x38;
	[tilespmem:$0x18300] =	vst v63  }
0x31: {  	s25 =	simm.s32 $0x1;
	s22 =	rddreg [dreg:$0x9]  }
0x32: {  	[tilespmem:s24], [sflag:$0x2] =	stream.linear.gather [hbm4b:s22+s6], $0x80, $0x38;
	[tilespmem:$0x18300] =	vst v63  }
0x33: {  	_ =	swait.ge [sflag:s25], $0x80  }
0x34: {  	[sflag:s25] =	ssyncset.done $0x0  }
0x35: {  	[sflag:s25] =	ssyncadd.s32 $0xFFFFFF80  }
0x36: {  	_ =	swait.ge [sflag:s25], $0x80  }
0x37: {  	[tilespmem:$0x1FF50] =	vst v60  }
0x38: {  	[tilespmem:$0x1FF60] =	vst v7  }
0x39: {  	[tilespmem:$0x1FF70] =	vst v4  }
0x3a: {  	[tilespmem:$0x1FF80] =	vst v11  }
0x3b: {  	[tilespmem:$0x1FF90] =	vst v13  }
0x3c: {  	[tilespmem:$0x1FFA0] =	vst v12  }
0x3d: {  	[tilespmem:$0x1FFB0] =	vst v15  }
0x3e: {  	[tilespmem:$0x1FFC0] =	vst v1  }
0x3f: {  	[sflag:s25] =	ssyncset.done $0x0;
	[tilespmem:$0x1FFD0] =	vst v0  }
0x40: {  	s26 =	simm.s32 $0x200;
	[tilespmem:$0x1FFE0] =	vst v8;
	[sflag:s25] =	ssyncadd.s32 $0xFFFFFF80  }
0x41: {  	[tilespmem:s26], [sflag:$0x3] =	stream.indirect.gather [hbm4b:s1+s23], $0x80, s6, s23, $0xb8;
	[tilespmem:$0x18300] =	vst v63  }
0x42: {  	s28 =	simm.s32 $0x0;
	s31 =	simm.s32 $0x8200;
	[tilespmem:$0x1FFF0] =	vst v10  }
0x43: {  	[tilespmem:s31], [sflag:$0x3] =	stream.indirect.gather [hbm4b:s9+s23], $0x80, s19, s23, $0xb8;
	[tilespmem:$0x18300] =	vst v63  }
.LBB2_2:
0x44: {  	_ =	swait.ge [sflag:s29], $0x4000  }
0x45: {  	p0 =	seq.s32 s28, $0x63;
	[sflag:s29] =	ssyncset.done $0x0  }
0x46: {  	s10 =	sshll.u32 @!p0 s28, $0x8;
	[sflag:s29] =	ssyncadd.s32 $0xFFFFC000  }
0x47: {  	s11 =	sadd.s32 @!p0 s10, s15;
	_ =	swait.ge [sflag:s29], $0x4000  }
0x48: {  	s11 =	sshrl.u32 @!p0 s11, $0x3;
	[sflag:s29] =	ssyncset.done $0x0  }
0x49: {  	s14 =	simm.s32 @!p0 $0x0;
	s12 =	sadd.s32 @!p0 s7, s11;
	[sflag:s29] =	ssyncadd.s32 $0xFFFFC000  }
0x4a: {  	[tilespmem:s14], [sflag:$0x1] =	stream.linear.gather @!p0 [hbm4b:s12+s14], $0x80, $0x38;
	[tilespmem:$0x18300] =	vst v63  }
0x4b: {  	s11 =	sadd.s32 @!p0 s8, s11;
	s12 =	simm.s32 @!p0 $0x100  }
0x4c: {  	[tilespmem:s12], [sflag:$0x1] =	stream.linear.gather @!p0 [hbm4b:s11+s14], $0x80, $0x38;
	[tilespmem:$0x18300] =	vst v63  }
0x4d: {  	_ =	swait.ge [sflag:s30], $0x80  }
0x4e: {  	[sflag:s30] =	ssyncset.done $0x0  }
0x4f: {  	[sflag:s30] =	ssyncadd.s32 $0xFFFFFF80  }
0x50: {  	_ =	swait.ge [sflag:s30], $0x80  }
0x51: {  	[sflag:s30] =	ssyncset.done $0x0  }
0x52: {  	s25 =	simm.s32 $0x4200;
	p1 =	seq.s32 s28, $0x0;
	[sflag:s30] =	ssyncadd.s32 $0xFFFFFF80  }
0x53: {  	[tilespmem:s25], [sflag:$0x4] =	stream.indirect.gather [hbm4b:s1+s23], $0x80, s23, s23, $0xb8;
	[tilespmem:$0x18300] =	vst v63  }
0x54: {  	s11 =	simm.s32 @!p1 $0x5  }
0x55: {  	[tilespmem:s0], [sflag:$0x4] =	stream.indirect.gather [hbm4b:s9+s23], $0x80, s24, s23, $0xb8;
	[tilespmem:$0x18300] =	vst v63  }
0x56: {  	_ =	swait.ge @!p1 [sflag:s11], $0x4000  }
0x57: {  	[sflag:s11] =	ssyncset.done @!p1 $0x0  }
0x58: {  	[sflag:s11] =	ssyncadd.s32 @!p1 $0xFFFFC000;
	s11 =	simm.s32 $0x0  }
0x59: {  	v16 =	vld [tilespmem:s11+$0x280]  }
0x5a: {  	v17 =	vld [tilespmem:s11+$0x8280]  }
0x5b: {  	v18 =	vld [tilespmem:s11+$0x290]  }
0x5c: {  	v19 =	vld [tilespmem:s11+$0x8290]  }
0x5d: {  	v20 =	vld [tilespmem:s11+$0x2A0]  }
0x5e: {  	v21 =	vld [tilespmem:s11+$0x82A0]  }
0x5f: {  	v22 =	vld [tilespmem:s11+$0x2B0]  }
0x60: {  	v23 =	vld [tilespmem:s11+$0x82B0]  }
0x61: {  	v33 =	vadd.f32 v17, v16;
	v34 =	vadd.f32 v19, v18;
	v16 =	vld [tilespmem:s11+$0x2C0]  }
0x62: {  	v17 =	vld [tilespmem:s11+$0x82C0]  }
0x63: {  	v24 =	vld [tilespmem:s11+$0x82D0];
	v35 =	vadd.f32 v21, v20;
	v19 =	vmul.f32 v33, v33;
	v20 =	vmul.f32 v34, v34  }
0x64: {  	v18 =	vld [tilespmem:s11+$0x2D0];
	v21 =	vadd.f32 v34, v33  }
0x65: {  	v36 =	vadd.f32 v23, v22;
	v22 =	vld [tilespmem:s11+$0x2E0];
	v19 =	vadd.f32 v20, v19;
	v20 =	vmul.f32 v35, v35  }
0x66: {  	v23 =	vld [tilespmem:s11+$0x82E0];
	v21 =	vadd.f32 v35, v21  }
0x67: {  	v25 =	vld [tilespmem:s11+$0x2F0];
	v37 =	vadd.f32 v17, v16;
	v17 =	vmul.f32 v36, v36;
	v16 =	vadd.f32 v20, v19  }
0x68: {  	v19 =	vld [tilespmem:s11+$0x82F0];
	v20 =	vadd.f32 v36, v21  }
0x69: {  	v38 =	vadd.f32 v24, v18;
	v16 =	vadd.f32 v17, v16;
	v17 =	vmul.f32 v37, v37  }
0x6a: {  	v18 =	vld [tilespmem:s11+$0x200];
	v20 =	vadd.f32 v37, v20  }
0x6b: {  	v39 =	vadd.f32 v23, v22;
	v22 =	vld [tilespmem:s11+$0x210];
	v16 =	vadd.f32 v17, v16;
	v17 =	vmul.f32 v38, v38  }
0x6c: {  	v23 =	vld [tilespmem:s11+$0x8210];
	v20 =	vadd.f32 v38, v20  }
0x6d: {  	v21 =	vld [tilespmem:s11+$0x8200];
	v30 =	vadd.f32 v19, v25;
	v16 =	vadd.f32 v17, v16;
	v17 =	vmul.f32 v39, v39  }
0x6e: {  	v24 =	vld [tilespmem:s11+$0x8220];
	v20 =	vadd.f32 v39, v20  }
0x6f: {  	v19 =	vld [tilespmem:s11+$0x220];
	v16 =	vadd.f32 v17, v16;
	v17 =	vmul.f32 v30, v30  }
0x70: {  	v26 =	vld [tilespmem:s11+$0x8230];
	v20 =	vadd.f32 v30, v20  }
0x71: {  	v25 =	vld [tilespmem:s11+$0x230];
	v16 =	vadd.f32 v17, v16  }
0x72: {  	v32 =	vadd.f32 v23, v22;
	v42 =	vadd.f32 v21, v18;
	v18 =	vld [tilespmem:s11+$0x8240];
	(xrf2) =	vadd.scan.msk.f32 $0xffff, v20  }
0x73: {  	v17 =	vld [tilespmem:s11+$0x240];
	(xrf2) =	vadd.scan.msk.f32 $0xffff, v16  }
0x74: {  	v20 =	vadd.f32 v32, v42;
	v43 =	vadd.f32 v24, v19  }
0x75: {  	v22 =	vmul.f32 v32, v32;
	v21 =	vmul.f32 v42, v42  }
0x76: {  	v19 =	vld [tilespmem:s11+$0x8250];
	v45 =	vadd.f32 v26, v25;
	v20 =	vadd.f32 v43, v20  }
0x77: {  	v21 =	vadd.f32 v22, v21;
	v16 =	vld [tilespmem:s11+$0x250];
	v22 =	vmul.f32 v43, v43  }
0x78: {  	v46 =	vadd.f32 v18, v17;
	v18 =	vadd.f32 v45, v20;
	v20 =	vmul.f32 v45, v45;
	_ =	sdelay $0x1  }
0x79: {  	v23 =	vld [tilespmem:s11+$0x260];
	v21 =	vadd.f32 v22, v21  }
0x7a: {  	v24 =	vld [tilespmem:s11+$0x8260]  }
0x7b: {  	v25 =	vld [tilespmem:s11+$0x8270];
	v40 =	vadd.f32 v19, v16;
	v19 =	vadd.f32 v20, v21;
	v20, _, _ =	vpop (xrf2)  }
0x7c: {  	v17 =	vld [tilespmem:s11+$0x270];
	(v2sf) =	vpush v20, $0xF;
	v20, _, _ =	vpop (xrf2)  }
0x7d: {  	v16 =	vadd.f32 v46, v18;
	(v2sf) =	vpush v20, $0xF  }
0x7e: {  	v18 =	vmul.f32 v46, v46  }
0x7f: {  	v41 =	vadd.f32 v24, v23;
	v16 =	vadd.f32 v40, v16  }
0x80: {  	v21 =	vmul.f32 v40, v40;
	v18 =	vadd.f32 v18, v19  }
0x81: {  	v44 =	vadd.f32 v25, v17;
	v16 =	vadd.f32 v41, v16  }
0x82: {  	v17 =	vmul.f32 v41, v41;
	v18 =	vadd.f32 v21, v18  }
0x83: {  	v16 =	vadd.f32 v44, v16  }
0x84: {  	v19 =	vmul.f32 v44, v44;
	v17 =	vadd.f32 v17, v18  }
0x85: {  	(xrf2) =	vadd.scan.msk.f32 $0xffff, v16  }
0x86: {  	v16 =	vadd.f32 v19, v17;
	_ =	sdelay $0x1  }
0x87: {  	(xrf2) =	vadd.scan.msk.f32 $0xffff, v16;
	_ =	sdelay $0x2  }
0x88: {  	s26 =	spop (v2sf)  }
0x89: {  	s31 =	smul.f32 $7.812500000e-03, s26;
	s18 =	spop (v2sf)  }
0x8a: {  	s12 =	simm.s32 $0x100;
	s18 =	smul.f32 $7.812500000e-03, s18  }
0x8b: {  	v21 =	vld [tilespmem:s12+$0x8290];
	s19 =	smul.f32 s31, s31  }
0x8c: {  	v18 =	vld [tilespmem:s12+$0x8280];
	v16, _, _ =	vpop (xrf2)  }
0x8d: {  	v20 =	vld [tilespmem:s12+$0x290];
	(v2sf) =	vpush v16, $0xF;
	s18 =	ssub.f32 s18, s19  }
0x8e: {  	v16 =	vld [tilespmem:s12+$0x280]  }
0x8f: {  	v22 =	vld [tilespmem:s12+$0x2A0];
	v17, _, _ =	vpop (xrf2);
	s18 =	sadd.f32 $7.812499800e-08, s18  }
0x90: {  	v23 =	vld [tilespmem:s12+$0x82A0];
	(v2sf) =	vpush v17, $0xF  }
0x91: {  	v24 =	vld [tilespmem:s12+$0x82B0];
	v17 =	vmov s18  }
0x92: {  	v19 =	vld [tilespmem:s12+$0x2B0];
	v25 =	vshra.s32 v17, $0x1;
	v27 =	vmul.f32 $5.000000000e-01, v17  }
0x93: {  	v28 =	vld [tilespmem:s12+$0x82C0];
	v17 =	vadd.f32 v18, v16;
	v16 =	vadd.f32 v21, v20;
	v25 =	vsub.s32 $0x5F3759DF, v25  }
0x94: {  	v20 =	vld [tilespmem:s12+$0x2C0];
	v21 =	vmul.f32 v25, v27  }
0x95: {  	v47 =	vld [tilespmem:s12+$0x82D0];
	v18 =	vadd.f32 v23, v22;
	v23 =	vmul.f32 v17, v17;
	v29 =	vmul.f32 v16, v16  }
0x96: {  	v22 =	vld [tilespmem:s12+$0x2D0];
	v31 =	vadd.f32 v16, v17;
	v21 =	vmul.f32 v25, v21  }
0x97: {  	v48 =	vld [tilespmem:s12+$0x82E0];
	v19 =	vadd.f32 v24, v19;
	v23 =	vadd.f32 v29, v23;
	v29 =	vmul.f32 v18, v18  }
0x98: {  	v24 =	vld [tilespmem:s12+$0x2E0];
	v31 =	vadd.f32 v18, v31;
	v21 =	vsub.f32 $1.500000000e+00, v21  }
0x99: {  	v26 =	vld [tilespmem:s12+$0x2F0];
	v20 =	vadd.f32 v28, v20;
	v23 =	vadd.f32 v29, v23;
	v29 =	vmul.f32 v19, v19  }
0x9a: {  	v28 =	vld [tilespmem:s12+$0x82F0];
	v31 =	vadd.f32 v19, v31;
	v25 =	vmul.f32 v25, v21  }
0x9b: {  	v49 =	vld [tilespmem:s12+$0x200];
	v21 =	vadd.f32 v47, v22;
	v23 =	vadd.f32 v29, v23;
	v29 =	vmul.f32 v20, v20  }
0x9c: {  	v50 =	vld [tilespmem:s12+$0x8200];
	s20 =	spop (v2sf);
	v31 =	vadd.f32 v20, v31  }
0x9d: {  	v51 =	vld [tilespmem:s12+$0x210];
	s18 =	smul.f32 $7.812500000e-03, s20;
	v22 =	vadd.f32 v48, v24;
	v23 =	vadd.f32 v29, v23;
	v29 =	vmul.f32 v21, v21  }
0x9e: {  	v52 =	vld [tilespmem:s12+$0x8210];
	v58 =	vmov s31;
	v60 =	vmul.f32 v25, v27;
	v31 =	vadd.f32 v21, v31  }
0x9f: {  	v2 =	vld [tilespmem:s12+$0x220];
	s20 =	spop (v2sf);
	s22 =	smul.f32 s18, s18;
	v24 =	vadd.f32 v28, v26;
	v26 =	vmul.f32 v22, v22;
	v23 =	vadd.f32 v29, v23  }
0xa0: {  	v53 =	vld [tilespmem:s12+$0x230];
	v33 =	vsub.f32 v33, v58;
	s20 =	smul.f32 $7.812500000e-03, s20;
	v47 =	vmul.f32 v60, v25;
	v31 =	vadd.f32 v22, v31  }
0xa1: {  	v3 =	vld [tilespmem:s12+$0x8230];
	v34 =	vsub.f32 v34, v58;
	v4 =	vmul.f32 v24, v24;
	v23 =	vadd.f32 v26, v23  }
0xa2: {  	s19 =	ssub.f32 s20, s22;
	v28 =	vld [tilespmem:s12+$0x8220];
	v47 =	vsub.f32 $1.500000000e+00, v47;
	v31 =	vadd.f32 v24, v31  }
0xa3: {  	v56 =	vld [tilespmem:s12+$0x8250];
	v35 =	vsub.f32 v35, v58;
	v23 =	vadd.f32 v4, v23  }
0xa4: {  	v36 =	vsub.f32 v36, v58;
	s19 =	sadd.f32 $7.812499800e-08, s19;
	v29 =	vadd.f32 v50, v49;
	v49 =	vld [tilespmem:s12+$0x260];
	v47 =	vmul.f32 v47, v25;
	(xrf2) =	vadd.scan.msk.f32 $0xffff, v31  }
0xa5: {  	v39 =	vsub.f32 v39, v58;
	v26 =	vadd.f32 v52, v51;
	v51 =	vld [tilespmem:s12+$0x240];
	(xrf2) =	vadd.scan.msk.f32 $0xffff, v23  }
0xa6: {  	v5 =	vmov s19;
	v60 =	vmul.f32 v29, v29;
	v25 =	vld [tilespmem:s12+$0x8240];
	v27 =	vmul.f32 v47, v27  }
0xa7: {  	v28 =	vadd.f32 v28, v2;
	v2 =	vshra.s32 v5, $0x1;
	v31 =	vld [tilespmem:s12+$0x250];
	v54 =	vmul.f32 v26, v26  }
0xa8: {  	v52 =	vmul.f32 $5.000000000e-01, v5;
	v55 =	vadd.f32 v26, v29;
	v4 =	vld [tilespmem:s12+$0x8260];
	v27 =	vmul.f32 v27, v47  }
0xa9: {  	v23 =	vadd.f32 v3, v53;
	v50 =	vadd.f32 v54, v60;
	v3 =	vmul.f32 v28, v28  }
0xaa: {  	v48 =	vsub.s32 $0x5F3759DF, v2;
	v55 =	vadd.f32 v28, v55;
	v5 =	vsub.f32 $1.500000000e+00, v27  }
0xab: {  	v2 =	vsub.f32 v30, v58;
	v50 =	vadd.f32 v3, v50;
	v3 =	vmul.f32 v48, v52  }
0xac: {  	v59 =	vld [tilespmem:s12+$0x8270];
	v57 =	vmul.f32 v23, v23;
	v55 =	vadd.f32 v23, v55;
	v25 =	vadd.f32 v25, v51  }
0xad: {  	v51 =	vld [tilespmem:s12+$0x270];
	v30 =	vadd.f32 v4, v49;
	v27 =	vadd.f32 v56, v31  }
0xae: {  	v50 =	vadd.f32 v57, v50;
	v57 =	vmul.f32 v48, v3;
	v47 =	vmul.f32 v5, v47;
	v5, _, _ =	vpop (xrf2)  }
0xaf: {  	v31 =	vmul.f32 v25, v25;
	v55 =	vadd.f32 v25, v55;
	(v2sf) =	vpush v5, $0xF;
	v3, _, _ =	vpop (xrf2)  }
0xb0: {  	v5 =	vsub.f32 $1.500000000e+00, v57;
	(v2sf) =	vpush v3, $0xF  }
0xb1: {  	v60 =	vmul.f32 v27, v27;
	v50 =	vadd.f32 v31, v50;
	v4 =	vadd.f32 v27, v55  }
0xb2: {  	v31 =	vadd.f32 v59, v51;
	v2 =	vmul.f32 v47, v2;
	v48 =	vmul.f32 v48, v5  }
0xb3: {  	v50 =	vadd.f32 v60, v50;
	v49 =	vadd.f32 v30, v4;
	v4 =	vmul.f32 v30, v30  }
0xb4: {  	v54 =	vmov s18;
	v51 =	vmul.f32 v2, v1;
	v3 =	vmul.f32 v48, v52  }
0xb5: {  	v2 =	vmul.f32 v31, v31;
	v50 =	vadd.f32 v4, v50;
	v49 =	vadd.f32 v31, v49  }
0xb6: {  	v53 =	vsub.f32 v42, v54;
	v56 =	vsub.f32 v45, v54;
	v4 =	vmul.f32 v3, v48  }
0xb7: {  	v55 =	vsub.f32 v43, v54;
	v50 =	vadd.f32 v2, v50;
	(xrf2) =	vadd.scan.msk.f32 $0xffff, v49  }
0xb8: {  	v59 =	vsub.f32 v38, v58;
	v43 =	vsub.f32 $1.500000000e+00, v4  }
0xb9: {  	v36 =	vmul.f32 v47, v36;
	v57 =	vsub.f32 v37, v58;
	v1 =	vmul.f32 v47, v35;
	(xrf2) =	vadd.scan.msk.f32 $0xffff, v50  }
0xba: {  	v60 =	vld [tilespmem:$0x1FF50];
	v35 =	vsub.f32 v41, v54;
	v5 =	vmul.f32 v47, v33;
	v43 =	vmul.f32 v43, v48  }
0xbb: {  	v42 =	vadd.f32 v51, v0;
	v0 =	vmul.f32 v47, v34;
	v2 =	vmul.f32 v47, v57  }
0xbc: {  	v33 =	vsub.f32 v44, v54;
	v57 =	vmul.f32 v5, v61;
	v50 =	vmul.f32 v43, v52  }
0xbd: {  	v51 =	vsub.f32 v32, v54;
	v5 =	vmul.f32 v1, v63;
	v52 =	vmul.f32 v47, v59;
	v59 =	vld [tilespmem:$0x1FF70]  }
0xbe: {  	s14 =	simm.s32 $0x200;
	v32 =	vsub.f32 v46, v54;
	[tilespmem:s11+$0x102F0] =	vst v42;
	v4 =	vmul.f32 v0, v62;
	v3 =	vmul.f32 v50, v43;
	s25 =	spop (v2sf)  }
0xbf: {  	v34 =	vsub.f32 v40, v54;
	v36 =	vmul.f32 v36, v60;
	v40 =	vld [tilespmem:s14+$0x2B0];
	v49 =	vadd.f32 v5, v12;
	s18 =	smul.f32 $7.812500000e-03, s25;
	s26 =	spop (v2sf)  }
0xc0: {  	v39 =	vmul.f32 v47, v39;
	v37 =	vld [tilespmem:s14+$0x280];
	v4 =	vadd.f32 v4, v11;
	v44 =	vsub.f32 $1.500000000e+00, v3;
	s19 =	smul.f32 $7.812500000e-03, s26  }
0xc1: {  	v38 =	vld [tilespmem:s14+$0x8280];
	v48 =	vadd.f32 v36, v13;
	v54, _, _ =	vpop (xrf2);
	v50 =	vmul.f32 v2, v7;
	v52 =	vmul.f32 v52, v8;
	s31 =	smul.f32 s18, s18  }
0xc2: {  	v42 =	vld [tilespmem:s14+$0x290];
	(v2sf) =	vpush v54, $0xF;
	v3 =	vadd.f32 v57, v59;
	v46 =	vmul.f32 v44, v43  }
0xc3: {  	v5 =	vmul.f32 v39, v9;
	v58, _, _ =	vpop (xrf2);
	v41 =	vadd.f32 v50, v14;
	v36 =	vadd.f32 v52, v15;
	v57 =	vld [tilespmem:$0x1FF70];
	s19 =	ssub.f32 s19, s31  }
0xc4: {  	(v2sf) =	vpush v58, $0xF;
	v44 =	vld [tilespmem:s14+$0x8290];
	[tilespmem:s11+$0x10280] =	vst v3;
	v50 =	vmul.f32 v46, v53;
	v43 =	vmul.f32 v46, v51  }
0xc5: {  	s22 =	sshll.u32 s28, $0xF;
	v47 =	vld [tilespmem:s14+$0x2A0];
	v45 =	vmul.f32 v46, v55;
	v39 =	vmul.f32 v46, v56;
	[tilespmem:s11+$0x10290] =	vst v4;
	v51 =	vadd.f32 v5, v10;
	s20 =	sadd.f32 $7.812499800e-08, s19;
	s19 =	simm.s32 $0xC00  }
.LBB2_3:
0xc6: {  	v52 =	vld [tilespmem:s14+$0x82A0]  }
0xc7: {  	v54 =	vmul.f32 v46, v32;
	v7 =	vld [tilespmem:$0x1FF60];
	[tilespmem:s11+$0x102A0] =	vst v49  }
0xc8: {  	v55 =	vmul.f32 v46, v34;
	v34 =	vmul.f32 v46, v35;
	v53 =	vmov s20;
	v49 =	vld [tilespmem:s14+$0x82B0];
	[tilespmem:s11+$0x102B0] =	vst v48  }
0xc9: {  	v32 =	vmul.f32 v46, v33;
	v50 =	vmul.f32 v50, v61;
	v2 =	vshra.s32 v53, $0x1;
	v35 =	vld [tilespmem:s14+$0x2F0];
	[tilespmem:s11+$0x102C0] =	vst v41  }
0xca: {  	v53 =	vmul.f32 $5.000000000e-01, v53;
	v41 =	vadd.f32 v38, v37;
	v42 =	vadd.f32 v44, v42;
	v33 =	vld [tilespmem:s14+$0x2C0];
	[tilespmem:s11+$0x102D0] =	vst v36  }
0xcb: {  	v48 =	vsub.s32 $0x5F3759DF, v2;
	v58 =	vadd.f32 v50, v57;
	v38 =	vmul.f32 v43, v62;
	v36 =	vld [tilespmem:s14+$0x82C0];
	[tilespmem:s11+$0x102E0] =	vst v51  }
0xcc: {  	v56 =	vmul.f32 v48, v53;
	v43 =	vadd.f32 v52, v47;
	v59 =	vadd.f32 v42, v41;
	v47 =	vld [tilespmem:s14+$0x2D0]  }
0xcd: {  	v2 =	vmul.f32 v41, v41;
	v0 =	vmul.f32 v42, v42;
	v44 =	vadd.f32 v49, v40;
	v49 =	vld [tilespmem:s14+$0x82D0];
	[tilespmem:s11+$0x10200] =	vst v58  }
0xce: {  	v1 =	vmul.f32 v48, v56;
	v46 =	vld [tilespmem:s14+$0x2E0]  }
0xcf: {  	v56 =	vadd.f32 v43, v59;
	v40 =	vmul.f32 v39, v60;
	v51 =	vadd.f32 v0, v2;
	v57 =	vld [tilespmem:s14+$0x82E0]  }
0xd0: {  	v39 =	vmul.f32 v54, v7;
	v50 =	vsub.f32 $1.500000000e+00, v1;
	v1 =	vmul.f32 v43, v43;
	v54 =	vld [tilespmem:s14+$0x82F0]  }
0xd1: {  	v37 =	vmul.f32 v45, v63;
	v52 =	vld [tilespmem:s14+$0x8200];
	s26 =	spop (v2sf);
	v2 =	vadd.f32 v44, v56  }
0xd2: {  	v59 =	vld [tilespmem:s14+$0x210];
	v0 =	vmul.f32 v44, v44;
	s20 =	smul.f32 $7.812500000e-03, s26;
	v45 =	vadd.f32 v36, v33;
	v60 =	vadd.f32 v1, v51  }
0xd3: {  	v56 =	vld [tilespmem:s14+$0x200];
	v50 =	vmul.f32 v48, v50;
	v47 =	vadd.f32 v49, v47  }
0xd4: {  	v4 =	vmovc v61;
	v61 =	vld [tilespmem:s14+$0x8210];
	v33 =	vmov s20;
	v1 =	vadd.f32 v45, v2;
	v51 =	vadd.f32 v0, v60  }
0xd5: {  	v2 =	vmul.f32 v45, v45;
	v49 =	vld [tilespmem:s14+$0x220];
	v36 =	vsub.f32 v29, v33;
	v48 =	vadd.f32 v57, v46  }
0xd6: {  	s25 =	smul.f32 s20, s20;
	v58 =	vmul.f32 v50, v53;
	v35 =	vadd.f32 v54, v35;
	v57 =	vld [tilespmem:s14+$0x8220];
	s26 =	spop (v2sf);
	v29 =	vadd.f32 v47, v1  }
0xd7: {  	v46 =	vmul.f32 v55, v8;
	v55 =	vld [tilespmem:s14+$0x8230];
	v51 =	vadd.f32 v2, v51;
	v1 =	vmul.f32 v47, v47;
	s26 =	smul.f32 $7.812500000e-03, s26  }
0xd8: {  	v0 =	vmul.f32 v58, v50;
	v2 =	vadd.f32 v48, v29;
	v29 =	vadd.f32 v52, v56;
	v52 =	vld [tilespmem:s14+$0x230]  }
0xd9: {  	v59 =	vadd.f32 v61, v59;
	v51 =	vadd.f32 v1, v51;
	v1 =	vmul.f32 v48, v48;
	s31 =	ssub.f32 s26, s25  }
0xda: {  	v60 =	vld [tilespmem:s14+$0x240];
	v54 =	vmul.f32 v35, v35;
	v0 =	vsub.f32 $1.500000000e+00, v0  }
0xdb: {  	v5 =	vmovc v62;
	v61 =	vld [tilespmem:s14+$0x8240];
	v51 =	vadd.f32 v1, v51;
	v62 =	vmul.f32 v29, v29;
	v1 =	vmul.f32 v59, v59;
	s20 =	sadd.f32 $7.812499800e-08, s31  }
0xdc: {  	v2 =	vadd.f32 v35, v2;
	v50 =	vmul.f32 v0, v50;
	v49 =	vadd.f32 v57, v49  }
0xdd: {  	v6 =	vmovc v63;
	v63 =	vld [tilespmem:s14+$0x250];
	v1 =	vadd.f32 v1, v62;
	v58 =	vmov s20;
	v52 =	vadd.f32 v55, v52  }
0xde: {  	v3 =	vld [tilespmem:s14+$0x8270];
	v56 =	vshra.s32 v58, $0x1;
	v57 =	vmul.f32 $5.000000000e-01, v58;
	v58 =	vmul.f32 v49, v49  }
0xdf: {  	v0 =	vadd.f32 v59, v29;
	(xrf2) =	vadd.scan.msk.f32 $0xffff, v2;
	v53 =	vmul.f32 v50, v53;
	v51 =	vadd.f32 v54, v51;
	v54 =	vld [tilespmem:s14+$0x8250]  }
0xe0: {  	v60 =	vadd.f32 v61, v60;
	v55 =	vld [tilespmem:s14+$0x260];
	v10 =	vmul.f32 v52, v52;
	v1 =	vadd.f32 v58, v1  }
0xe1: {  	v0 =	vadd.f32 v49, v0;
	v53 =	vmul.f32 v53, v50;
	(xrf2) =	vadd.scan.msk.f32 $0xffff, v51;
	v51 =	vsub.s32 $0x5F3759DF, v56;
	v56 =	vld [tilespmem:s14+$0x8260]  }
0xe2: {  	v61 =	vld [tilespmem:s14+$0x270];
	v15 =	vmul.f32 v60, v60;
	v1 =	vadd.f32 v10, v1  }
0xe3: {  	v0 =	vadd.f32 v52, v0;
	v53 =	vsub.f32 $1.500000000e+00, v53  }
0xe4: {  	v2 =	vmov s18;
	v54 =	vadd.f32 v54, v63;
	v1 =	vadd.f32 v15, v1;
	v15 =	vld [tilespmem:$0x1FFC0]  }
0xe5: {  	v0 =	vadd.f32 v60, v0;
	v50 =	vmul.f32 v53, v50;
	v53 =	vsub.f32 v24, v2  }
0xe6: {  	v10 =	vld [tilespmem:$0x1FFD0];
	v55 =	vadd.f32 v56, v55;
	v56 =	vmul.f32 v54, v54  }
0xe7: {  	v3 =	vadd.f32 v3, v61;
	v0 =	vadd.f32 v54, v0;
	v53 =	vmul.f32 v50, v53  }
0xe8: {  	v58 =	vmul.f32 v51, v57;
	v61 =	vmul.f32 v55, v55;
	v1 =	vadd.f32 v56, v1  }
0xe9: {  	v24 =	vmov v35;
	v35, _, _ =	vpop (xrf2);
	v0 =	vadd.f32 v55, v0;
	v53 =	vmul.f32 v53, v15  }
0xea: {  	v58 =	vmul.f32 v51, v58;
	(v2sf) =	vpush v35, $0xF;
	v1 =	vadd.f32 v61, v1  }
0xeb: {  	v56 =	vmul.f32 v34, v9;
	v35, _, _ =	vpop (xrf2);
	v0 =	vadd.f32 v3, v0;
	v53 =	vadd.f32 v53, v10  }
0xec: {  	v34 =	vmul.f32 v3, v3;
	(v2sf) =	vpush v35, $0xF;
	v35 =	vsub.f32 v30, v33  }
0xed: {  	v30 =	vsub.f32 v16, v2;
	[tilespmem:s12+$0x102F0] =	vst v53;
	v53 =	vmul.f32 v32, v15;
	v32 =	vsub.f32 $1.500000000e+00, v58  }
0xee: {  	v16 =	vmovc v42;
	v42 =	vsub.f32 v19, v2;
	v1 =	vadd.f32 v34, v1;
	(xrf2) =	vadd.scan.msk.f32 $0xffff, v0  }
0xef: {  	v34 =	vsub.f32 v27, v33;
	v27 =	vmovc v54;
	v54 =	vsub.f32 v17, v2;
	v0 =	vmul.f32 v51, v32  }
0xf0: {  	v17 =	vmov v41;
	v41 =	vsub.f32 v18, v2;
	v58 =	vsub.f32 v26, v33  }
0xf1: {  	v26 =	vmovc v59;
	v59 =	vsub.f32 v23, v33;
	v23 =	vmov v52;
	v52 =	vmul.f32 v0, v57  }
0xf2: {  	v51 =	vsub.f32 v28, v33;
	v32 =	vsub.f32 v25, v33  }
0xf3: {  	(xrf2) =	vadd.scan.msk.f32 $0xffff, v1;
	v33 =	vsub.f32 v31, v33;
	v31 =	vmul.f32 v52, v0;
	v52 =	vsub.f32 v20, v2  }
0xf4: {  	v19 =	vmovc v44;
	v44 =	vmul.f32 v50, v30;
	v42 =	vmul.f32 v50, v42;
	v15 =	vadd.f32 v37, v12  }
0xf5: {  	v18 =	vmovc v43;
	v1 =	vmul.f32 v50, v54;
	v25 =	vmovc v60;
	v60 =	vld [tilespmem:$0x1FF50];
	v31 =	vsub.f32 $1.500000000e+00, v31;
	v43 =	vmul.f32 v50, v52  }
0xf6: {  	v54 =	vsub.f32 v21, v2;
	v41 =	vmul.f32 v50, v41;
	v44 =	vmul.f32 v44, v5;
	[tilespmem:s11+$0x10220] =	vst v15;
	v15 =	vld [tilespmem:$0x1FFB0]  }
0xf7: {  	v38 =	vadd.f32 v38, v11;
	v0 =	vmul.f32 v31, v0;
	v43 =	vmul.f32 v43, v7;
	v7 =	vld [tilespmem:$0x1FFF0]  }
0xf8: {  	v62 =	vmovc v5;
	v30 =	vmov v55;
	v37 =	vmul.f32 v50, v54;
	v1 =	vmul.f32 v1, v4  }
0xf9: {  	v2 =	vsub.f32 v22, v2;
	v22 =	vmovc v48;
	v48 =	vadd.f32 v39, v14;
	v55 =	vmul.f32 v0, v57  }
0xfa: {  	[tilespmem:s11+$0x10210] =	vst v38;
	v28 =	vmovc v49;
	v20 =	vmov v45;
	v45 =	vmul.f32 v42, v60;
	v52 =	vadd.f32 v40, v13;
	s25 =	spop (v2sf);
	v57 =	vld [tilespmem:$0x1FF70]  }
0xfb: {  	v54, _, _ =	vpop (xrf2);
	v49 =	vadd.f32 v46, v15;
	[tilespmem:s11+$0x10240] =	vst v48;
	s18 =	smul.f32 $7.812500000e-03, s25;
	s26 =	spop (v2sf);
	v31 =	vmov v3;
	v3 =	vmul.f32 v55, v0  }
0xfc: {  	v63 =	vmovc v6;
	v41 =	vmul.f32 v41, v6;
	(v2sf) =	vpush v54, $0xF;
	[tilespmem:s11+$0x10230] =	vst v52;
	s25 =	sshra.s32 s19, $0x2;
	s20 =	smul.f32 $7.812500000e-03, s26;
	v54 =	vadd.f32 v56, v7  }
0xfd: {  	p1 =	sne.s32 s19, $0xFC00;
	v2 =	vmul.f32 v50, v2;
	v50, _, _ =	vpop (xrf2);
	v48 =	vadd.f32 v45, v13;
	v40 =	vld [tilespmem:s25+$0x2B0];
	[tilespmem:s11+$0x10250] =	vst v49;
	s31 =	smul.f32 s18, s18;
	v3 =	vsub.f32 $1.500000000e+00, v3  }
.Ltmp0:
0xfe: {  	v61 =	vmovc v4;
	v52 =	vmul.f32 v37, v8;
	(v2sf) =	vpush v50, $0xF;
	v37 =	vld [tilespmem:s25+$0x280];
	v55 =	vadd.f32 v53, v10;
	[tilespmem:s11+$0x10260] =	vst v54;
	(pc) =	sbr.rel @p1 .LBB2_3-.Ltmp0, $4  }
0xff: {  	v21 =	vmovc v47;
	v49 =	vadd.f32 v41, v12;
	s20 =	ssub.f32 s20, s31;
	v1 =	vadd.f32 v1, v57;
	v38 =	vld [tilespmem:s25+$0x8280];
	v46 =	vmul.f32 v3, v0  }
0x100: {  	v2 =	vmul.f32 v2, v9;
	v41 =	vadd.f32 v43, v14;
	v56 =	vadd.f32 v44, v11;
	v42 =	vld [tilespmem:s25+$0x290];
	[tilespmem:s11+$0x10270] =	vst v55;
	s11 =	smov.u32 s12;
	s12 =	smov.u32 s14;
	s14 =	smov.u32 s25  }
0x101: {  	v44 =	vld [tilespmem:s14+$0x8290];
	[tilespmem:s11+$0x10280] =	vst v1;
	v50 =	vmul.f32 v46, v36;
	v43 =	vmul.f32 v46, v58;
	v36 =	vadd.f32 v52, v15  }
0x102: {  	s19 =	sadd.s32 $0x400, s19;
	s20 =	sadd.f32 $7.812499800e-08, s20;
	v47 =	vld [tilespmem:s14+$0x2A0];
	v45 =	vmul.f32 v46, v51;
	v39 =	vmul.f32 v46, v59;
	[tilespmem:s11+$0x10290] =	vst v56;
	v51 =	vadd.f32 v2, v7  }
0x103: {  	v0 =	vld [tilespmem:s14+$0x82A0];
	[tilespmem:s11+$0x102A0] =	vst v49  }
0x104: {  	v1 =	vld [tilespmem:s14+$0x82B0];
	[tilespmem:s11+$0x102B0] =	vst v48  }
0x105: {  	v59 =	vmul.f32 v50, v61;
	v2 =	vld [tilespmem:s14+$0x2F0];
	[tilespmem:s11+$0x102C0] =	vst v41  }
0x106: {  	v7 =	vadd.f32 v38, v37;
	v3 =	vld [tilespmem:s14+$0x2C0];
	[tilespmem:s11+$0x102D0] =	vst v36;
	v37 =	vadd.f32 v44, v42  }
0x107: {  	v41 =	vadd.f32 v59, v57;
	v48 =	vld [tilespmem:s14+$0x82C0];
	[tilespmem:s11+$0x102E0] =	vst v51  }
0x108: {  	v52 =	vmul.f32 v7, v7;
	v42 =	vld [tilespmem:s14+$0x2D0];
	v38 =	vadd.f32 v0, v47;
	v53 =	vmul.f32 v37, v37  }
0x109: {  	v0 =	vld [tilespmem:s14+$0x82D0];
	v54 =	vadd.f32 v37, v7;
	[tilespmem:s11+$0x10200] =	vst v41  }
0x10a: {  	v40 =	vadd.f32 v1, v40;
	v55 =	vld [tilespmem:s14+$0x2E0];
	v44 =	vadd.f32 v53, v52;
	v56 =	vmul.f32 v38, v38  }
0x10b: {  	v58 =	vld [tilespmem:s14+$0x82E0];
	v49 =	vadd.f32 v38, v54  }
0x10c: {  	v59 =	vmul.f32 v40, v40;
	v41 =	vadd.f32 v48, v3;
	v3 =	vadd.f32 v56, v44  }
0x10d: {  	v36 =	vld [tilespmem:s14+$0x82F0];
	v49 =	vadd.f32 v40, v49  }
0x10e: {  	v51 =	vld [tilespmem:s14+$0x210];
	v44 =	vadd.f32 v0, v42;
	v52 =	vadd.f32 v59, v3;
	v3 =	vmul.f32 v41, v41  }
0x10f: {  	v1 =	vld [tilespmem:s14+$0x8230];
	v53 =	vadd.f32 v41, v49  }
0x110: {  	v49 =	vld [tilespmem:s14+$0x200];
	v42 =	vadd.f32 v58, v55;
	v54 =	vmul.f32 v44, v44;
	v0 =	vadd.f32 v3, v52  }
0x111: {  	v58 =	vld [tilespmem:s14+$0x8210];
	v55 =	vadd.f32 v44, v53  }
0x112: {  	v47 =	vadd.f32 v36, v2;
	v3 =	vld [tilespmem:s14+$0x8200];
	v56 =	vmul.f32 v42, v42;
	v0 =	vadd.f32 v54, v0  }
0x113: {  	v36 =	vld [tilespmem:s14+$0x220];
	v59 =	vadd.f32 v42, v55  }
0x114: {  	v52 =	vld [tilespmem:s14+$0x8220];
	v0 =	vadd.f32 v56, v0;
	v56 =	vmul.f32 v47, v47  }
0x115: {  	v53 =	vld [tilespmem:s14+$0x230];
	v48 =	vadd.f32 v47, v59  }
0x116: {  	v0 =	vadd.f32 v56, v0  }
0x117: {  	(xrf2) =	vadd.scan.msk.f32 $0xffff, v48;
	v48 =	vadd.f32 v3, v49;
	v49 =	vadd.f32 v58, v51  }
0x118: {  	v54 =	vld [tilespmem:s14+$0x250];
	(xrf2) =	vadd.scan.msk.f32 $0xffff, v0  }
0x119: {  	v50 =	vadd.f32 v52, v36;
	v3 =	vld [tilespmem:s14+$0x240];
	v55 =	vadd.f32 v49, v48  }
0x11a: {  	v51 =	vadd.f32 v1, v53;
	v0 =	vld [tilespmem:s14+$0x8240]  }
0x11b: {  	v36 =	vmovc v57;
	v57 =	vld [tilespmem:s14+$0x8250];
	v2 =	vmul.f32 v48, v48;
	v56 =	vmul.f32 v49, v49;
	v58 =	vadd.f32 v50, v55  }
0x11c: {  	v1 =	vld [tilespmem:s14+$0x260]  }
0x11d: {  	v59 =	vmul.f32 v50, v50;
	v2 =	vadd.f32 v56, v2;
	v56 =	vld [tilespmem:s14+$0x8260];
	v55 =	vadd.f32 v51, v58;
	_ =	sdelay $0x1  }
0x11e: {  	v2 =	vadd.f32 v59, v2;
	v58 =	vld [tilespmem:s14+$0x8270];
	v52 =	vadd.f32 v0, v3;
	v3 =	vmul.f32 v51, v51  }
0x11f: {  	v53 =	vadd.f32 v57, v54;
	v0 =	vld [tilespmem:s14+$0x270]  }
0x120: {  	v2 =	vadd.f32 v3, v2;
	v3 =	vadd.f32 v52, v55;
	v55, _, _ =	vpop (xrf2)  }
0x121: {  	v57 =	vmul.f32 v52, v52;
	v54 =	vadd.f32 v56, v1;
	(v2sf) =	vpush v55, $0xF;
	v56, _, _ =	vpop (xrf2)  }
0x122: {  	v3 =	vadd.f32 v53, v3;
	(v2sf) =	vpush v56, $0xF  }
0x123: {  	v59 =	vmul.f32 v53, v53;
	v2 =	vadd.f32 v57, v2  }
0x124: {  	v55 =	vadd.f32 v58, v0;
	v57 =	vadd.f32 v54, v3  }
0x125: {  	v3 =	vmul.f32 v54, v54;
	v1 =	vadd.f32 v59, v2  }
0x126: {  	v0 =	vadd.f32 v55, v57  }
0x127: {  	v58 =	vmul.f32 v55, v55;
	v1 =	vadd.f32 v3, v1  }
0x128: {  	v56 =	vmov s20;
	(xrf2) =	vadd.scan.msk.f32 $0xffff, v0  }
0x129: {  	s19 =	spop (v2sf);
	v57 =	vshra.s32 v56, $0x1;
	v59 =	vadd.f32 v58, v1;
	v1 =	vmul.f32 $5.000000000e-01, v56  }
0x12a: {  	s25 =	spop (v2sf);
	s20 =	smul.f32 $7.812500000e-03, s19;
	v0 =	vsub.s32 $0x5F3759DF, v57  }
0x12b: {  	s25 =	smul.f32 $7.812500000e-03, s25;
	(xrf2) =	vadd.scan.msk.f32 $0xffff, v59;
	v58 =	vmul.f32 v0, v1  }
0x12c: {  	s19 =	smul.f32 s20, s20  }
0x12d: {  	v2 =	vmul.f32 v0, v58  }
0x12e: {  	s25 =	ssub.f32 s25, s19  }
0x12f: {  	v2 =	vsub.f32 $1.500000000e+00, v2  }
0x130: {  	s25 =	sadd.f32 $7.812499800e-08, s25;
	s26 =	spop (v2sf)  }
0x131: {  	v0 =	vmul.f32 v0, v2;
	s19 =	smul.f32 $7.812500000e-03, s26;
	s26 =	spop (v2sf)  }
0x132: {  	v3, _, _ =	vpop (xrf2);
	s26 =	smul.f32 $7.812500000e-03, s26  }
0x133: {  	v57 =	vmul.f32 v0, v1;
	(v2sf) =	vpush v3, $0xF;
	v3 =	vmov s25;
	s31 =	smul.f32 s19, s19  }
0x134: {  	v2 =	vshra.s32 v3, $0x1;
	v3 =	vmul.f32 $5.000000000e-01, v3  }
0x135: {  	v56, _, _ =	vpop (xrf2);
	v57 =	vmul.f32 v57, v0;
	v2 =	vsub.s32 $0x5F3759DF, v2;
	s31 =	ssub.f32 s26, s31  }
0x136: {  	(v2sf) =	vpush v56, $0xF;
	v56 =	vmul.f32 v2, v3  }
0x137: {  	v32 =	vmul.f32 v46, v32;
	v34 =	vmul.f32 v46, v34;
	v57 =	vsub.f32 $1.500000000e+00, v57;
	s25 =	sadd.f32 $7.812499800e-08, s31  }
0x138: {  	v35 =	vmul.f32 v46, v35;
	v56 =	vmul.f32 v2, v56  }
0x139: {  	v33 =	vmul.f32 v46, v33;
	v0 =	vmul.f32 v57, v0;
	v58 =	vmov s25  }
0x13a: {  	[tilespmem:$0x1FF40] =	vst v7;
	v7 =	vld [tilespmem:$0x1FF60];
	v56 =	vsub.f32 $1.500000000e+00, v56;
	v59 =	vshra.s32 v58, $0x1;
	v58 =	vmul.f32 $5.000000000e-01, v58  }
0x13b: {  	v39 =	vmul.f32 v39, v60;
	v1 =	vmul.f32 v0, v1;
	v59 =	vsub.s32 $0x5F3759DF, v59  }
0x13c: {  	v10 =	vld [tilespmem:$0x1FFC0];
	v2 =	vmul.f32 v2, v56;
	v57 =	vmul.f32 v59, v58  }
0x13d: {  	v34 =	vmul.f32 v34, v8;
	v1 =	vmul.f32 v1, v0  }
0x13e: {  	v56 =	vmul.f32 v59, v57;
	v57 =	vmul.f32 v2, v3  }
0x13f: {  	v35 =	vmul.f32 v35, v9;
	v32 =	vmul.f32 v32, v7;
	v1 =	vsub.f32 $1.500000000e+00, v1  }
0x140: {  	v39 =	vadd.f32 v39, v13;
	v56 =	vsub.f32 $1.500000000e+00, v56;
	v57 =	vmul.f32 v57, v2  }
0x141: {  	v33 =	vmul.f32 v33, v10;
	v32 =	vadd.f32 v32, v14;
	v0 =	vmul.f32 v1, v0  }
0x142: {  	v56 =	vmul.f32 v59, v56;
	v46 =	vsub.f32 $1.500000000e+00, v57;
	v57 =	vmov s18  }
0x143: {  	v59 =	vmov s20;
	v24 =	vsub.f32 v24, v57;
	v17 =	vsub.f32 v17, v57  }
0x144: {  	s25 =	spop (v2sf);
	v16 =	vsub.f32 v16, v57;
	v18 =	vsub.f32 v18, v57;
	v1 =	vmul.f32 v56, v58  }
0x145: {  	s20 =	smul.f32 $7.812500000e-03, s25;
	v19 =	vsub.f32 v19, v57;
	v2 =	vmul.f32 v46, v2;
	v24 =	vmul.f32 v0, v24  }
0x146: {  	v46 =	vmul.f32 v0, v17;
	v17 =	vsub.f32 v20, v57;
	v20 =	vmul.f32 v0, v16  }
0x147: {  	s31 =	spop (v2sf);
	s26 =	smul.f32 s20, s20;
	v18 =	vmul.f32 v0, v18;
	v16 =	vsub.f32 v21, v57;
	v19 =	vmul.f32 v0, v19  }
0x148: {  	s25 =	smul.f32 $7.812500000e-03, s31;
	v21 =	vsub.f32 v22, v57;
	v1 =	vmul.f32 v1, v56;
	v3 =	vmul.f32 v2, v3  }
0x149: {  	v29 =	vsub.f32 v29, v59;
	v22 =	vmul.f32 v0, v17;
	v57 =	vmul.f32 v0, v16  }
0x14a: {  	s18 =	ssub.f32 s25, s26;
	v0 =	vmul.f32 v0, v21;
	v46 =	vmul.f32 v46, v61;
	v1 =	vsub.f32 $1.500000000e+00, v1  }
0x14b: {  	v26 =	vsub.f32 v26, v59;
	v20 =	vmul.f32 v20, v62;
	v18 =	vmul.f32 v18, v63  }
0x14c: {  	v28 =	vsub.f32 v28, v59;
	s18 =	sadd.f32 $7.812499800e-08, s18;
	v3 =	vmul.f32 v3, v2;
	v1 =	vmul.f32 v1, v56  }
0x14d: {  	v23 =	vsub.f32 v23, v59;
	v19 =	vmul.f32 v19, v60;
	v22 =	vmul.f32 v22, v7  }
0x14e: {  	v17 =	vmov s18;
	v3 =	vsub.f32 $1.500000000e+00, v3;
	v56 =	vmul.f32 v1, v58  }
0x14f: {  	v20 =	vadd.f32 v20, v11;
	v16 =	vshra.s32 v17, $0x1;
	v58 =	vmul.f32 $5.000000000e-01, v17  }
0x150: {  	v16 =	vsub.s32 $0x5F3759DF, v16;
	v2 =	vmul.f32 v3, v2;
	v17 =	vmul.f32 v56, v1  }
0x151: {  	v3 =	vsub.f32 v25, v59;
	v25 =	vsub.f32 v27, v59;
	v21 =	vmul.f32 v16, v58;
	v56 =	vld [tilespmem:$0x1FFD0]  }
0x152: {  	v0 =	vmul.f32 v0, v9;
	v27 =	vsub.f32 v30, v59;
	v17 =	vsub.f32 $1.500000000e+00, v17  }
0x153: {  	v30 =	vsub.f32 v31, v59;
	v31 =	vmul.f32 v45, v63;
	v21 =	vmul.f32 v16, v21  }
0x154: {  	v18 =	vadd.f32 v18, v12;
	v1 =	vmul.f32 v17, v1;
	v17 =	vmul.f32 v24, v10  }
0x155: {  	v19 =	vadd.f32 v19, v13;
	v24 =	vmul.f32 v43, v62;
	v21 =	vsub.f32 $1.500000000e+00, v21  }
0x156: {  	v15 =	vld [tilespmem:$0x1FFB0];
	v31 =	vadd.f32 v31, v12;
	v26 =	vmul.f32 v2, v26;
	v43 =	vadd.f32 v17, v56  }
0x157: {  	v24 =	vadd.f32 v24, v11;
	v21 =	vmul.f32 v16, v21;
	v16 =	vmov s20  }
0x158: {  	v28 =	vmul.f32 v2, v28;
	v45 =	vsub.f32 v48, v16;
	v17 =	vsub.f32 v54, v16;
	v54 =	vld [tilespmem:$0x1FFF0];
	[tilespmem:s12+$0x102F0] =	vst v43  }
0x159: {  	v23 =	vmul.f32 v2, v23;
	v48 =	vsub.f32 v49, v16;
	v49 =	vsub.f32 v50, v16;
	[tilespmem:s11+$0x10210] =	vst v24  }
0x15a: {  	v50 =	vsub.f32 v51, v16;
	v51 =	vsub.f32 v52, v16;
	v59 =	vmul.f32 v21, v58;
	[tilespmem:s11+$0x10220] =	vst v31  }
0x15b: {  	v3 =	vmul.f32 v2, v3;
	v52 =	vsub.f32 v53, v16;
	v24 =	vadd.f32 v34, v15;
	[tilespmem:s11+$0x10230] =	vst v39  }
0x15c: {  	v31 =	vmul.f32 v57, v8;
	[tilespmem:s11+$0x10240] =	vst v32;
	v57 =	vadd.f32 v33, v56;
	v59 =	vmul.f32 v59, v21  }
0x15d: {  	v3 =	vmul.f32 v3, v7;
	v16 =	vsub.f32 v55, v16;
	[tilespmem:s11+$0x10250] =	vst v24;
	v35 =	vadd.f32 v35, v54  }
0x15e: {  	v55 =	vadd.f32 v46, v36;
	[tilespmem:s11+$0x10270] =	vst v57;
	v53 =	vsub.f32 $1.500000000e+00, v59;
	v59 =	vmov s19  }
0x15f: {  	v25 =	vmul.f32 v2, v25;
	v24 =	vmul.f32 v2, v29;
	v29 =	vsub.f32 v47, v59;
	[tilespmem:s11+$0x10260] =	vst v35  }
0x160: {  	v27 =	vmul.f32 v2, v27;
	v3 =	vadd.f32 v3, v14;
	v2 =	vmul.f32 v2, v30;
	[tilespmem:s12+$0x10280] =	vst v55  }
0x161: {  	v0 =	vadd.f32 v0, v54;
	v30 =	vsub.f32 v40, v59;
	v29 =	vmul.f32 v1, v29;
	[tilespmem:s12+$0x10290] =	vst v20  }
0x162: {  	v40 =	vmul.f32 v28, v63;
	v20 =	vadd.f32 v22, v14;
	v22 =	vmul.f32 v24, v61;
	[tilespmem:s12+$0x102A0] =	vst v18  }
0x163: {  	v28 =	vsub.f32 v41, v59;
	v21 =	vmul.f32 v53, v21;
	[tilespmem:s12+$0x102B0] =	vst v19;
	v24 =	vmul.f32 v29, v10  }
0x164: {  	v2 =	vmul.f32 v2, v10;
	v18 =	vadd.f32 v31, v15;
	[tilespmem:s12+$0x102E0] =	vst v0;
	v19 =	vadd.f32 v22, v36  }
0x165: {  	[tilespmem:s12+$0x102C0] =	vst v20;
	v20 =	vmul.f32 v26, v62;
	v22 =	vadd.f32 v24, v56;
	v24 =	vmul.f32 v21, v58  }
0x166: {  	v31 =	vsub.f32 v44, v59;
	v0 =	vadd.f32 v40, v12;
	[tilespmem:s12+$0x10200] =	vst v19;
	v19 =	vmul.f32 v23, v60  }
0x167: {  	v2 =	vadd.f32 v2, v56;
	v26 =	vld [tilespmem:$0x1FF40];
	[tilespmem:s12+$0x102D0] =	vst v18;
	v20 =	vadd.f32 v20, v11;
	v24 =	vmul.f32 v24, v21  }
0x168: {  	v29 =	vsub.f32 v37, v59;
	[tilespmem:s14+$0x102F0] =	vst v22;
	v19 =	vadd.f32 v19, v13  }
0x169: {  	v22 =	vsub.f32 v42, v59;
	v42 =	vmul.f32 v27, v9;
	[tilespmem:s12+$0x10210] =	vst v20;
	v23 =	vsub.f32 $1.500000000e+00, v24  }
0x16a: {  	v44 =	vmul.f32 v1, v28;
	v18 =	vsub.f32 v38, v59;
	[tilespmem:s12+$0x10230] =	vst v19;
	v19 =	vmul.f32 v1, v29  }
0x16b: {  	[tilespmem:s12+$0x10220] =	vst v0;
	v0 =	vadd.f32 v42, v54;
	v20 =	vmul.f32 v23, v21;
	v21 =	vmul.f32 v25, v8  }
0x16c: {  	v26 =	vsub.f32 v26, v59;
	[tilespmem:s12+$0x10240] =	vst v3;
	v3 =	vmul.f32 v1, v18;
	v19 =	vmul.f32 v19, v62  }
0x16d: {  	v46 =	vmul.f32 v1, v31;
	[tilespmem:s12+$0x10260] =	vst v0;
	v0 =	vmul.f32 v44, v7;
	v21 =	vadd.f32 v21, v15  }
0x16e: {  	[tilespmem:s12+$0x10270] =	vst v2;
	v3 =	vmul.f32 v3, v63;
	v23 =	vmul.f32 v1, v26;
	v19 =	vadd.f32 v19, v11  }
0x16f: {  	v2 =	vmul.f32 v46, v8;
	v0 =	vadd.f32 v0, v14;
	v47 =	vmul.f32 v20, v50;
	[tilespmem:s12+$0x10250] =	vst v21  }
0x170: {  	v3 =	vadd.f32 v3, v12;
	v18 =	vmul.f32 v23, v61;
	v21 =	vmul.f32 v1, v30;
	[tilespmem:s14+$0x10290] =	vst v19  }
0x171: {  	v2 =	vadd.f32 v2, v15;
	v1 =	vmul.f32 v1, v22;
	[tilespmem:s14+$0x102C0] =	vst v0;
	v0 =	vmul.f32 v47, v60  }
0x172: {  	v18 =	vadd.f32 v18, v36;
	[tilespmem:s14+$0x102A0] =	vst v3;
	v3 =	vmul.f32 v20, v48;
	v21 =	vmul.f32 v21, v60  }
0x173: {  	v19 =	vmul.f32 v20, v45;
	[tilespmem:s14+$0x102D0] =	vst v2;
	v1 =	vmul.f32 v1, v9;
	v0 =	vadd.f32 v0, v13  }
0x174: {  	v48 =	vmul.f32 v20, v51;
	[tilespmem:s14+$0x10280] =	vst v18;
	v3 =	vmul.f32 v3, v62;
	v18 =	vadd.f32 v21, v13  }
0x175: {  	v16 =	vmul.f32 v20, v16;
	v19 =	vmul.f32 v19, v61;
	v1 =	vadd.f32 v1, v54;
	[tilespmem:s14+$0x10230] =	vst v0  }
0x176: {  	v17 =	vmul.f32 v20, v17;
	v2 =	vmul.f32 v48, v7;
	v3 =	vadd.f32 v3, v11;
	[tilespmem:s14+$0x102B0] =	vst v18  }
0x177: {  	v50 =	vmul.f32 v16, v10;
	v19 =	vadd.f32 v19, v36;
	v18 =	vmul.f32 v20, v49;
	[tilespmem:s14+$0x102E0] =	vst v1  }
0x178: {  	v2 =	vadd.f32 v2, v14;
	v49 =	vmul.f32 v20, v52;
	[tilespmem:s14+$0x10210] =	vst v3;
	v3 =	vmul.f32 v17, v9  }
0x179: {  	v0 =	vadd.f32 v50, v56;
	[tilespmem:s14+$0x10200] =	vst v19;
	v18 =	vmul.f32 v18, v63  }
0x17a: {  	[tilespmem:s14+$0x10240] =	vst v2;
	v1 =	vmul.f32 v49, v8;
	v51 =	vadd.f32 v3, v54  }
0x17b: {  	[tilespmem:s14+$0x10270] =	vst v0;
	v18 =	vadd.f32 v18, v12  }
0x17c: {  	s18 =	sadd.s32 s13, s22;
	v1 =	vadd.f32 v1, v15;
	[tilespmem:s14+$0x10260] =	vst v51  }
0x17d: {  	s11 =	sshrl.u32 s18, $0x3;
	[tilespmem:s14+$0x10220] =	vst v18  }
0x17e: {  	s11 =	sadd.s32 s5, s11;
	[tilespmem:s14+$0x10250] =	vst v1  }
0x17f: {  	[hbm4b:s11+s6] =	stream.linear.scatter [tilespmem:s3], [sflag:$0x5], $0x4000, $0x38;
	[tilespmem:$0x18300] =	vst v63  }
0x180: {  	_ =	swait.ge [sflag:s2], $0x4000  }
0x181: {  	[sflag:s2] =	ssyncset.done $0x0  }
0x182: {  	[sflag:s2] =	ssyncadd.s32 $0xFFFFC000  }
0x183: {  	s10 =	sadd.s32 @!p0 s10, s16;
	_ =	swait.ge [sflag:s2], $0x4000  }
0x184: {  	s10 =	sshrl.u32 @!p0 s10, $0x3;
	s12 =	simm.s32 @!p0 $0x0;
	[sflag:s2] =	ssyncset.done $0x0  }
0x185: {  	s14 =	simm.s32 @!p0 $0x80;
	s11 =	sadd.s32 @!p0 s7, s10;
	[sflag:s2] =	ssyncadd.s32 $0xFFFFC000  }
0x186: {  	[tilespmem:s14], [sflag:$0x2] =	stream.linear.gather @!p0 [hbm4b:s11+s12], $0x80, $0x38;
	[tilespmem:$0x18300] =	vst v63  }
0x187: {  	s10 =	sadd.s32 @!p0 s8, s10;
	s11 =	simm.s32 @!p0 $0x180  }
0x188: {  	[tilespmem:s11], [sflag:$0x2] =	stream.linear.gather @!p0 [hbm4b:s10+s12], $0x80, $0x38;
	[tilespmem:$0x18300] =	vst v63  }
0x189: {  	s10 =	simm.s32 @!p0 $0x1  }
0x18a: {  	_ =	swait.ge @!p0 [sflag:s10], $0x80  }
0x18b: {  	[sflag:s10] =	ssyncset.done @!p0 $0x0  }
0x18c: {  	[sflag:s10] =	ssyncadd.s32 @!p0 $0xFFFFFF80  }
0x18d: {  	_ =	swait.ge @!p0 [sflag:s10], $0x80  }
0x18e: {  	[sflag:s10] =	ssyncset.done @!p0 $0x0  }
0x18f: {  	[sflag:s10] =	ssyncadd.s32 @!p0 $0xFFFFFF80;
	s10 =	simm.s32 @!p0 $0x200  }
0x190: {  	[tilespmem:s10], [sflag:$0x3] =	stream.indirect.gather @!p0 [hbm4b:s1+s14], $0x80, s12, s14, $0xb8;
	[tilespmem:$0x18300] =	vst v63  }
0x191: {  	p1 =	seq.s32 @!p0 s28, $0x0;
	s11 =	simm.s32 @!p0 $0x8200;
	s10 =	simm.s32 @!p0 $0x100  }
0x192: {  	[tilespmem:s11], [sflag:$0x3] =	stream.indirect.gather @!p0 [hbm4b:s9+s14], $0x80, s10, s14, $0xb8;
	[tilespmem:$0x18300] =	vst v63  }
0x193: {  	p0 =	por p0, !p1  }
0x194: {  	_ =	swait.ge @p0 [sflag:s21], $0x4000  }
0x195: {  	[sflag:s21] =	ssyncset.done @p0 $0x0  }
0x196: {  	s10 =	simm.s32 $0x0;
	[sflag:s21] =	ssyncadd.s32 @p0 $0xFFFFC000  }
0x197: {  	v52 =	vld [tilespmem:s10+$0x4280]  }
0x198: {  	v53 =	vld [tilespmem:s10+$0xC280]  }
0x199: {  	v57 =	vmov v8;
	v8 =	vmov v10;
	v10 =	vmov v54;
	v54 =	vld [tilespmem:s10+$0x4290]  }
0x19a: {  	v3 =	vld [tilespmem:s10+$0xC290]  }
0x19b: {  	v16 =	vld [tilespmem:s10+$0x42A0]  }
0x19c: {  	v17 =	vld [tilespmem:s10+$0xC2A0]  }
0x19d: {  	v18 =	vld [tilespmem:s10+$0x42B0]  }
0x19e: {  	v19 =	vld [tilespmem:s10+$0xC2B0]  }
0x19f: {  	v55 =	vld [tilespmem:s10+$0x42C0]  }
0x1a0: {  	v7 =	vmov v56;
	v56 =	vld [tilespmem:s10+$0xC2C0];
	v33 =	vadd.f32 v53, v52;
	v34 =	vadd.f32 v3, v54  }
0x1a1: {  	v40 =	vld [tilespmem:s10+$0x42D0]  }
0x1a2: {  	v20 =	vld [tilespmem:s10+$0xC2D0];
	v35 =	vadd.f32 v17, v16;
	v3 =	vmul.f32 v33, v33;
	v16 =	vmul.f32 v34, v34  }
0x1a3: {  	v21 =	vld [tilespmem:s10+$0x42F0];
	v17 =	vadd.f32 v34, v33  }
0x1a4: {  	v36 =	vadd.f32 v19, v18;
	v18 =	vld [tilespmem:s10+$0x42E0];
	v3 =	vadd.f32 v16, v3;
	v16 =	vmul.f32 v35, v35  }
0x1a5: {  	v19 =	vld [tilespmem:s10+$0xC2E0];
	v17 =	vadd.f32 v35, v17  }
0x1a6: {  	v44 =	vld [tilespmem:s10+$0x4200];
	v37 =	vadd.f32 v56, v55;
	v42 =	vmul.f32 v36, v36;
	v41 =	vadd.f32 v16, v3  }
0x1a7: {  	v3 =	vld [tilespmem:s10+$0xC2F0];
	v16 =	vadd.f32 v36, v17  }
0x1a8: {  	v22 =	vld [tilespmem:s10+$0xC230];
	v38 =	vadd.f32 v20, v40;
	v43 =	vmul.f32 v37, v37;
	v0 =	vadd.f32 v42, v41  }
0x1a9: {  	v48 =	vld [tilespmem:s10+$0x4240];
	v16 =	vadd.f32 v37, v16  }
0x1aa: {  	v45 =	vmul.f32 v38, v38;
	v39 =	vadd.f32 v19, v18;
	v18 =	vld [tilespmem:s10+$0x4210];
	v0 =	vadd.f32 v43, v0  }
0x1ab: {  	v19 =	vld [tilespmem:s10+$0xC210];
	v16 =	vadd.f32 v38, v16  }
0x1ac: {  	v17 =	vld [tilespmem:s10+$0xC200];
	v46 =	vmul.f32 v39, v39;
	v30 =	vadd.f32 v3, v21;
	v0 =	vadd.f32 v45, v0  }
0x1ad: {  	v20 =	vld [tilespmem:s10+$0xC220];
	v16 =	vadd.f32 v39, v16  }
0x1ae: {  	v3 =	vld [tilespmem:s10+$0x4220];
	v47 =	vmul.f32 v30, v30;
	v0 =	vadd.f32 v46, v0  }
0x1af: {  	v49 =	vld [tilespmem:s10+$0xC240];
	v16 =	vadd.f32 v30, v16  }
0x1b0: {  	v21 =	vld [tilespmem:s10+$0x4230];
	v0 =	vadd.f32 v47, v0  }
0x1b1: {  	v50 =	vld [tilespmem:s10+$0x4250];
	v32 =	vadd.f32 v19, v18;
	v42 =	vadd.f32 v17, v44;
	(xrf2) =	vadd.scan.msk.f32 $0xffff, v16  }
0x1b2: {  	v51 =	vld [tilespmem:s10+$0x4270];
	(xrf2) =	vadd.scan.msk.f32 $0xffff, v0  }
0x1b3: {  	v19 =	vld [tilespmem:s10+$0x4260];
	v16 =	vadd.f32 v32, v42;
	v43 =	vadd.f32 v20, v3  }
0x1b4: {  	v18 =	vmul.f32 v32, v32;
	v17 =	vmul.f32 v42, v42;
	v3 =	vld [tilespmem:s10+$0xC250]  }
0x1b5: {  	v45 =	vadd.f32 v22, v21;
	v20 =	vld [tilespmem:s10+$0xC260];
	v16 =	vadd.f32 v43, v16  }
0x1b6: {  	v17 =	vadd.f32 v18, v17;
	v21 =	vld [tilespmem:s10+$0xC270];
	v18 =	vmul.f32 v43, v43  }
0x1b7: {  	v46 =	vadd.f32 v49, v48;
	v52 =	vadd.f32 v45, v16;
	v16 =	vmul.f32 v45, v45  }
0x1b8: {  	v17 =	vadd.f32 v18, v17  }
0x1b9: {  	v40 =	vadd.f32 v3, v50;
	v53 =	vadd.f32 v46, v52  }
0x1ba: {  	v54 =	vmul.f32 v46, v46;
	v41 =	vadd.f32 v20, v19;
	v3 =	vadd.f32 v16, v17  }
0x1bb: {  	v44 =	vadd.f32 v21, v51;
	v0 =	vadd.f32 v40, v53;
	v16, _, _ =	vpop (xrf2)  }
0x1bc: {  	v17 =	vmul.f32 v40, v40;
	v2 =	vadd.f32 v54, v3;
	(v2sf) =	vpush v16, $0xF;
	v16, _, _ =	vpop (xrf2)  }
0x1bd: {  	v0 =	vadd.f32 v41, v0;
	(v2sf) =	vpush v16, $0xF  }
0x1be: {  	v55 =	vmul.f32 v41, v41;
	v2 =	vadd.f32 v17, v2  }
0x1bf: {  	v0 =	vadd.f32 v44, v0  }
0x1c0: {  	v3 =	vmul.f32 v44, v44;
	v1 =	vadd.f32 v55, v2  }
0x1c1: {  	(xrf2) =	vadd.scan.msk.f32 $0xffff, v0  }
0x1c2: {  	v56 =	vadd.f32 v3, v1;
	_ =	sdelay $0x1  }
0x1c3: {  	(xrf2) =	vadd.scan.msk.f32 $0xffff, v56;
	_ =	sdelay $0x6  }
0x1c4: {  	v47, _, _ =	vpop (xrf2);
	s19 =	spop (v2sf)  }
0x1c5: {  	s11 =	simm.s32 $0x100;
	(v2sf) =	vpush v47, $0xF;
	s12 =	smul.f32 $7.812500000e-03, s19;
	s20 =	spop (v2sf)  }
0x1c6: {  	v28 =	vld [tilespmem:s11+$0xC2D0];
	s14 =	smul.f32 $7.812500000e-03, s20  }
0x1c7: {  	v49 =	vld [tilespmem:s11+$0x4280];
	v50, _, _ =	vpop (xrf2);
	s25 =	smul.f32 s12, s12  }
0x1c8: {  	v51 =	vld [tilespmem:s11+$0x4290];
	(v2sf) =	vpush v50, $0xF  }
0x1c9: {  	v16 =	vld [tilespmem:s11+$0xC290];
	s14 =	ssub.f32 s14, s25  }
0x1ca: {  	v3 =	vld [tilespmem:s11+$0xC280]  }
0x1cb: {  	v18 =	vld [tilespmem:s11+$0x42A0];
	s14 =	sadd.f32 $7.812499800e-08, s14  }
0x1cc: {  	v19 =	vld [tilespmem:s11+$0xC2A0]  }
0x1cd: {  	v48 =	vld [tilespmem:s11+$0x42B0];
	v17 =	vmov s14  }
0x1ce: {  	v20 =	vld [tilespmem:s11+$0xC2B0];
	v21 =	vshra.s32 v17, $0x1;
	v23 =	vmul.f32 $5.000000000e-01, v17  }
0x1cf: {  	v52 =	vld [tilespmem:s11+$0x42C0];
	v16 =	vadd.f32 v16, v51;
	v17 =	vadd.f32 v3, v49;
	v21 =	vsub.s32 $0x5F3759DF, v21  }
0x1d0: {  	v3 =	vld [tilespmem:s11+$0xC2C0];
	v53 =	vmul.f32 v21, v23  }
0x1d1: {  	v29 =	vld [tilespmem:s11+$0xC2E0];
	v18 =	vadd.f32 v19, v18;
	v26 =	vmul.f32 v16, v16;
	v25 =	vmul.f32 v17, v17  }
0x1d2: {  	v22 =	vld [tilespmem:s11+$0x42D0];
	v27 =	vadd.f32 v16, v17;
	v2 =	vmul.f32 v21, v53  }
0x1d3: {  	v54 =	vld [tilespmem:s11+$0x42E0];
	v19 =	vadd.f32 v20, v48;
	v25 =	vadd.f32 v26, v25;
	v26 =	vmul.f32 v18, v18  }
0x1d4: {  	v24 =	vld [tilespmem:s11+$0x42F0];
	v27 =	vadd.f32 v18, v27;
	s26 =	spop (v2sf);
	v2 =	vsub.f32 $1.500000000e+00, v2  }
0x1d5: {  	v55 =	vld [tilespmem:s11+$0xC2F0];
	v20 =	vadd.f32 v3, v52;
	v3 =	vadd.f32 v26, v25;
	v25 =	vmul.f32 v19, v19;
	s14 =	smul.f32 $7.812500000e-03, s26  }
0x1d6: {  	v31 =	vld [tilespmem:s11+$0xC200];
	v26 =	vadd.f32 v19, v27;
	v2 =	vmul.f32 v21, v2  }
0x1d7: {  	v27 =	vld [tilespmem:s11+$0x4200];
	s20 =	spop (v2sf);
	v21 =	vadd.f32 v28, v22;
	v3 =	vadd.f32 v25, v3;
	v25 =	vmul.f32 v20, v20;
	s31 =	smul.f32 s14, s14  }
0x1d8: {  	v56 =	vld [tilespmem:s11+$0x4210];
	v26 =	vadd.f32 v20, v26;
	s19 =	smul.f32 $7.812500000e-03, s20;
	v22 =	vadd.f32 v29, v54  }
0x1d9: {  	v50 =	vld [tilespmem:s11+$0x4230];
	v28 =	vmul.f32 v2, v23;
	v53 =	vadd.f32 v25, v3;
	v3 =	vmul.f32 v21, v21  }
0x1da: {  	v24 =	vadd.f32 v55, v24;
	v52 =	vld [tilespmem:s11+$0xC210];
	v25 =	vadd.f32 v21, v26;
	s18 =	ssub.f32 s19, s31  }
0x1db: {  	v54 =	vld [tilespmem:s11+$0xC220];
	v26 =	vmul.f32 v28, v2;
	v0 =	vadd.f32 v3, v53;
	v3 =	vmul.f32 v22, v22  }
0x1dc: {  	v29 =	vadd.f32 v31, v27;
	v28 =	vld [tilespmem:s11+$0x4220];
	v25 =	vadd.f32 v22, v25;
	s18 =	sadd.f32 $7.812499800e-08, s18  }
0x1dd: {  	v27 =	vld [tilespmem:s11+$0xC230];
	v55 =	vsub.f32 $1.500000000e+00, v26;
	v0 =	vadd.f32 v3, v0  }
0x1de: {  	v48 =	vld [tilespmem:s11+$0xC240];
	v3 =	vmul.f32 v24, v24;
	v25 =	vadd.f32 v24, v25;
	v47 =	vmov s18  }
0x1df: {  	v31 =	vld [tilespmem:s11+$0x4240];
	v26 =	vadd.f32 v52, v56;
	v1 =	vshra.s32 v47, $0x1;
	v47 =	vmul.f32 $5.000000000e-01, v47  }
0x1e0: {  	v49 =	vld [tilespmem:s11+$0x4250];
	v2 =	vmul.f32 v55, v2;
	v0 =	vadd.f32 v3, v0;
	v3 =	vmul.f32 v29, v29  }
0x1e1: {  	v53 =	vld [tilespmem:s11+$0xC250];
	(xrf2) =	vadd.scan.msk.f32 $0xffff, v25;
	v25 =	vmul.f32 v26, v26;
	v52 =	vadd.f32 v26, v29;
	v28 =	vadd.f32 v54, v28  }
0x1e2: {  	v1 =	vsub.s32 $0x5F3759DF, v1;
	v56 =	vmul.f32 v2, v23;
	(xrf2) =	vadd.scan.msk.f32 $0xffff, v0;
	v23 =	vadd.f32 v27, v50  }
0x1e3: {  	v51 =	vld [tilespmem:s11+$0xC260];
	v3 =	vadd.f32 v25, v3;
	v27 =	vmul.f32 v28, v28;
	v52 =	vadd.f32 v28, v52  }
0x1e4: {  	v54 =	vmov s12;
	v0 =	vld [tilespmem:s11+$0x4260];
	v25 =	vadd.f32 v48, v31;
	v56 =	vmul.f32 v56, v2  }
0x1e5: {  	v55 =	vld [tilespmem:s11+$0xC270];
	v48 =	vmul.f32 v23, v23;
	v3 =	vadd.f32 v27, v3;
	v52 =	vadd.f32 v23, v52  }
0x1e6: {  	v31 =	vld [tilespmem:s11+$0x4270];
	v27 =	vadd.f32 v53, v49;
	v53 =	vmul.f32 v1, v47;
	v50 =	vsub.f32 $1.500000000e+00, v56  }
0x1e7: {  	v49 =	vmul.f32 v25, v25;
	v3 =	vadd.f32 v48, v3;
	v52 =	vadd.f32 v25, v52  }
0x1e8: {  	v48 =	vsub.f32 v30, v54;
	v2 =	vmul.f32 v50, v2;
	v50 =	vmul.f32 v1, v53  }
0x1e9: {  	v30 =	vadd.f32 v51, v0;
	v3 =	vadd.f32 v49, v3  }
0x1ea: {  	v0 =	vadd.f32 v27, v52;
	v49 =	vsub.f32 $1.500000000e+00, v50  }
0x1eb: {  	v56 =	vmul.f32 v27, v27;
	v31 =	vadd.f32 v55, v31;
	v52, _, _ =	vpop (xrf2)  }
0x1ec: {  	v0 =	vadd.f32 v30, v0;
	(v2sf) =	vpush v52, $0xF;
	v55, _, _ =	vpop (xrf2);
	v1 =	vmul.f32 v1, v49  }
0x1ed: {  	v51 =	vmul.f32 v30, v30;
	v50 =	vmov s14;
	(v2sf) =	vpush v55, $0xF  }
0x1ee: {  	v3 =	vadd.f32 v56, v3;
	v0 =	vadd.f32 v31, v0;
	v49 =	vmul.f32 v1, v47  }
0x1ef: {  	v56 =	vmul.f32 v31, v31;
	v53 =	vsub.f32 v43, v50  }
0x1f0: {  	v43 =	vsub.f32 v34, v54;
	v3 =	vadd.f32 v51, v3;
	(xrf2) =	vadd.scan.msk.f32 $0xffff, v0;
	v0 =	vmul.f32 v49, v1  }
0x1f1: {  	v48 =	vmul.f32 v2, v48;
	v34 =	vsub.f32 v40, v50;
	v52 =	vsub.f32 v32, v50  }
0x1f2: {  	v3 =	vadd.f32 v56, v3;
	v0 =	vsub.f32 $1.500000000e+00, v0  }
0x1f3: {  	v48 =	vmul.f32 v48, v8;
	v32 =	vsub.f32 v46, v50;
	v46 =	vsub.f32 v36, v54  }
0x1f4: {  	v51 =	vsub.f32 v42, v50;
	v49 =	vsub.f32 v37, v54;
	(xrf2) =	vadd.scan.msk.f32 $0xffff, v3;
	v0 =	vmul.f32 v0, v1  }
0x1f5: {  	v55 =	vsub.f32 v45, v50;
	v42 =	vadd.f32 v48, v7  }
0x1f6: {  	v7 =	vld [tilespmem:$0x1FF60];
	v56 =	vsub.f32 v39, v54;
	v36 =	vmul.f32 v2, v49;
	v49 =	vmul.f32 v0, v47  }
0x1f7: {  	v45 =	vsub.f32 v35, v54;
	v48 =	vmul.f32 v2, v43;
	v37 =	vsub.f32 v38, v54  }
0x1f8: {  	v12 =	vld [tilespmem:$0x1FFA0];
	v3 =	vsub.f32 v33, v54;
	v1 =	vmul.f32 v2, v56;
	v56 =	vmul.f32 v49, v0  }
0x1f9: {  	v15 =	vld [tilespmem:$0x1FFB0];
	v35 =	vsub.f32 v41, v50;
	v45 =	vmul.f32 v2, v45;
	v41 =	vmul.f32 v2, v37  }
0x1fa: {  	v33 =	vsub.f32 v44, v50;
	v3 =	vmul.f32 v2, v3;
	v50 =	vsub.f32 $1.500000000e+00, v56;
	v56 =	vld [tilespmem:$0x1FF70]  }
0x1fb: {  	v36 =	vmul.f32 v36, v7;
	v47 =	vmul.f32 v41, v57;
	v57 =	vld [tilespmem:$0x1FF80];
	s25 =	spop (v2sf)  }
0x1fc: {  	v59 =	vmov v14;
	v13 =	vld [tilespmem:$0x1FF90];
	s12 =	simm.s32 $0x200;
	v46 =	vmul.f32 v2, v46;
	[tilespmem:s10+$0x142F0] =	vst v42;
	v48 =	vmul.f32 v48, v62;
	s14 =	smul.f32 $7.812500000e-03, s25;
	s26 =	spop (v2sf)  }
0x1fd: {  	v40 =	vld [tilespmem:s12+$0x42B0];
	v39 =	vmul.f32 v45, v63;
	v3 =	vmul.f32 v3, v61;
	v41 =	vadd.f32 v36, v59;
	v54, _, _ =	vpop (xrf2);
	s18 =	smul.f32 $7.812500000e-03, s26  }
0x1fe: {  	v44 =	vmul.f32 v46, v60;
	v38 =	vld [tilespmem:s12+$0xC280];
	v36 =	vadd.f32 v47, v15;
	(v2sf) =	vpush v54, $0xF;
	v49, _, _ =	vpop (xrf2);
	s31 =	smul.f32 s14, s14  }
0x1ff: {  	v58 =	vmovc v9;
	v14 =	vmovc v59;
	v42 =	vld [tilespmem:s12+$0x4290];
	(v2sf) =	vpush v49, $0xF;
	v46 =	vmul.f32 v50, v0;
	v3 =	vadd.f32 v3, v56  }
0x200: {  	v9 =	vmovc v58;
	v43 =	vld [tilespmem:s12+$0xC290];
	v1 =	vmul.f32 v1, v58;
	v0 =	vadd.f32 v48, v57;
	v49 =	vadd.f32 v39, v12;
	s18 =	ssub.f32 s18, s31  }
0x201: {  	v37 =	vld [tilespmem:s12+$0x4280];
	v48 =	vadd.f32 v44, v13;
	v50 =	vmul.f32 v46, v51;
	v44 =	vmul.f32 v46, v52;
	[tilespmem:s10+$0x14280] =	vst v3  }
0x202: {  	v45 =	vmul.f32 v46, v53;
	v39 =	vmul.f32 v46, v55;
	v51 =	vadd.f32 v1, v10;
	v47 =	vld [tilespmem:s12+$0x42A0];
	s19 =	sadd.f32 $7.812499800e-08, s18;
	s18 =	simm.s32 $0xC00;
	[tilespmem:s10+$0x14290] =	vst v0  }
.LBB2_5:
0x203: {  	v0 =	vld [tilespmem:s12+$0xC2A0]  }
0x204: {  	v2 =	vmul.f32 v46, v32;
	v3 =	vmul.f32 v46, v34;
	v11 =	vld [tilespmem:$0x1FFE0];
	[tilespmem:s10+$0x142A0] =	vst v49  }
0x205: {  	v34 =	vmul.f32 v46, v35;
	v32 =	vmul.f32 v46, v33;
	v1 =	vmov s19;
	v49 =	vld [tilespmem:s12+$0xC2B0];
	[tilespmem:s10+$0x142B0] =	vst v48  }
0x206: {  	v50 =	vmul.f32 v50, v61;
	v57 =	vshra.s32 v1, $0x1;
	v1 =	vmul.f32 $5.000000000e-01, v1;
	v35 =	vld [tilespmem:s12+$0x42F0];
	[tilespmem:s10+$0x142C0] =	vst v41  }
0x207: {  	v48 =	vsub.s32 $0x5F3759DF, v57;
	v41 =	vadd.f32 v38, v37;
	v42 =	vadd.f32 v43, v42;
	v58 =	vld [tilespmem:s12+$0x42C0];
	[tilespmem:s10+$0x142D0] =	vst v36  }
0x208: {  	v50 =	vadd.f32 v50, v56;
	v37 =	vmul.f32 v45, v63;
	v59 =	vmul.f32 v48, v1;
	v36 =	vld [tilespmem:s12+$0xC2C0];
	[tilespmem:s10+$0x142E0] =	vst v51  }
0x209: {  	v43 =	vadd.f32 v0, v47;
	v63 =	vmul.f32 v41, v41;
	v56 =	vmul.f32 v42, v42;
	v0 =	vld [tilespmem:s12+$0x42D0]  }
0x20a: {  	v38 =	vmul.f32 v44, v62;
	v61 =	vadd.f32 v42, v41;
	v46 =	vmul.f32 v48, v59;
	v62 =	vld [tilespmem:s12+$0xC2D0];
	[tilespmem:s10+$0x14200] =	vst v50  }
0x20b: {  	v44 =	vadd.f32 v49, v40;
	v50 =	vld [tilespmem:s12+$0x42E0];
	v49 =	vadd.f32 v56, v63;
	v57 =	vmul.f32 v43, v43  }
0x20c: {  	v52 =	vadd.f32 v43, v61;
	v40 =	vmul.f32 v39, v60;
	v53 =	vld [tilespmem:s12+$0xC2E0]  }
0x20d: {  	v39 =	vmul.f32 v2, v7;
	v2 =	vld [tilespmem:s12+$0xC2F0];
	v46 =	vsub.f32 $1.500000000e+00, v46;
	v59 =	vadd.f32 v57, v49  }
0x20e: {  	v55 =	vld [tilespmem:s12+$0x4210];
	v60 =	vmul.f32 v44, v44;
	v45 =	vadd.f32 v36, v58;
	v58 =	vadd.f32 v44, v52  }
0x20f: {  	v57 =	vld [tilespmem:s12+$0xC210];
	v52 =	vmul.f32 v48, v46;
	v47 =	vadd.f32 v62, v0  }
0x210: {  	v54 =	vld [tilespmem:s12+$0x4200];
	v46 =	vadd.f32 v60, v59;
	v61 =	vadd.f32 v45, v58;
	v63 =	vmul.f32 v45, v45;
	s26 =	spop (v2sf)  }
0x211: {  	v51 =	vld [tilespmem:s12+$0xC230];
	v48 =	vadd.f32 v53, v50;
	s19 =	smul.f32 $7.812500000e-03, s26  }
0x212: {  	v49 =	vld [tilespmem:s12+$0xC200];
	v62 =	vmul.f32 v52, v1;
	s25 =	spop (v2sf);
	v0 =	vadd.f32 v47, v61;
	v60 =	vadd.f32 v63, v46  }
0x213: {  	v61 =	vmul.f32 v47, v47;
	v46 =	vmul.f32 v3, v11;
	v3 =	vld [tilespmem:s12+$0x4230];
	s25 =	smul.f32 $7.812500000e-03, s25;
	v33 =	vmov s19  }
0x214: {  	v50 =	vld [tilespmem:s12+$0x4220];
	v55 =	vadd.f32 v57, v55;
	s20 =	smul.f32 s19, s19;
	v36 =	vsub.f32 v29, v33;
	v29 =	vmul.f32 v62, v52  }
0x215: {  	v2 =	vadd.f32 v2, v35;
	v53 =	vld [tilespmem:s12+$0xC220];
	v63 =	vmul.f32 v48, v48;
	v35 =	vadd.f32 v61, v60  }
0x216: {  	v0 =	vadd.f32 v48, v0;
	v61 =	vmul.f32 v55, v55;
	s31 =	ssub.f32 s25, s20;
	v62 =	vsub.f32 $1.500000000e+00, v29  }
0x217: {  	v56 =	vld [tilespmem:s12+$0x4240];
	v35 =	vadd.f32 v63, v35;
	v29 =	vadd.f32 v49, v54;
	v49 =	vmul.f32 v2, v2  }
0x218: {  	v57 =	vld [tilespmem:s12+$0xC240];
	v0 =	vadd.f32 v2, v0;
	v3 =	vadd.f32 v51, v3;
	s19 =	sadd.f32 $7.812499800e-08, s31;
	v52 =	vmul.f32 v62, v52  }
0x219: {  	v58 =	vmul.f32 v29, v29;
	v60 =	vadd.f32 v55, v29;
	v35 =	vadd.f32 v49, v35  }
0x21a: {  	v59 =	vld [tilespmem:s12+$0x4250];
	v49 =	vadd.f32 v53, v50;
	v54 =	vmov s19;
	v1 =	vmul.f32 v52, v1  }
0x21b: {  	v63 =	vld [tilespmem:s12+$0xC270];
	(xrf2) =	vadd.scan.msk.f32 $0xffff, v0;
	v0 =	vshra.s32 v54, $0x1;
	v53 =	vmul.f32 $5.000000000e-01, v54;
	v54 =	vadd.f32 v61, v58  }
0x21c: {  	v50 =	vld [tilespmem:s12+$0xC250];
	v58 =	vadd.f32 v49, v60;
	v60 =	vmul.f32 v49, v49;
	v1 =	vmul.f32 v1, v52  }
0x21d: {  	v51 =	vld [tilespmem:s12+$0x4260];
	v56 =	vadd.f32 v57, v56;
	(xrf2) =	vadd.scan.msk.f32 $0xffff, v35  }
0x21e: {  	v7 =	vmul.f32 v3, v3;
	v35 =	vld [tilespmem:s12+$0xC260];
	v54 =	vadd.f32 v60, v54;
	v1 =	vsub.f32 $1.500000000e+00, v1  }
0x21f: {  	v57 =	vld [tilespmem:s12+$0x4270];
	v62 =	vmov s14;
	v8 =	vmul.f32 v56, v56  }
0x220: {  	v54 =	vadd.f32 v7, v54;
	v7 =	vld [tilespmem:$0x1FFC0];
	v1 =	vmul.f32 v1, v52;
	v52 =	vsub.f32 v24, v62  }
0x221: {  	v0 =	vsub.s32 $0x5F3759DF, v0;
	v24 =	vmovc v2;
	v2 =	vadd.f32 v50, v59;
	v50 =	vadd.f32 v3, v58  }
0x222: {  	v60 =	vmul.f32 v0, v53;
	v54 =	vadd.f32 v8, v54;
	v8 =	vld [tilespmem:$0x1FFD0]  }
0x223: {  	v51 =	vadd.f32 v35, v51;
	v52 =	vmul.f32 v1, v52;
	v35 =	vadd.f32 v56, v50  }
0x224: {  	v37 =	vadd.f32 v37, v12;
	v57 =	vadd.f32 v63, v57;
	v50 =	vmul.f32 v2, v2  }
0x225: {  	v59 =	vmul.f32 v0, v60;
	v58, _, _ =	vpop (xrf2);
	v52 =	vmul.f32 v52, v7;
	v35 =	vadd.f32 v2, v35  }
0x226: {  	v60 =	vmul.f32 v51, v51;
	(v2sf) =	vpush v58, $0xF;
	v50 =	vadd.f32 v50, v54  }
0x227: {  	v54 =	vmul.f32 v34, v9;
	v58, _, _ =	vpop (xrf2);
	v52 =	vadd.f32 v52, v8;
	v34 =	vadd.f32 v51, v35  }
0x228: {  	(v2sf) =	vpush v58, $0xF;
	v35 =	vmul.f32 v57, v57;
	v50 =	vadd.f32 v60, v50  }
0x229: {  	[tilespmem:s11+$0x142F0] =	vst v52;
	v52 =	vmul.f32 v32, v7;
	v32 =	vadd.f32 v57, v34;
	v34 =	vsub.f32 $1.500000000e+00, v59  }
0x22a: {  	v58 =	vsub.f32 v26, v33;
	v26 =	vmov v55;
	v55 =	vsub.f32 v28, v33  }
0x22b: {  	v50 =	vadd.f32 v35, v50;
	v59 =	vsub.f32 v23, v33;
	v0 =	vmul.f32 v0, v34  }
0x22c: {  	v35 =	vsub.f32 v30, v33;
	v30 =	vsub.f32 v16, v62  }
0x22d: {  	v23 =	vmovc v3;
	v16 =	vmov v42;
	v42 =	vsub.f32 v20, v62;
	(xrf2) =	vadd.scan.msk.f32 $0xffff, v32;
	v3 =	vmul.f32 v0, v53  }
0x22e: {  	v61 =	vmovc v4;
	v63 =	vmov v6;
	v32 =	vsub.f32 v25, v33;
	(xrf2) =	vadd.scan.msk.f32 $0xffff, v50;
	v50 =	vsub.f32 v17, v62  }
0x22f: {  	v34 =	vsub.f32 v27, v33;
	v25 =	vmovc v56;
	v33 =	vsub.f32 v31, v33;
	v3 =	vmul.f32 v3, v0  }
0x230: {  	v27 =	vmovc v2;
	v31 =	vsub.f32 v18, v62;
	v56 =	vsub.f32 v22, v62;
	v2 =	vmul.f32 v1, v50;
	v50 =	vld [tilespmem:$0x1FF80]  }
0x231: {  	v28 =	vmovc v49;
	v22 =	vmovc v48;
	v17 =	vmov v41;
	v41 =	vsub.f32 v19, v62;
	v3 =	vsub.f32 $1.500000000e+00, v3  }
0x232: {  	v48 =	vadd.f32 v40, v13;
	v19 =	vmovc v44;
	v44 =	vmul.f32 v1, v30;
	v31 =	vmul.f32 v1, v31  }
0x233: {  	v60 =	vld [tilespmem:$0x1FF50];
	v18 =	vmovc v43;
	v43 =	vsub.f32 v21, v62;
	v41 =	vmul.f32 v1, v41;
	v0 =	vmul.f32 v3, v0  }
0x234: {  	v7 =	vld [tilespmem:$0x1FF60];
	[tilespmem:s10+$0x14230] =	vst v48;
	v48 =	vadd.f32 v46, v15;
	v2 =	vmul.f32 v2, v4;
	v3 =	vmul.f32 v1, v42  }
0x235: {  	v30 =	vmovc v51;
	s20 =	spop (v2sf);
	v38 =	vadd.f32 v38, v50;
	v42 =	vmul.f32 v1, v43;
	v51 =	vmul.f32 v0, v53  }
0x236: {  	[tilespmem:s10+$0x14220] =	vst v37;
	v1 =	vmul.f32 v1, v56;
	v56 =	vld [tilespmem:$0x1FF70];
	s14 =	smul.f32 $7.812500000e-03, s20;
	v53 =	vadd.f32 v39, v14;
	v39 =	vmul.f32 v44, v5  }
0x237: {  	[tilespmem:s10+$0x14210] =	vst v38;
	v49, _, _ =	vpop (xrf2);
	v44 =	vmul.f32 v31, v6;
	v31 =	vmov v57;
	v57 =	vmul.f32 v51, v0  }
0x238: {  	s26 =	sshra.s32 s18, $0x2;
	v41 =	vmul.f32 v41, v60;
	s25 =	spop (v2sf);
	s31 =	smul.f32 s14, s14;
	(v2sf) =	vpush v49, $0xF;
	v49, _, _ =	vpop (xrf2);
	[tilespmem:s10+$0x14240] =	vst v53;
	v51 =	vadd.f32 v54, v10  }
0x239: {  	p0 =	sne.s32 s18, $0xFC00;
	v20 =	vmovc v45;
	v21 =	vmovc v47;
	v3 =	vmul.f32 v3, v7;
	s19 =	smul.f32 $7.812500000e-03, s25;
	(v2sf) =	vpush v49, $0xF;
	v40 =	vld [tilespmem:s26+$0x42B0];
	[tilespmem:s10+$0x14250] =	vst v48;
	v53 =	vsub.f32 $1.500000000e+00, v57  }
.Ltmp1:
0x23a: {  	v1 =	vmul.f32 v1, v9;
	v54 =	vadd.f32 v52, v8;
	v49 =	vadd.f32 v44, v12;
	v37 =	vld [tilespmem:s26+$0x4280];
	[tilespmem:s10+$0x14260] =	vst v51;
	(pc) =	sbr.rel @p0 .LBB2_5-.Ltmp1, $4  }
0x23b: {  	v62 =	vmovc v5;
	v2 =	vadd.f32 v2, v56;
	s19 =	ssub.f32 s19, s31;
	v48 =	vadd.f32 v41, v13;
	v38 =	vld [tilespmem:s26+$0xC280];
	v46 =	vmul.f32 v53, v0  }
0x23c: {  	v45 =	vmul.f32 v42, v11;
	v41 =	vadd.f32 v3, v14;
	v57 =	vadd.f32 v39, v50;
	v42 =	vld [tilespmem:s26+$0x4290];
	[tilespmem:s10+$0x14270] =	vst v54;
	s10 =	smov.u32 s11;
	s11 =	smov.u32 s12;
	s12 =	smov.u32 s26  }
0x23d: {  	v51 =	vadd.f32 v1, v10;
	v43 =	vld [tilespmem:s12+$0xC290];
	[tilespmem:s10+$0x14280] =	vst v2;
	v50 =	vmul.f32 v46, v36;
	v44 =	vmul.f32 v46, v58  }
0x23e: {  	s18 =	sadd.s32 $0x400, s18;
	s19 =	sadd.f32 $7.812499800e-08, s19;
	v47 =	vld [tilespmem:s12+$0x42A0];
	[tilespmem:s10+$0x14290] =	vst v57;
	v36 =	vadd.f32 v45, v15;
	v45 =	vmul.f32 v46, v55;
	v39 =	vmul.f32 v46, v59  }
0x23f: {  	v0 =	vld [tilespmem:s12+$0xC2A0];
	[tilespmem:s10+$0x142A0] =	vst v49  }
0x240: {  	v1 =	vld [tilespmem:s12+$0xC2B0];
	[tilespmem:s10+$0x142B0] =	vst v48  }
0x241: {  	v57 =	vmul.f32 v50, v61;
	v2 =	vld [tilespmem:s12+$0x42F0];
	[tilespmem:s10+$0x142C0] =	vst v41  }
0x242: {  	v3 =	vld [tilespmem:s12+$0x42C0];
	[tilespmem:s10+$0x142D0] =	vst v36;
	v36 =	vadd.f32 v38, v37;
	v37 =	vadd.f32 v43, v42  }
0x243: {  	v41 =	vadd.f32 v57, v56;
	v48 =	vld [tilespmem:s12+$0xC2C0];
	[tilespmem:s10+$0x142E0] =	vst v51  }
0x244: {  	v58 =	vld [tilespmem:s12+$0x42D0];
	v38 =	vadd.f32 v0, v47;
	v59 =	vmul.f32 v36, v36;
	v52 =	vmul.f32 v37, v37  }
0x245: {  	v0 =	vld [tilespmem:s12+$0xC2D0];
	v53 =	vadd.f32 v37, v36;
	[tilespmem:s10+$0x14200] =	vst v41  }
0x246: {  	v40 =	vadd.f32 v1, v40;
	v1 =	vld [tilespmem:s12+$0x42E0];
	v43 =	vadd.f32 v52, v59;
	v54 =	vmul.f32 v38, v38  }
0x247: {  	v55 =	vld [tilespmem:s12+$0xC2E0];
	v49 =	vadd.f32 v38, v53  }
0x248: {  	v57 =	vld [tilespmem:s12+$0xC2F0];
	v56 =	vmul.f32 v40, v40;
	v41 =	vadd.f32 v48, v3;
	v3 =	vadd.f32 v54, v43  }
0x249: {  	v49 =	vadd.f32 v40, v49  }
0x24a: {  	v43 =	vadd.f32 v0, v58;
	v0 =	vadd.f32 v56, v3;
	v3 =	vmul.f32 v41, v41  }
0x24b: {  	v51 =	vld [tilespmem:s12+$0x4210];
	v58 =	vadd.f32 v41, v49  }
0x24c: {  	v59 =	vld [tilespmem:s12+$0x4200];
	v42 =	vadd.f32 v55, v1;
	v1 =	vmul.f32 v43, v43;
	v0 =	vadd.f32 v3, v0  }
0x24d: {  	v47 =	vadd.f32 v57, v2;
	v2 =	vld [tilespmem:s12+$0xC210];
	v56 =	vadd.f32 v43, v58  }
0x24e: {  	v3 =	vld [tilespmem:s12+$0xC200];
	v0 =	vadd.f32 v1, v0;
	v1 =	vmul.f32 v42, v42  }
0x24f: {  	v50 =	vld [tilespmem:s12+$0x4220];
	v57 =	vadd.f32 v42, v56  }
0x250: {  	v52 =	vld [tilespmem:s12+$0xC220];
	v0 =	vadd.f32 v1, v0;
	v1 =	vmul.f32 v47, v47  }
0x251: {  	v53 =	vld [tilespmem:s12+$0x4230];
	v48 =	vadd.f32 v47, v57  }
0x252: {  	v0 =	vadd.f32 v1, v0;
	v1 =	vld [tilespmem:s12+$0xC230]  }
0x253: {  	v49 =	vadd.f32 v2, v51;
	(xrf2) =	vadd.scan.msk.f32 $0xffff, v48;
	v48 =	vadd.f32 v3, v59  }
0x254: {  	v54 =	vld [tilespmem:s12+$0x4250];
	(xrf2) =	vadd.scan.msk.f32 $0xffff, v0  }
0x255: {  	v50 =	vadd.f32 v52, v50;
	v3 =	vld [tilespmem:s12+$0x4240];
	v55 =	vadd.f32 v49, v48  }
0x256: {  	v56 =	vmul.f32 v49, v49;
	v0 =	vld [tilespmem:s12+$0xC240];
	v2 =	vmul.f32 v48, v48  }
0x257: {  	v57 =	vld [tilespmem:s12+$0xC250];
	v58 =	vadd.f32 v50, v55;
	v51 =	vadd.f32 v1, v53  }
0x258: {  	v2 =	vadd.f32 v56, v2;
	v56 =	vld [tilespmem:s12+$0xC260]  }
0x259: {  	v59 =	vmul.f32 v50, v50;
	v1 =	vld [tilespmem:s12+$0x4260];
	v55 =	vadd.f32 v51, v58;
	_ =	sdelay $0x1  }
0x25a: {  	v2 =	vadd.f32 v59, v2;
	v52 =	vadd.f32 v0, v3;
	v0 =	vld [tilespmem:s12+$0x4270];
	v3 =	vmul.f32 v51, v51  }
0x25b: {  	v53 =	vadd.f32 v57, v54;
	v58 =	vld [tilespmem:s12+$0xC270]  }
0x25c: {  	v2 =	vadd.f32 v3, v2;
	v3 =	vadd.f32 v52, v55;
	v55, _, _ =	vpop (xrf2)  }
0x25d: {  	v57 =	vmul.f32 v52, v52;
	v54 =	vadd.f32 v56, v1;
	(v2sf) =	vpush v55, $0xF;
	v1, _, _ =	vpop (xrf2)  }
0x25e: {  	v3 =	vadd.f32 v53, v3;
	(v2sf) =	vpush v1, $0xF  }
0x25f: {  	v2 =	vadd.f32 v57, v2;
	v1 =	vmul.f32 v53, v53  }
0x260: {  	v55 =	vadd.f32 v58, v0;
	v0 =	vadd.f32 v54, v3  }
0x261: {  	v3 =	vmul.f32 v54, v54;
	v1 =	vadd.f32 v1, v2  }
0x262: {  	v0 =	vadd.f32 v55, v0  }
0x263: {  	v2 =	vmul.f32 v55, v55;
	v1 =	vadd.f32 v3, v1  }
0x264: {  	(xrf2) =	vadd.scan.msk.f32 $0xffff, v0  }
0x265: {  	s18 =	spop (v2sf);
	v0 =	vadd.f32 v2, v1  }
0x266: {  	s20 =	spop (v2sf);
	v1 =	vmov s19;
	s19 =	smul.f32 $7.812500000e-03, s18  }
0x267: {  	s20 =	smul.f32 $7.812500000e-03, s20;
	(xrf2) =	vadd.scan.msk.f32 $0xffff, v0;
	v0 =	vshra.s32 v1, $0x1;
	v1 =	vmul.f32 $5.000000000e-01, v1  }
0x268: {  	s18 =	smul.f32 s19, s19;
	v0 =	vsub.s32 $0x5F3759DF, v0  }
0x269: {  	v2 =	vmul.f32 v0, v1  }
0x26a: {  	s20 =	ssub.f32 s20, s18  }
0x26b: {  	v2 =	vmul.f32 v0, v2  }
0x26c: {  	s20 =	sadd.f32 $7.812499800e-08, s20;
	s26 =	spop (v2sf)  }
0x26d: {  	v2 =	vsub.f32 $1.500000000e+00, v2;
	s18 =	smul.f32 $7.812500000e-03, s26;
	s25 =	spop (v2sf)  }
0x26e: {  	v3, _, _ =	vpop (xrf2);
	s25 =	smul.f32 $7.812500000e-03, s25  }
0x26f: {  	(v2sf) =	vpush v3, $0xF;
	v3 =	vmov s20;
	v0 =	vmul.f32 v0, v2;
	s26 =	smul.f32 s18, s18  }
0x270: {  	v2 =	vshra.s32 v3, $0x1;
	v3 =	vmul.f32 $5.000000000e-01, v3  }
0x271: {  	v2 =	vsub.s32 $0x5F3759DF, v2;
	v56, _, _ =	vpop (xrf2);
	v57 =	vmul.f32 v0, v1;
	s31 =	ssub.f32 s25, s26  }
0x272: {  	v32 =	vmul.f32 v46, v32;
	(v2sf) =	vpush v56, $0xF;
	v56 =	vmul.f32 v2, v3  }
0x273: {  	v34 =	vmul.f32 v46, v34;
	v57 =	vmul.f32 v57, v0;
	s20 =	sadd.f32 $7.812499800e-08, s31  }
0x274: {  	v35 =	vmul.f32 v46, v35;
	v56 =	vmul.f32 v2, v56  }
0x275: {  	v33 =	vmul.f32 v46, v33;
	v57 =	vsub.f32 $1.500000000e+00, v57;
	v58 =	vmov s20  }
0x276: {  	v7 =	vld [tilespmem:$0x1FF60];
	v56 =	vsub.f32 $1.500000000e+00, v56;
	v59 =	vshra.s32 v58, $0x1;
	v58 =	vmul.f32 $5.000000000e-01, v58  }
0x277: {  	v8 =	vld [tilespmem:$0x1FFE0];
	v39 =	vmul.f32 v39, v60;
	v0 =	vmul.f32 v57, v0;
	v59 =	vsub.s32 $0x5F3759DF, v59  }
0x278: {  	v5 =	vld [tilespmem:$0x1FFC0];
	v2 =	vmul.f32 v2, v56;
	v57 =	vmul.f32 v59, v58  }
0x279: {  	v35 =	vmul.f32 v35, v9;
	v1 =	vmul.f32 v0, v1  }
0x27a: {  	v39 =	vadd.f32 v39, v13;
	v56 =	vmul.f32 v59, v57;
	v57 =	vmul.f32 v2, v3  }
0x27b: {  	v35 =	vadd.f32 v35, v10;
	v32 =	vmul.f32 v32, v7;
	v1 =	vmul.f32 v1, v0  }
0x27c: {  	v34 =	vmul.f32 v34, v8;
	v56 =	vsub.f32 $1.500000000e+00, v56;
	v57 =	vmul.f32 v57, v2  }
0x27d: {  	v33 =	vmul.f32 v33, v5;
	v32 =	vadd.f32 v32, v14;
	v1 =	vsub.f32 $1.500000000e+00, v1  }
0x27e: {  	v56 =	vmul.f32 v59, v56;
	v46 =	vsub.f32 $1.500000000e+00, v57;
	v57 =	vmov s14  }
0x27f: {  	v59 =	vmov s19;
	v24 =	vsub.f32 v24, v57;
	v17 =	vsub.f32 v17, v57  }
0x280: {  	s20 =	spop (v2sf);
	v0 =	vmul.f32 v1, v0;
	v16 =	vsub.f32 v16, v57;
	v18 =	vsub.f32 v18, v57  }
0x281: {  	s19 =	smul.f32 $7.812500000e-03, s20;
	v19 =	vsub.f32 v19, v57;
	v1 =	vmul.f32 v56, v58;
	v2 =	vmul.f32 v46, v2  }
0x282: {  	v24 =	vmul.f32 v0, v24;
	v46 =	vmul.f32 v0, v17;
	v17 =	vsub.f32 v20, v57  }
0x283: {  	s25 =	smul.f32 s19, s19;
	s26 =	spop (v2sf);
	v20 =	vmul.f32 v0, v16;
	v18 =	vmul.f32 v0, v18;
	v16 =	vsub.f32 v21, v57  }
0x284: {  	s20 =	smul.f32 $7.812500000e-03, s26;
	v21 =	vsub.f32 v22, v57;
	v19 =	vmul.f32 v0, v19;
	v1 =	vmul.f32 v1, v56  }
0x285: {  	v29 =	vsub.f32 v29, v59;
	v3 =	vmul.f32 v2, v3;
	v22 =	vmul.f32 v0, v17  }
0x286: {  	v11 =	vld [tilespmem:$0x1FF80];
	s14 =	ssub.f32 s20, s25;
	v57 =	vmul.f32 v0, v16;
	v0 =	vmul.f32 v0, v21;
	v1 =	vsub.f32 $1.500000000e+00, v1  }
0x287: {  	v26 =	vsub.f32 v26, v59;
	v46 =	vmul.f32 v46, v61;
	v20 =	vmul.f32 v20, v62  }
0x288: {  	v28 =	vsub.f32 v28, v59;
	v3 =	vmul.f32 v3, v2;
	s14 =	sadd.f32 $7.812499800e-08, s14;
	v1 =	vmul.f32 v1, v56  }
0x289: {  	v23 =	vsub.f32 v23, v59;
	v18 =	vmul.f32 v18, v63;
	v19 =	vmul.f32 v19, v60  }
0x28a: {  	v3 =	vsub.f32 $1.500000000e+00, v3;
	v17 =	vmov s14;
	v56 =	vmul.f32 v1, v58  }
0x28b: {  	v20 =	vadd.f32 v20, v11;
	v16 =	vshra.s32 v17, $0x1;
	v58 =	vmul.f32 $5.000000000e-01, v17  }
0x28c: {  	v2 =	vmul.f32 v3, v2;
	v16 =	vsub.s32 $0x5F3759DF, v16;
	v17 =	vmul.f32 v56, v1  }
0x28d: {  	v6 =	vld [tilespmem:$0x1FFD0];
	v3 =	vsub.f32 v25, v59;
	v25 =	vsub.f32 v27, v59;
	v56 =	vmul.f32 v16, v58  }
0x28e: {  	v0 =	vmul.f32 v0, v9;
	v27 =	vsub.f32 v30, v59;
	v17 =	vsub.f32 $1.500000000e+00, v17  }
0x28f: {  	v30 =	vsub.f32 v31, v59;
	v31 =	vmul.f32 v45, v63;
	v21 =	vmul.f32 v16, v56  }
0x290: {  	v18 =	vadd.f32 v18, v12;
	v1 =	vmul.f32 v17, v1;
	v17 =	vmul.f32 v24, v5  }
0x291: {  	v19 =	vadd.f32 v19, v13;
	v59 =	vmul.f32 v44, v62;
	v31 =	vadd.f32 v31, v12  }
0x292: {  	v44 =	vmul.f32 v2, v29;
	v21 =	vsub.f32 $1.500000000e+00, v21;
	v56 =	vadd.f32 v17, v6  }
0x293: {  	v26 =	vmul.f32 v2, v26;
	v28 =	vmul.f32 v2, v28;
	v24 =	vadd.f32 v59, v11  }
0x294: {  	v23 =	vmul.f32 v2, v23;
	v21 =	vmul.f32 v16, v21;
	v16 =	vmov s19;
	[tilespmem:s11+$0x142F0] =	vst v56  }
0x295: {  	v4 =	vld [tilespmem:$0x1FF70];
	v3 =	vmul.f32 v2, v3;
	v25 =	vmul.f32 v2, v25;
	v45 =	vsub.f32 v48, v16;
	[tilespmem:s10+$0x14210] =	vst v24  }
0x296: {  	v27 =	vmul.f32 v2, v27;
	v48 =	vsub.f32 v49, v16;
	v49 =	vsub.f32 v50, v16;
	[tilespmem:s10+$0x14220] =	vst v31  }
0x297: {  	v17 =	vsub.f32 v54, v16;
	v54 =	vadd.f32 v34, v15;
	v59 =	vmul.f32 v21, v58;
	[tilespmem:s10+$0x14230] =	vst v39  }
0x298: {  	v2 =	vmul.f32 v2, v30;
	v50 =	vsub.f32 v51, v16;
	v51 =	vsub.f32 v52, v16;
	[tilespmem:s10+$0x14240] =	vst v32  }
0x299: {  	v52 =	vsub.f32 v53, v16;
	[tilespmem:s10+$0x14250] =	vst v54;
	v53 =	vmul.f32 v59, v21;
	v59 =	vadd.f32 v33, v6  }
0x29a: {  	v16 =	vsub.f32 v55, v16;
	v55 =	vmul.f32 v57, v8;
	v57 =	vadd.f32 v46, v4;
	[tilespmem:s10+$0x14260] =	vst v35  }
0x29b: {  	v3 =	vmul.f32 v3, v7;
	v2 =	vmul.f32 v2, v5;
	v33 =	vmov s18;
	[tilespmem:s10+$0x14270] =	vst v59  }
0x29c: {  	v22 =	vmul.f32 v22, v7;
	v0 =	vadd.f32 v0, v10;
	v46 =	vsub.f32 v47, v33;
	[tilespmem:s11+$0x14280] =	vst v57  }
0x29d: {  	v3 =	vadd.f32 v3, v14;
	v2 =	vadd.f32 v2, v6;
	v34 =	vmul.f32 v26, v62;
	[tilespmem:s11+$0x14290] =	vst v20  }
0x29e: {  	v55 =	vadd.f32 v55, v15;
	v47 =	vadd.f32 v22, v14;
	v29 =	vmul.f32 v1, v46;
	[tilespmem:s11+$0x142A0] =	vst v18  }
0x29f: {  	v35 =	vsub.f32 v36, v33;
	v56 =	vsub.f32 $1.500000000e+00, v53;
	v53 =	vmul.f32 v44, v61;
	[tilespmem:s11+$0x142B0] =	vst v19  }
0x2a0: {  	v36 =	vsub.f32 v37, v33;
	v37 =	vsub.f32 v38, v33;
	[tilespmem:s11+$0x142C0] =	vst v47;
	v54 =	vmul.f32 v29, v5  }
0x2a1: {  	[tilespmem:s11+$0x142E0] =	vst v0;
	v0 =	vmul.f32 v28, v63;
	v21 =	vmul.f32 v56, v21;
	v56 =	vadd.f32 v53, v4  }
0x2a2: {  	v39 =	vsub.f32 v41, v33;
	v41 =	vmul.f32 v23, v60;
	[tilespmem:s11+$0x142D0] =	vst v55;
	v57 =	vadd.f32 v54, v6  }
0x2a3: {  	v38 =	vsub.f32 v40, v33;
	v0 =	vadd.f32 v0, v12;
	v59 =	vmul.f32 v21, v58;
	[tilespmem:s11+$0x14200] =	vst v56  }
0x2a4: {  	v47 =	vmul.f32 v25, v8;
	v19 =	vadd.f32 v41, v13;
	v53 =	vmul.f32 v1, v35;
	[tilespmem:s12+$0x142F0] =	vst v57  }
0x2a5: {  	v40 =	vsub.f32 v43, v33;
	v24 =	vmul.f32 v59, v21;
	[tilespmem:s11+$0x14220] =	vst v0;
	v0 =	vmul.f32 v27, v9  }
0x2a6: {  	v44 =	vsub.f32 v42, v33;
	v55 =	vmul.f32 v53, v61;
	v54 =	vmul.f32 v1, v36;
	[tilespmem:s11+$0x14230] =	vst v19  }
0x2a7: {  	v43 =	vsub.f32 $1.500000000e+00, v24;
	[tilespmem:s11+$0x14240] =	vst v3;
	v3 =	vmul.f32 v1, v37;
	v0 =	vadd.f32 v0, v10  }
0x2a8: {  	v20 =	vadd.f32 v34, v11;
	v19 =	vmul.f32 v54, v62;
	[tilespmem:s11+$0x14270] =	vst v2;
	v2 =	vmul.f32 v1, v40  }
0x2a9: {  	v46 =	vmul.f32 v43, v21;
	v21 =	vadd.f32 v47, v15;
	[tilespmem:s11+$0x14260] =	vst v0;
	v0 =	vmul.f32 v1, v39  }
0x2aa: {  	v56 =	vmul.f32 v1, v38;
	v18 =	vadd.f32 v55, v4;
	[tilespmem:s11+$0x14210] =	vst v20;
	v3 =	vmul.f32 v3, v63  }
0x2ab: {  	v19 =	vadd.f32 v19, v11;
	v2 =	vmul.f32 v2, v8;
	[tilespmem:s11+$0x14250] =	vst v21;
	v0 =	vmul.f32 v0, v7  }
0x2ac: {  	v21 =	vmul.f32 v56, v60;
	v1 =	vmul.f32 v1, v44;
	v3 =	vadd.f32 v3, v12;
	[tilespmem:s12+$0x14280] =	vst v18  }
0x2ad: {  	v58 =	vmul.f32 v46, v45;
	v59 =	vmul.f32 v46, v49;
	[tilespmem:s12+$0x14290] =	vst v19;
	v0 =	vadd.f32 v0, v14  }
0x2ae: {  	v2 =	vadd.f32 v2, v15;
	[tilespmem:s12+$0x142A0] =	vst v3;
	v1 =	vmul.f32 v1, v9;
	v3 =	vmul.f32 v46, v48  }
0x2af: {  	v57 =	vadd.f32 v21, v13;
	v19 =	vmul.f32 v58, v61;
	[tilespmem:s12+$0x142C0] =	vst v0;
	v0 =	vmul.f32 v46, v50  }
0x2b0: {  	v17 =	vmul.f32 v46, v17;
	[tilespmem:s12+$0x142D0] =	vst v2;
	v1 =	vadd.f32 v1, v10;
	v3 =	vmul.f32 v3, v62  }
0x2b1: {  	v2 =	vmul.f32 v46, v51;
	[tilespmem:s12+$0x142B0] =	vst v57;
	v19 =	vadd.f32 v19, v4;
	v0 =	vmul.f32 v0, v60  }
0x2b2: {  	v18 =	vmul.f32 v59, v63;
	[tilespmem:s12+$0x142E0] =	vst v1;
	v1 =	vmul.f32 v46, v52;
	v3 =	vadd.f32 v3, v11  }
0x2b3: {  	v16 =	vmul.f32 v46, v16;
	v2 =	vmul.f32 v2, v7;
	[tilespmem:s12+$0x14200] =	vst v19;
	v0 =	vadd.f32 v0, v13  }
0x2b4: {  	v18 =	vadd.f32 v18, v12;
	[tilespmem:s12+$0x14210] =	vst v3;
	v1 =	vmul.f32 v1, v8  }
0x2b5: {  	s28 =	sadd.s32 $0x1, s28;
	v2 =	vadd.f32 v2, v14;
	v3 =	vmul.f32 v17, v9;
	[tilespmem:s12+$0x14230] =	vst v0;
	v0 =	vmul.f32 v16, v5  }
0x2b6: {  	p0 =	sne.s32 s28, $0x64;
	[tilespmem:s12+$0x14220] =	vst v18;
	v1 =	vadd.f32 v1, v15  }
.Ltmp2:
0x2b7: {  	[tilespmem:s12+$0x14240] =	vst v2;
	v2 =	vadd.f32 v3, v10;
	v0 =	vadd.f32 v0, v6;
	(pc) =	sbr.rel @p0 .LBB2_2-.Ltmp2, $4  }
0x2b8: {  	s31 =	sadd.s32 s22, s17;
	[tilespmem:s12+$0x14250] =	vst v1  }
0x2b9: {  	s10 =	sshrl.u32 s31, $0x3;
	[tilespmem:s12+$0x14260] =	vst v2  }
0x2ba: {  	s10 =	sadd.s32 s5, s10;
	[tilespmem:s12+$0x14270] =	vst v0  }
0x2bb: {  	v1 =	vmov v5;
	[hbm4b:s10+s6] =	stream.linear.scatter [tilespmem:s4], [sflag:$0x6], $0x4000, $0x38;
	v0 =	vmov v6;
	[tilespmem:$0x18300] =	vst v63  }
0x2bc: {  	s10 =	simm.s32 $0x5  }
0x2bd: {  	_ =	swait.ge [sflag:s10], $0x4000  }
0x2be: {  	[sflag:s10] =	ssyncset.done $0x0  }
0x2bf: {  	[sflag:s10] =	ssyncadd.s32 $0xFFFFC000  }
0x2c0: {  	_ =	swait.ge [sflag:s21], $0x4000  }
0x2c1: {  	s11 =	rddreg [dreg:$0xb]  }
0x2c2: {  	s31 =	rddreg [dreg:$0xa];
	s11 =	sadd.s32 $0x1, s11  }
0x2c3: {  	p0 =	sne.s32 s11, s31  }
.Ltmp3:
0x2c4: {  	_ = 	snop;
	(pc) =	sbr.rel @p0 .LBB2_1-.Ltmp3, $3  }
0x2c5: {  	_ =	sdelay $0x1  }
0x2c6: {  	[sflag:s21] =	ssyncset.done $0x0  }
0x2c7: {  	[sflag:s21] =	ssyncadd.s32 $0xFFFFC000  }
0x2c8: {  	_ =	sfence.sel $0x180000  }
0x2c9: {  	[bflag:$0x0] =	sbarrier.arrive $0xFFFF  }
0x2ca: {  	_ =	strace $0x90000047  }
0x2cb: {  	s0 =	stileid.u32;
	[bflag:$0x2] =	sbarrier.arrive $0xFFFF  }
0x2cc: {  	p0 =	sne.s32 s0, $0x0;
	s0 =	rddreg [dreg:$0x5]  }
0x2cd: {  	s0 =	sadd.s32 @!p0 $0x100000, s0  }
0x2ce: {  	[sflag:s0] =	ssyncadd.tile.s32 @!p0 $0x1;
	_ =	shalt  }
.Lfunc_end2:
_tile_overlayer_lowered:
.L_overlay_start_2:
0x2cf: {  	(tag) =	ssettag $0x2  }
0x2d0: {  	s0 =	rddreg [dreg:$0x0];
	s2 =	stileid.u32  }
0x2d1: {  	s1 =	rddreg [dreg:$0x1];
	p0 =	sne.s32 s2, $0x0  }
0x2d2: {  	s3 =	rddreg [dreg:$0x2];
	[bflag:$0x3] =	sbarrier.arrive $0xFFFF;
	s2 =	simm.s32 @!p0 $0x1C07  }
0x2d3: {  	[timem:s3], [sflag:s2] =	dma.local @!p0 [hbm:s0], s1  }
0x2d4: {  	s0 =	simm.s32 @!p0 $0x7  }
0x2d5: {  	_ =	swait.ge @!p0 [sflag:s0], s1  }
0x2d6: {  	s1 =	ssub.s32 @!p0 $0x0, s1;
	[sflag:s0] =	ssyncset.done @!p0 $0x0  }
0x2d7: {  	[sflag:s0] =	ssyncadd.s32 @!p0 s1  }
0x2d8: {  	[bflag:$0x3] =	sbarrier.arrive $0xFFFF  }
0x2d9: {  	_ =	shalt  }

</sc_bundles>
